<compile_context>
chip_gen: v7x
topology: tpu7x:2x2x1
jax: 0.10.2.dev20260603
libtpu: 0.0.44.dev20260713+nightly
codegen_flags: <defaults>
</compile_context>

<pallas_src>
import functools

import jax
import jax.numpy as jnp
from jax import lax
from jax.experimental import pallas as pl
from jax.experimental.pallas import tpu as pltpu
from jax.experimental.pallas import tpu_sc as plsc

_D = 128
_FEW = 64
_NEIGH = 200
_NPAD = 208
_NSYM = 100000
_QROWS = 8192
_NW = 32
_QPW = _QROWS // _NW
_SEGS = 2 * _FEW
_SPW = _SEGS // _NW


def _sc_gather(qidx, sidx, table):
    mesh = plsc.VectorSubcoreMesh(core_axis_name="c", subcore_axis_name="s")

    @functools.partial(
        pl.kernel,
        out_type=(
            jax.ShapeDtypeStruct((_QROWS, _D), jnp.float32),
            jax.ShapeDtypeStruct((_SEGS, _D), jnp.float32),
        ),
        mesh=mesh,
        scratch_types=[
            pltpu.VMEM((_QPW,), jnp.int32),
            pltpu.VMEM((2 * 64, _D), jnp.float32),
            pltpu.VMEM((_SPW, _NPAD), jnp.int32),
            pltpu.VMEM((_SPW * _NPAD, _D), jnp.float32),
            pltpu.VMEM((_SPW, _D), jnp.float32),
            pltpu.SemaphoreType.DMA,
            pltpu.SemaphoreType.DMA,
            pltpu.SemaphoreType.DMA,
            pltpu.SemaphoreType.DMA,
            pltpu.SemaphoreType.DMA,
            pltpu.SemaphoreType.DMA,
        ],
    )
    def k(qidx_hbm, sidx_hbm, table_hbm, qrows_hbm, ssum_hbm,
          qidx_v, qrows_v, sidx_v, srows_v, acc_v, qsem, qosem, s0, s1, s2, s3):
        wid = lax.axis_index("s") * 2 + lax.axis_index("c")
        qbase = wid * _QPW
        sbase = wid * _SPW
        ssems = [s0, s1, s2, s3]
        pltpu.sync_copy(qidx_hbm.at[pl.ds(qbase, _QPW)], qidx_v)
        pltpu.sync_copy(sidx_hbm.at[pl.ds(sbase, _SPW)], sidx_v)

        s_cp = []
        for t in range(_SPW):
            base = t * _NPAD
            c0 = pltpu.async_copy(
                table_hbm.at[sidx_v.at[t, pl.ds(0, 128)]],
                srows_v.at[pl.ds(base, 128)], ssems[t])
            c1 = pltpu.async_copy(
                table_hbm.at[sidx_v.at[t, pl.ds(128, _NPAD - 128)]],
                srows_v.at[pl.ds(base + 128, _NPAD - 128)], ssems[t])
            s_cp.append((c0, c1))

        def q_fire(ch, slot):
            return pltpu.async_copy(
                table_hbm.at[qidx_v.at[pl.ds(ch * 64, 64)]],
                qrows_v.at[pl.ds(slot * 64, 64)], qsem)

        def q_flush(ch, slot):
            return pltpu.async_copy(
                qrows_v.at[pl.ds(slot * 64, 64)],
                qrows_hbm.at[pl.ds(qbase + ch * 64, 64)], qosem)

        q_cp = [q_fire(0, 0), q_fire(1, 1)]

        def accumulate(t):
            base = t * _NPAD

            def body(r, accs):
                new = accs
                for rr in range(4):
                    row = base + r * 4 + rr
                    new = tuple(a + srows_v[row, pl.ds(kk * 16, 16)]
                                for kk, a in enumerate(new))
                return new

            accs = lax.fori_loop(
                0, _NPAD // 4, body,
                tuple(jnp.zeros((16,), jnp.float32) for _ in range(_D // 16)))
            for kk in range(_D // 16):
                acc_v[t, pl.ds(kk * 16, 16)] = accs[kk]

        q_cp[0].wait()
        o0 = q_flush(0, 0)
        q_cp[1].wait()
        o1 = q_flush(1, 1)
        o0.wait()
        c2 = q_fire(2, 0)
        o1.wait()
        c3 = q_fire(3, 1)
        c2.wait()
        o2 = q_flush(2, 0)
        c3.wait()
        o3 = q_flush(3, 1)
        for t in range(_SPW):
            s_cp[t][0].wait()
            s_cp[t][1].wait()
            accumulate(t)
        pltpu.sync_copy(acc_v, ssum_hbm.at[pl.ds(sbase, _SPW)])
        o2.wait()
        o3.wait()

    return k(qidx, sidx, table)


_BLK = 4096


def _lstm_body(x0_ref, x1_ref, wih_ref, whh_ref, ssum_ref, gcn_ref, p1_ref,
               p2_ref, gcnb_ref, p1b_ref, p2b_ref, lna_ref, lnb_ref, bg_ref,
               out_ref):
    ssum = ssum_ref[:]
    cat = jnp.concatenate([ssum[:_FEW], ssum[_FEW:]], axis=1)
    out = lax.dot_general(cat, gcn_ref[:], (((1,), (1,)), ((), ())),
                          preferred_element_type=jnp.float32)
    out = out + gcnb_ref[:] * float(_NEIGH)
    support = jnp.tanh(out * (1.0 / _FEW))
    hs = lax.dot_general(support, p1_ref[:], (((1,), (1,)), ((), ())),
                         preferred_element_type=jnp.float32) + p1b_ref[:]
    hs = jnp.maximum(hs, 0.0)
    h2 = lax.dot_general(hs, p2_ref[:], (((1,), (1,)), ((), ())),
                         preferred_element_type=jnp.float32) + p2b_ref[:]
    z = h2 + support
    mu = jnp.mean(z, axis=1, keepdims=True)
    zc = z - mu
    sigma = jnp.sqrt(jnp.sum(zc * zc, axis=1, keepdims=True) / (_D - 1.0))
    sg = lna_ref[:] * zc / (sigma + 1e-3) + lnb_ref[:]
    msg = jnp.mean(sg, axis=0, keepdims=True)
    x = jnp.concatenate([x0_ref[:], x1_ref[:]], axis=0)
    xb = x.astype(jnp.bfloat16)
    wihb = wih_ref[:].astype(jnp.bfloat16)
    whhb = whh_ref[:].astype(jnp.bfloat16)
    sgb = sg.astype(jnp.bfloat16)
    gates_x = lax.dot_general(xb, wihb, (((1,), (1,)), ((), ())),
                              preferred_element_type=jnp.float32) + bg_ref[:]

    def attn(hq):
        logits = lax.dot_general(hq.astype(jnp.bfloat16), sgb,
                                 (((1,), (1,)), ((), ())),
                                 preferred_element_type=jnp.float32)
        m = jnp.max(logits, axis=1, keepdims=True)
        e = jnp.exp(logits - m)
        a = e / jnp.sum(e, axis=1, keepdims=True)
        r = lax.dot_general(a.astype(jnp.bfloat16), sgb,
                            (((1,), (0,)), ((), ())),
                            preferred_element_type=jnp.float32)
        return r

    g = gates_x
    c = jax.nn.sigmoid(g[:, 0:256]) * jnp.tanh(g[:, 512:768])
    h = jax.nn.sigmoid(g[:, 768:1024]) * jnp.tanh(c)
    hq = x + h[:, 0:_D]
    h_r = jnp.concatenate([hq, attn(hq)], axis=1)
    for step in range(1, 4):
        g = gates_x + lax.dot_general(h_r.astype(jnp.bfloat16), whhb,
                                      (((1,), (1,)), ((), ())),
                                      preferred_element_type=jnp.float32)
        c = (jax.nn.sigmoid(g[:, 256:512]) * c
             + jax.nn.sigmoid(g[:, 0:256]) * jnp.tanh(g[:, 512:768]))
        h = jax.nn.sigmoid(g[:, 768:1024]) * jnp.tanh(c)
        hq = x + h[:, 0:_D]
        if step < 3:
            h_r = jnp.concatenate([hq, attn(hq)], axis=1)
    hq_sum = hq[0:_BLK // 2] + hq[_BLK // 2:_BLK]
    out_ref[:] = 0.5 * lax.dot_general(msg, hq_sum,
                                       (((1,), (1,)), ((), ())),
                                       preferred_element_type=jnp.float32)


def _tc_lstm(qrows, W_ih, W_hh, ssum, gcn_w_w, proj1_w, proj2_w,
             gcn_b2, p1b2, p2b2, lna2, lnb2, bg2):
    nblk = _QROWS // _BLK
    half = _BLK // 2
    full = lambda i: (0, 0)
    return pl.pallas_call(
        _lstm_body,
        grid=(nblk,),
        in_specs=[
            pl.BlockSpec((half, _D), lambda i: (i, 0)),
            pl.BlockSpec((half, _D), lambda i: (i + _QROWS // 2 // (_BLK // 2), 0)),
            pl.BlockSpec((8 * _D, _D), full),
            pl.BlockSpec((8 * _D, 2 * _D), full),
            pl.BlockSpec((_SEGS, _D), full),
            pl.BlockSpec((_D, 2 * _D), full),
            pl.BlockSpec((2 * _D, _D), full),
            pl.BlockSpec((_D, 2 * _D), full),
            pl.BlockSpec((1, _D), full),
            pl.BlockSpec((1, 2 * _D), full),
            pl.BlockSpec((1, _D), full),
            pl.BlockSpec((1, _D), full),
            pl.BlockSpec((1, _D), full),
            pl.BlockSpec((1, 8 * _D), full),
        ],
        out_specs=pl.BlockSpec((1, half), lambda i: (0, i)),
        out_shape=jax.ShapeDtypeStruct((1, _QROWS // 2), jnp.float32),
    )(qrows, qrows, W_ih, W_hh, ssum, gcn_w_w, proj1_w, proj2_w,
      gcn_b2, p1b2, p2b2, lna2, lnb2, bg2)


def kernel(query_pairs, support_pairs, symbol_emb, gcn_w_w, gcn_w_b,
           proj1_w, proj1_b, proj2_w, proj2_b, ln_a, ln_b,
           W_ih, W_hh, b_ih, b_hh):
    qidx = jnp.concatenate(
        [query_pairs[:, 0], query_pairs[:, 1]]).astype(jnp.int32)
    rel = support_pairs[:, :, 0]
    ent = support_pairs[:, :, 1]
    sidx = jnp.concatenate([rel, ent], axis=0).astype(jnp.int32)
    sidx = jnp.pad(sidx, ((0, 0), (0, _NPAD - _NEIGH)),
                   constant_values=_NSYM)

    qrows, ssum = _sc_gather(qidx, sidx, symbol_emb)

    bg2 = (b_ih + b_hh).reshape(1, 8 * _D)
    s = _tc_lstm(
        qrows, W_ih, W_hh, ssum, gcn_w_w, proj1_w, proj2_w,
        gcn_w_b.reshape(1, _D), proj1_b.reshape(1, 2 * _D),
        proj2_b.reshape(1, _D), ln_a.reshape(1, _D), ln_b.reshape(1, _D),
        bg2)
    return s.reshape(_QROWS // 2)

# --- scband reference (transcript-rebuilt; emitter-appended) ---
"""Pipeline reference for scband-embed-matcher-27393301414159 (READ-ONLY COPY).

The authoritative reference and input builder live on the scoring server;
editing this copy changes nothing except your own understanding.
"""

import jax, jax.numpy as jnp
import numpy as np

EMBED_DIM = 128
NUM_SYMBOLS = 100000
BATCH = 4096
FEW = 64
NEIGH = 200
PROCESS_STEPS = 4


def setup_inputs(seed: int = 0) -> dict:
    key = jax.random.key(seed)
    ks = jax.random.split(key, 10)
    d = EMBED_DIM
    query_pairs = jax.random.randint(ks[0], (BATCH, 2), 0, NUM_SYMBOLS)
    support_pairs = jax.random.randint(ks[1], (FEW, NEIGH, 2), 0, NUM_SYMBOLS)
    symbol_emb = jax.random.normal(ks[2], (NUM_SYMBOLS + 1, d), dtype=jnp.float32) * 0.02
    symbol_emb = symbol_emb.at[NUM_SYMBOLS].set(0.0)  # padding_idx row
    gcn_w_w = jax.random.normal(ks[3], (d, 2 * d), dtype=jnp.float32) * (1.0 / np.sqrt(2 * d))
    gcn_w_b = jnp.zeros((d,), dtype=jnp.float32)
    proj1_w = jax.random.normal(ks[4], (2 * d, d), dtype=jnp.float32) * (1.0 / np.sqrt(d))
    proj1_b = jnp.zeros((2 * d,), dtype=jnp.float32)
    proj2_w = jax.random.normal(ks[5], (d, 2 * d), dtype=jnp.float32) * (1.0 / np.sqrt(2 * d))
    proj2_b = jnp.zeros((d,), dtype=jnp.float32)
    ln_a = jnp.ones((d,), dtype=jnp.float32)
    ln_b = jnp.zeros((d,), dtype=jnp.float32)
    W_ih = jax.random.normal(ks[6], (8 * d, d), dtype=jnp.float32) * (1.0 / np.sqrt(d))
    W_hh = jax.random.normal(ks[7], (8 * d, 2 * d), dtype=jnp.float32) * (1.0 / np.sqrt(2 * d))
    b_ih = jnp.zeros((8 * d,), dtype=jnp.float32)
    b_hh = jnp.zeros((8 * d,), dtype=jnp.float32)
    return {
        'query_pairs': query_pairs, 'support_pairs': support_pairs,
        'symbol_emb': symbol_emb, 'gcn_w_w': gcn_w_w, 'gcn_w_b': gcn_w_b,
        'proj1_w': proj1_w, 'proj1_b': proj1_b, 'proj2_w': proj2_w, 'proj2_b': proj2_b,
        'ln_a': ln_a, 'ln_b': ln_b, 'W_ih': W_ih, 'W_hh': W_hh, 'b_ih': b_ih, 'b_hh': b_hh,
    }


def _lstm_cell(x, h, c, W_ih, W_hh, b_ih, b_hh):
    gates = x @ W_ih.T + b_ih + h @ W_hh.T + b_hh
    i, f, g, o = jnp.split(gates, 4, axis=-1)
    i = jax.nn.sigmoid(i)
    f = jax.nn.sigmoid(f)
    g = jnp.tanh(g)
    o = jax.nn.sigmoid(o)
    c_new = f * c + i * g
    h_new = o * jnp.tanh(c_new)
    return h_new, c_new


def reference(query_pairs, support_pairs, symbol_emb, gcn_w_w, gcn_w_b,
              proj1_w, proj1_b, proj2_w, proj2_b, ln_a, ln_b,
              W_ih, W_hh, b_ih, b_hh):
    d = EMBED_DIM
    # ---- neighbor_encoder on support_pairs (few, 200, 2) ----
    rel_idx = support_pairs[:, :, 0]
    ent_idx = support_pairs[:, :, 1]
    rel_embeds = jnp.take(symbol_emb, rel_idx, axis=0)  # (few, 200, d) -- SparseCore gather
    ent_embeds = jnp.take(symbol_emb, ent_idx, axis=0)
    concat_embeds = jnp.concatenate([rel_embeds, ent_embeds], axis=-1)  # (few, 200, 2d)
    out = concat_embeds @ gcn_w_w.T + gcn_w_b  # (few, 200, d)
    out = jnp.sum(out, axis=1)  # (few, d)
    num_neighbors = support_pairs.shape[0]  # len(support_pairs) per torch forward
    support = jnp.tanh(out / num_neighbors)  # (few, d)
    # ---- SupportEncoder (FFN + residual + LayerNormalization, eval-mode dropout=id) ----
    residual = support
    h = jax.nn.relu(support @ proj1_w.T + proj1_b)
    h = h @ proj2_w.T + proj2_b
    z = h + residual
    mu = jnp.mean(z, axis=-1, keepdims=True)
    sigma = jnp.std(z, axis=-1, keepdims=True, ddof=1)
    support_g = ln_a * (z - mu) / (sigma + 1e-3) + ln_b  # (few, d)
    # ---- QueryEncoder: process-step LSTM attention over support ----
    query_embeds = jnp.take(symbol_emb, query_pairs, axis=0)  # (B, 2, d)
    B = query_embeds.shape[0]
    h_r = jnp.zeros((B, 2, 2 * d), dtype=jnp.float32)
    c = jnp.zeros((B, 2, 2 * d), dtype=jnp.float32)
    hq = query_embeds
    for _ in range(PROCESS_STEPS):
        h_r_, c = _lstm_cell(query_embeds, h_r, c, W_ih, W_hh, b_ih, b_hh)
        hq = query_embeds + h_r_[..., :d]
        attn = jax.nn.softmax(hq @ support_g.T, axis=-1)  # (B, 2, few)
        r = attn @ support_g  # (B, 2, d)
        h_r = jnp.concatenate([hq, r], axis=-1)
    mean_support_g = jnp.mean(support_g, axis=0)  # (d,)
    mean_query_g = jnp.mean(hq, axis=1)  # (B, d)
    matching_scores = mean_query_g @ mean_support_g  # (B,)
    return matching_scores


if False:  # reference __main__ guard neutralized (emitter)
    out = reference(**setup_inputs())
    print(out.shape, out.dtype)

if __name__ == "__main__":
    import jax
    _d = setup_inputs()
    print(jax.jit(kernel)(*tuple(_d.values())))

</pallas_src>

<mosaic_0001>
#map = affine_map<(d0, d1) -> (0)>
#map1 = affine_map<(d0, d1) -> (0, 0)>
module attributes {stable_mosaic.version = 14 : i64} {
  func.func @k(%arg0: i32, %arg1: i32, %arg2: memref<8192xi32, #tpu.memory_space<hbm>>, %arg3: memref<128x208xi32, #tpu.memory_space<hbm>>, %arg4: memref<100001x128xf32, #tpu.memory_space<hbm>>, %arg5: memref<8192x128xf32, #tpu.memory_space<hbm>>, %arg6: memref<128x128xf32, #tpu.memory_space<hbm>>, %arg7: memref<256xi32, #tpu.memory_space<vmem>>, %arg8: memref<128x128xf32, #tpu.memory_space<vmem>>, %arg9: memref<4x208xi32, #tpu.memory_space<vmem>>, %arg10: memref<832x128xf32, #tpu.memory_space<vmem>>, %arg11: memref<4x128xf32, #tpu.memory_space<vmem>>, %arg12: memref<!tpu.dma_semaphore, #tpu.memory_space<semaphore_mem>>, %arg13: memref<!tpu.dma_semaphore, #tpu.memory_space<semaphore_mem>>, %arg14: memref<!tpu.dma_semaphore, #tpu.memory_space<semaphore_mem>>, %arg15: memref<!tpu.dma_semaphore, #tpu.memory_space<semaphore_mem>>, %arg16: memref<!tpu.dma_semaphore, #tpu.memory_space<semaphore_mem>>, %arg17: memref<!tpu.dma_semaphore, #tpu.memory_space<semaphore_mem>>) attributes {dimension_semantics = [#tpu.dimension_semantics<core_parallel>, #tpu.dimension_semantics<subcore_parallel>], iteration_bounds = array<i64: 2, 16>, scalar_prefetch = 0 : i64, scratch_operands = 11 : i64, tpu.core_type = #tpu.core_type<sc_vector_subcore>, window_params = [{transform_indices = #map}, {transform_indices = #map1}, {transform_indices = #map1}, {transform_indices = #map1}, {transform_indices = #map1}]} {
    %mul3A = arith.constant 2 : i32
    %mul3A_0 = arith.muli %arg1, %mul3A : i32
    %add3A = arith.addi %mul3A_0, %arg0 : i32
    %mul3A_1 = arith.constant 256 : i32
    %mul3A_2 = arith.muli %add3A, %mul3A_1 : i32
    %mul3A_3 = arith.constant 4 : i32
    %mul3A_4 = arith.muli %add3A, %mul3A_3 : i32
    "tpu.region"() ({
      %run_scoped3A = tpu.sem_alloc : memref<!tpu.dma_semaphore, #tpu.memory_space<semaphore_mem>>
      %dma_start3A_592 = tpu.memref_slice %arg2[%mul3A_2] : memref<8192xi32, #tpu.memory_space<hbm>> -> memref<256xi32, #tpu.memory_space<hbm>>
      %dma_start3A_593 = tpu.memref_slice %arg2[%mul3A_2] : memref<8192xi32, #tpu.memory_space<hbm>> -> memref<256xi32, #tpu.memory_space<hbm>>
      tpu.enqueue_dma source(%dma_start3A_593 : memref<256xi32, #tpu.memory_space<hbm>>) target(%arg7 : memref<256xi32, #tpu.memory_space<vmem>>) target_semaphore(%run_scoped3A : memref<!tpu.dma_semaphore, #tpu.memory_space<semaphore_mem>>)
      %dma_wait3A_594 = tpu.memref_slice %arg2[%mul3A_2] : memref<8192xi32, #tpu.memory_space<hbm>> -> memref<256xi32, #tpu.memory_space<hbm>>
      %dma_wait3A_595 = tpu.memref_slice %arg2[%mul3A_2] : memref<8192xi32, #tpu.memory_space<hbm>> -> memref<256xi32, #tpu.memory_space<hbm>>
      tpu.wait_dma2 semaphore(%run_scoped3A : memref<!tpu.dma_semaphore, #tpu.memory_space<semaphore_mem>>) src(%dma_wait3A_595 : memref<256xi32, #tpu.memory_space<hbm>>) dst(%arg7 : memref<256xi32, #tpu.memory_space<vmem>>)
      tpu.yield
    }) : () -> ()
    "tpu.region"() ({
      %run_scoped3A = tpu.sem_alloc : memref<!tpu.dma_semaphore, #tpu.memory_space<semaphore_mem>>
      %dma_start3A_592 = arith.constant 0 : i32
      %dma_start3A_593 = tpu.memref_slice %arg3[%mul3A_4, %dma_start3A_592] : memref<128x208xi32, #tpu.memory_space<hbm>> -> memref<4x208xi32, #tpu.memory_space<hbm>>
      %dma_start3A_594 = arith.constant 0 : i32
      %dma_start3A_595 = tpu.memref_slice %arg3[%mul3A_4, %dma_start3A_594] : memref<128x208xi32, #tpu.memory_space<hbm>> -> memref<4x208xi32, #tpu.memory_space<hbm>>
      tpu.enqueue_dma source(%dma_start3A_595 : memref<4x208xi32, #tpu.memory_space<hbm>>) target(%arg9 : memref<4x208xi32, #tpu.memory_space<vmem>>) target_semaphore(%run_scoped3A : memref<!tpu.dma_semaphore, #tpu.memory_space<semaphore_mem>>)
      %dma_wait3A_596 = arith.constant 0 : i32
      %dma_wait3A_597 = tpu.memref_slice %arg3[%mul3A_4, %dma_wait3A_596] : memref<128x208xi32, #tpu.memory_space<hbm>> -> memref<4x208xi32, #tpu.memory_space<hbm>>
      %dma_wait3A_598 = arith.constant 0 : i32
      %dma_wait3A_599 = tpu.memref_slice %arg3[%mul3A_4, %dma_wait3A_598] : memref<128x208xi32, #tpu.memory_space<hbm>> -> memref<4x208xi32, #tpu.memory_space<hbm>>
      tpu.wait_dma2 semaphore(%run_scoped3A : memref<!tpu.dma_semaphore, #tpu.memory_space<semaphore_mem>>) src(%dma_wait3A_599 : memref<4x208xi32, #tpu.memory_space<hbm>>) dst(%arg9 : memref<4x208xi32, #tpu.memory_space<vmem>>)
      tpu.yield
    }) : () -> ()
    %dma_start3A = arith.constant 0 : i32
    %dma_start3A_5 = arith.constant 0 : i32
    %dma_start3A_6 = arith.constant 0 : i32
    %dma_start3A_7 = tpu.memref_slice %arg10[%dma_start3A_5, %dma_start3A_6] : memref<832x128xf32, #tpu.memory_space<vmem>> -> memref<128x128xf32, #tpu.memory_space<vmem>>
    %dma_start3A_8 = arith.constant 0 : i32
    %dma_start3A_9 = tpu.memref_slice %arg9[%dma_start3A, %dma_start3A_8] : memref<4x208xi32, #tpu.memory_space<vmem>> -> memref<1x128xi32, #tpu.memory_space<vmem>>
    %dma_start3A_10 = tpu.memref_squeeze %dma_start3A_9 : memref<1x128xi32, #tpu.memory_space<vmem>> -> memref<128xi32, #tpu.memory_space<vmem>>
    %dma_start3A_11 = arith.constant 0 : i32
    %dma_start3A_12 = arith.constant 0 : i32
    %dma_start3A_13 = tpu.memref_slice %arg4[%dma_start3A_11, %dma_start3A_12] : memref<100001x128xf32, #tpu.memory_space<hbm>> -> memref<100001x128xf32, #tpu.memory_space<hbm>>
    tpu.enqueue_indirect_dma source(%dma_start3A_13 : memref<100001x128xf32, #tpu.memory_space<hbm>>) target(%dma_start3A_7 : memref<128x128xf32, #tpu.memory_space<vmem>>) offsets(%dma_start3A_10 : memref<128xi32, #tpu.memory_space<vmem>>) semaphore(%arg14 : memref<!tpu.dma_semaphore, #tpu.memory_space<semaphore_mem>>)
    %dma_start3A_14 = arith.constant 0 : i32
    %dma_start3A_15 = arith.constant 128 : i32
    %dma_start3A_16 = arith.constant 0 : i32
    %dma_start3A_17 = tpu.memref_slice %arg10[%dma_start3A_15, %dma_start3A_16] : memref<832x128xf32, #tpu.memory_space<vmem>> -> memref<80x128xf32, #tpu.memory_space<vmem>>
    %dma_start3A_18 = arith.constant 128 : i32
    %dma_start3A_19 = tpu.memref_slice %arg9[%dma_start3A_14, %dma_start3A_18] : memref<4x208xi32, #tpu.memory_space<vmem>> -> memref<1x80xi32, #tpu.memory_space<vmem>>
    %dma_start3A_20 = tpu.memref_squeeze %dma_start3A_19 : memref<1x80xi32, #tpu.memory_space<vmem>> -> memref<80xi32, #tpu.memory_space<vmem>>
    %dma_start3A_21 = arith.constant 0 : i32
    %dma_start3A_22 = arith.constant 0 : i32
    %dma_start3A_23 = tpu.memref_slice %arg4[%dma_start3A_21, %dma_start3A_22] : memref<100001x128xf32, #tpu.memory_space<hbm>> -> memref<100001x128xf32, #tpu.memory_space<hbm>>
    tpu.enqueue_indirect_dma source(%dma_start3A_23 : memref<100001x128xf32, #tpu.memory_space<hbm>>) target(%dma_start3A_17 : memref<80x128xf32, #tpu.memory_space<vmem>>) offsets(%dma_start3A_20 : memref<80xi32, #tpu.memory_space<vmem>>) semaphore(%arg14 : memref<!tpu.dma_semaphore, #tpu.memory_space<semaphore_mem>>)
    %dma_start3A_24 = arith.constant 1 : i32
    %dma_start3A_25 = arith.constant 208 : i32
    %dma_start3A_26 = arith.constant 0 : i32
    %dma_start3A_27 = tpu.memref_slice %arg10[%dma_start3A_25, %dma_start3A_26] : memref<832x128xf32, #tpu.memory_space<vmem>> -> memref<128x128xf32, #tpu.memory_space<vmem>>
    %dma_start3A_28 = arith.constant 0 : i32
    %dma_start3A_29 = tpu.memref_slice %arg9[%dma_start3A_24, %dma_start3A_28] : memref<4x208xi32, #tpu.memory_space<vmem>> -> memref<1x128xi32, #tpu.memory_space<vmem>>
    %dma_start3A_30 = tpu.memref_squeeze %dma_start3A_29 : memref<1x128xi32, #tpu.memory_space<vmem>> -> memref<128xi32, #tpu.memory_space<vmem>>
    %dma_start3A_31 = arith.constant 0 : i32
    %dma_start3A_32 = arith.constant 0 : i32
    %dma_start3A_33 = tpu.memref_slice %arg4[%dma_start3A_31, %dma_start3A_32] : memref<100001x128xf32, #tpu.memory_space<hbm>> -> memref<100001x128xf32, #tpu.memory_space<hbm>>
    tpu.enqueue_indirect_dma source(%dma_start3A_33 : memref<100001x128xf32, #tpu.memory_space<hbm>>) target(%dma_start3A_27 : memref<128x128xf32, #tpu.memory_space<vmem>>) offsets(%dma_start3A_30 : memref<128xi32, #tpu.memory_space<vmem>>) semaphore(%arg15 : memref<!tpu.dma_semaphore, #tpu.memory_space<semaphore_mem>>)
    %dma_start3A_34 = arith.constant 1 : i32
    %dma_start3A_35 = arith.constant 336 : i32
    %dma_start3A_36 = arith.constant 0 : i32
    %dma_start3A_37 = tpu.memref_slice %arg10[%dma_start3A_35, %dma_start3A_36] : memref<832x128xf32, #tpu.memory_space<vmem>> -> memref<80x128xf32, #tpu.memory_space<vmem>>
    %dma_start3A_38 = arith.constant 128 : i32
    %dma_start3A_39 = tpu.memref_slice %arg9[%dma_start3A_34, %dma_start3A_38] : memref<4x208xi32, #tpu.memory_space<vmem>> -> memref<1x80xi32, #tpu.memory_space<vmem>>
    %dma_start3A_40 = tpu.memref_squeeze %dma_start3A_39 : memref<1x80xi32, #tpu.memory_space<vmem>> -> memref<80xi32, #tpu.memory_space<vmem>>
    %dma_start3A_41 = arith.constant 0 : i32
    %dma_start3A_42 = arith.constant 0 : i32
    %dma_start3A_43 = tpu.memref_slice %arg4[%dma_start3A_41, %dma_start3A_42] : memref<100001x128xf32, #tpu.memory_space<hbm>> -> memref<100001x128xf32, #tpu.memory_space<hbm>>
    tpu.enqueue_indirect_dma source(%dma_start3A_43 : memref<100001x128xf32, #tpu.memory_space<hbm>>) target(%dma_start3A_37 : memref<80x128xf32, #tpu.memory_space<vmem>>) offsets(%dma_start3A_40 : memref<80xi32, #tpu.memory_space<vmem>>) semaphore(%arg15 : memref<!tpu.dma_semaphore, #tpu.memory_space<semaphore_mem>>)
    %dma_start3A_44 = arith.constant 2 : i32
    %dma_start3A_45 = arith.constant 416 : i32
    %dma_start3A_46 = arith.constant 0 : i32
    %dma_start3A_47 = tpu.memref_slice %arg10[%dma_start3A_45, %dma_start3A_46] : memref<832x128xf32, #tpu.memory_space<vmem>> -> memref<128x128xf32, #tpu.memory_space<vmem>>
    %dma_start3A_48 = arith.constant 0 : i32
    %dma_start3A_49 = tpu.memref_slice %arg9[%dma_start3A_44, %dma_start3A_48] : memref<4x208xi32, #tpu.memory_space<vmem>> -> memref<1x128xi32, #tpu.memory_space<vmem>>
    %dma_start3A_50 = tpu.memref_squeeze %dma_start3A_49 : memref<1x128xi32, #tpu.memory_space<vmem>> -> memref<128xi32, #tpu.memory_space<vmem>>
    %dma_start3A_51 = arith.constant 0 : i32
    %dma_start3A_52 = arith.constant 0 : i32
    %dma_start3A_53 = tpu.memref_slice %arg4[%dma_start3A_51, %dma_start3A_52] : memref<100001x128xf32, #tpu.memory_space<hbm>> -> memref<100001x128xf32, #tpu.memory_space<hbm>>
    tpu.enqueue_indirect_dma source(%dma_start3A_53 : memref<100001x128xf32, #tpu.memory_space<hbm>>) target(%dma_start3A_47 : memref<128x128xf32, #tpu.memory_space<vmem>>) offsets(%dma_start3A_50 : memref<128xi32, #tpu.memory_space<vmem>>) semaphore(%arg16 : memref<!tpu.dma_semaphore, #tpu.memory_space<semaphore_mem>>)
    %dma_start3A_54 = arith.constant 2 : i32
    %dma_start3A_55 = arith.constant 544 : i32
    %dma_start3A_56 = arith.constant 0 : i32
    %dma_start3A_57 = tpu.memref_slice %arg10[%dma_start3A_55, %dma_start3A_56] : memref<832x128xf32, #tpu.memory_space<vmem>> -> memref<80x128xf32, #tpu.memory_space<vmem>>
    %dma_start3A_58 = arith.constant 128 : i32
    %dma_start3A_59 = tpu.memref_slice %arg9[%dma_start3A_54, %dma_start3A_58] : memref<4x208xi32, #tpu.memory_space<vmem>> -> memref<1x80xi32, #tpu.memory_space<vmem>>
    %dma_start3A_60 = tpu.memref_squeeze %dma_start3A_59 : memref<1x80xi32, #tpu.memory_space<vmem>> -> memref<80xi32, #tpu.memory_space<vmem>>
    %dma_start3A_61 = arith.constant 0 : i32
    %dma_start3A_62 = arith.constant 0 : i32
    %dma_start3A_63 = tpu.memref_slice %arg4[%dma_start3A_61, %dma_start3A_62] : memref<100001x128xf32, #tpu.memory_space<hbm>> -> memref<100001x128xf32, #tpu.memory_space<hbm>>
    tpu.enqueue_indirect_dma source(%dma_start3A_63 : memref<100001x128xf32, #tpu.memory_space<hbm>>) target(%dma_start3A_57 : memref<80x128xf32, #tpu.memory_space<vmem>>) offsets(%dma_start3A_60 : memref<80xi32, #tpu.memory_space<vmem>>) semaphore(%arg16 : memref<!tpu.dma_semaphore, #tpu.memory_space<semaphore_mem>>)
    %dma_start3A_64 = arith.constant 3 : i32
    %dma_start3A_65 = arith.constant 624 : i32
    %dma_start3A_66 = arith.constant 0 : i32
    %dma_start3A_67 = tpu.memref_slice %arg10[%dma_start3A_65, %dma_start3A_66] : memref<832x128xf32, #tpu.memory_space<vmem>> -> memref<128x128xf32, #tpu.memory_space<vmem>>
    %dma_start3A_68 = arith.constant 0 : i32
    %dma_start3A_69 = tpu.memref_slice %arg9[%dma_start3A_64, %dma_start3A_68] : memref<4x208xi32, #tpu.memory_space<vmem>> -> memref<1x128xi32, #tpu.memory_space<vmem>>
    %dma_start3A_70 = tpu.memref_squeeze %dma_start3A_69 : memref<1x128xi32, #tpu.memory_space<vmem>> -> memref<128xi32, #tpu.memory_space<vmem>>
    %dma_start3A_71 = arith.constant 0 : i32
    %dma_start3A_72 = arith.constant 0 : i32
    %dma_start3A_73 = tpu.memref_slice %arg4[%dma_start3A_71, %dma_start3A_72] : memref<100001x128xf32, #tpu.memory_space<hbm>> -> memref<100001x128xf32, #tpu.memory_space<hbm>>
    tpu.enqueue_indirect_dma source(%dma_start3A_73 : memref<100001x128xf32, #tpu.memory_space<hbm>>) target(%dma_start3A_67 : memref<128x128xf32, #tpu.memory_space<vmem>>) offsets(%dma_start3A_70 : memref<128xi32, #tpu.memory_space<vmem>>) semaphore(%arg17 : memref<!tpu.dma_semaphore, #tpu.memory_space<semaphore_mem>>)
    %dma_start3A_74 = arith.constant 3 : i32
    %dma_start3A_75 = arith.constant 752 : i32
    %dma_start3A_76 = arith.constant 0 : i32
    %dma_start3A_77 = tpu.memref_slice %arg10[%dma_start3A_75, %dma_start3A_76] : memref<832x128xf32, #tpu.memory_space<vmem>> -> memref<80x128xf32, #tpu.memory_space<vmem>>
    %dma_start3A_78 = arith.constant 128 : i32
    %dma_start3A_79 = tpu.memref_slice %arg9[%dma_start3A_74, %dma_start3A_78] : memref<4x208xi32, #tpu.memory_space<vmem>> -> memref<1x80xi32, #tpu.memory_space<vmem>>
    %dma_start3A_80 = tpu.memref_squeeze %dma_start3A_79 : memref<1x80xi32, #tpu.memory_space<vmem>> -> memref<80xi32, #tpu.memory_space<vmem>>
    %dma_start3A_81 = arith.constant 0 : i32
    %dma_start3A_82 = arith.constant 0 : i32
    %dma_start3A_83 = tpu.memref_slice %arg4[%dma_start3A_81, %dma_start3A_82] : memref<100001x128xf32, #tpu.memory_space<hbm>> -> memref<100001x128xf32, #tpu.memory_space<hbm>>
    tpu.enqueue_indirect_dma source(%dma_start3A_83 : memref<100001x128xf32, #tpu.memory_space<hbm>>) target(%dma_start3A_77 : memref<80x128xf32, #tpu.memory_space<vmem>>) offsets(%dma_start3A_80 : memref<80xi32, #tpu.memory_space<vmem>>) semaphore(%arg17 : memref<!tpu.dma_semaphore, #tpu.memory_space<semaphore_mem>>)
    %dma_start3A_84 = arith.constant 0 : i32
    %dma_start3A_85 = arith.constant 0 : i32
    %dma_start3A_86 = tpu.memref_slice %arg8[%dma_start3A_84, %dma_start3A_85] : memref<128x128xf32, #tpu.memory_space<vmem>> -> memref<64x128xf32, #tpu.memory_space<vmem>>
    %dma_start3A_87 = arith.constant 0 : i32
    %dma_start3A_88 = tpu.memref_slice %arg7[%dma_start3A_87] : memref<256xi32, #tpu.memory_space<vmem>> -> memref<64xi32, #tpu.memory_space<vmem>>
    %dma_start3A_89 = arith.constant 0 : i32
    %dma_start3A_90 = arith.constant 0 : i32
    %dma_start3A_91 = tpu.memref_slice %arg4[%dma_start3A_89, %dma_start3A_90] : memref<100001x128xf32, #tpu.memory_space<hbm>> -> memref<100001x128xf32, #tpu.memory_space<hbm>>
    tpu.enqueue_indirect_dma source(%dma_start3A_91 : memref<100001x128xf32, #tpu.memory_space<hbm>>) target(%dma_start3A_86 : memref<64x128xf32, #tpu.memory_space<vmem>>) offsets(%dma_start3A_88 : memref<64xi32, #tpu.memory_space<vmem>>) semaphore(%arg12 : memref<!tpu.dma_semaphore, #tpu.memory_space<semaphore_mem>>)
    %dma_start3A_92 = arith.constant 64 : i32
    %dma_start3A_93 = arith.constant 0 : i32
    %dma_start3A_94 = tpu.memref_slice %arg8[%dma_start3A_92, %dma_start3A_93] : memref<128x128xf32, #tpu.memory_space<vmem>> -> memref<64x128xf32, #tpu.memory_space<vmem>>
    %dma_start3A_95 = arith.constant 64 : i32
    %dma_start3A_96 = tpu.memref_slice %arg7[%dma_start3A_95] : memref<256xi32, #tpu.memory_space<vmem>> -> memref<64xi32, #tpu.memory_space<vmem>>
    %dma_start3A_97 = arith.constant 0 : i32
    %dma_start3A_98 = arith.constant 0 : i32
    %dma_start3A_99 = tpu.memref_slice %arg4[%dma_start3A_97, %dma_start3A_98] : memref<100001x128xf32, #tpu.memory_space<hbm>> -> memref<100001x128xf32, #tpu.memory_space<hbm>>
    tpu.enqueue_indirect_dma source(%dma_start3A_99 : memref<100001x128xf32, #tpu.memory_space<hbm>>) target(%dma_start3A_94 : memref<64x128xf32, #tpu.memory_space<vmem>>) offsets(%dma_start3A_96 : memref<64xi32, #tpu.memory_space<vmem>>) semaphore(%arg12 : memref<!tpu.dma_semaphore, #tpu.memory_space<semaphore_mem>>)
    %dma_wait3A = arith.constant 0 : i32
    %dma_wait3A_100 = arith.constant 0 : i32
    %dma_wait3A_101 = tpu.memref_slice %arg8[%dma_wait3A, %dma_wait3A_100] : memref<128x128xf32, #tpu.memory_space<vmem>> -> memref<64x128xf32, #tpu.memory_space<vmem>>
    %dma_wait3A_102 = arith.constant 0 : i32
    %dma_wait3A_103 = tpu.memref_slice %arg7[%dma_wait3A_102] : memref<256xi32, #tpu.memory_space<vmem>> -> memref<64xi32, #tpu.memory_space<vmem>>
    %dma_wait3A_104 = arith.constant 0 : i32
    %dma_wait3A_105 = arith.constant 0 : i32
    %dma_wait3A_106 = tpu.memref_slice %arg4[%dma_wait3A_104, %dma_wait3A_105] : memref<100001x128xf32, #tpu.memory_space<hbm>> -> memref<100001x128xf32, #tpu.memory_space<hbm>>
    tpu.wait_indirect_dma semaphore(%arg12 : memref<!tpu.dma_semaphore, #tpu.memory_space<semaphore_mem>>) src(%dma_wait3A_106 : memref<100001x128xf32, #tpu.memory_space<hbm>>) dst(%dma_wait3A_101 : memref<64x128xf32, #tpu.memory_space<vmem>>)
    %add3A_107 = arith.constant 0 : i32
    %add3A_108 = arith.addi %mul3A_2, %add3A_107 : i32
    %dma_start3A_109 = arith.constant 0 : i32
    %dma_start3A_110 = arith.constant 0 : i32
    %dma_start3A_111 = tpu.memref_slice %arg8[%dma_start3A_109, %dma_start3A_110] : memref<128x128xf32, #tpu.memory_space<vmem>> -> memref<64x128xf32, #tpu.memory_space<vmem>>
    %dma_start3A_112 = arith.constant 0 : i32
    %dma_start3A_113 = tpu.memref_slice %arg5[%add3A_108, %dma_start3A_112] : memref<8192x128xf32, #tpu.memory_space<hbm>> -> memref<64x128xf32, #tpu.memory_space<hbm>>
    %dma_start3A_114 = arith.constant 0 : i32
    %dma_start3A_115 = tpu.memref_slice %arg5[%add3A_108, %dma_start3A_114] : memref<8192x128xf32, #tpu.memory_space<hbm>> -> memref<64x128xf32, #tpu.memory_space<hbm>>
    %dma_start3A_116 = arith.constant 0 : i32
    %dma_start3A_117 = arith.constant 0 : i32
    %dma_start3A_118 = tpu.memref_slice %arg8[%dma_start3A_116, %dma_start3A_117] : memref<128x128xf32, #tpu.memory_space<vmem>> -> memref<64x128xf32, #tpu.memory_space<vmem>>
    tpu.enqueue_dma source(%dma_start3A_118 : memref<64x128xf32, #tpu.memory_space<vmem>>) target(%dma_start3A_115 : memref<64x128xf32, #tpu.memory_space<hbm>>) target_semaphore(%arg13 : memref<!tpu.dma_semaphore, #tpu.memory_space<semaphore_mem>>)
    %dma_wait3A_119 = arith.constant 64 : i32
    %dma_wait3A_120 = arith.constant 0 : i32
    %dma_wait3A_121 = tpu.memref_slice %arg8[%dma_wait3A_119, %dma_wait3A_120] : memref<128x128xf32, #tpu.memory_space<vmem>> -> memref<64x128xf32, #tpu.memory_space<vmem>>
    %dma_wait3A_122 = arith.constant 64 : i32
    %dma_wait3A_123 = tpu.memref_slice %arg7[%dma_wait3A_122] : memref<256xi32, #tpu.memory_space<vmem>> -> memref<64xi32, #tpu.memory_space<vmem>>
    %dma_wait3A_124 = arith.constant 0 : i32
    %dma_wait3A_125 = arith.constant 0 : i32
    %dma_wait3A_126 = tpu.memref_slice %arg4[%dma_wait3A_124, %dma_wait3A_125] : memref<100001x128xf32, #tpu.memory_space<hbm>> -> memref<100001x128xf32, #tpu.memory_space<hbm>>
    tpu.wait_indirect_dma semaphore(%arg12 : memref<!tpu.dma_semaphore, #tpu.memory_space<semaphore_mem>>) src(%dma_wait3A_126 : memref<100001x128xf32, #tpu.memory_space<hbm>>) dst(%dma_wait3A_121 : memref<64x128xf32, #tpu.memory_space<vmem>>)
    %add3A_127 = arith.constant 64 : i32
    %add3A_128 = arith.addi %mul3A_2, %add3A_127 : i32
    %dma_start3A_129 = arith.constant 64 : i32
    %dma_start3A_130 = arith.constant 0 : i32
    %dma_start3A_131 = tpu.memref_slice %arg8[%dma_start3A_129, %dma_start3A_130] : memref<128x128xf32, #tpu.memory_space<vmem>> -> memref<64x128xf32, #tpu.memory_space<vmem>>
    %dma_start3A_132 = arith.constant 0 : i32
    %dma_start3A_133 = tpu.memref_slice %arg5[%add3A_128, %dma_start3A_132] : memref<8192x128xf32, #tpu.memory_space<hbm>> -> memref<64x128xf32, #tpu.memory_space<hbm>>
    %dma_start3A_134 = arith.constant 0 : i32
    %dma_start3A_135 = tpu.memref_slice %arg5[%add3A_128, %dma_start3A_134] : memref<8192x128xf32, #tpu.memory_space<hbm>> -> memref<64x128xf32, #tpu.memory_space<hbm>>
    %dma_start3A_136 = arith.constant 64 : i32
    %dma_start3A_137 = arith.constant 0 : i32
    %dma_start3A_138 = tpu.memref_slice %arg8[%dma_start3A_136, %dma_start3A_137] : memref<128x128xf32, #tpu.memory_space<vmem>> -> memref<64x128xf32, #tpu.memory_space<vmem>>
    tpu.enqueue_dma source(%dma_start3A_138 : memref<64x128xf32, #tpu.memory_space<vmem>>) target(%dma_start3A_135 : memref<64x128xf32, #tpu.memory_space<hbm>>) target_semaphore(%arg13 : memref<!tpu.dma_semaphore, #tpu.memory_space<semaphore_mem>>)
    %dma_wait3A_139 = arith.constant 0 : i32
    %dma_wait3A_140 = arith.constant 0 : i32
    %dma_wait3A_141 = tpu.memref_slice %arg8[%dma_wait3A_139, %dma_wait3A_140] : memref<128x128xf32, #tpu.memory_space<vmem>> -> memref<64x128xf32, #tpu.memory_space<vmem>>
    %dma_wait3A_142 = arith.constant 0 : i32
    %dma_wait3A_143 = tpu.memref_slice %arg5[%add3A_108, %dma_wait3A_142] : memref<8192x128xf32, #tpu.memory_space<hbm>> -> memref<64x128xf32, #tpu.memory_space<hbm>>
    %dma_wait3A_144 = arith.constant 0 : i32
    %dma_wait3A_145 = tpu.memref_slice %arg5[%add3A_108, %dma_wait3A_144] : memref<8192x128xf32, #tpu.memory_space<hbm>> -> memref<64x128xf32, #tpu.memory_space<hbm>>
    %dma_wait3A_146 = arith.constant 0 : i32
    %dma_wait3A_147 = arith.constant 0 : i32
    %dma_wait3A_148 = tpu.memref_slice %arg8[%dma_wait3A_146, %dma_wait3A_147] : memref<128x128xf32, #tpu.memory_space<vmem>> -> memref<64x128xf32, #tpu.memory_space<vmem>>
    tpu.wait_dma2 semaphore(%arg13 : memref<!tpu.dma_semaphore, #tpu.memory_space<semaphore_mem>>) src(%dma_wait3A_148 : memref<64x128xf32, #tpu.memory_space<vmem>>) dst(%dma_wait3A_145 : memref<64x128xf32, #tpu.memory_space<hbm>>)
    %dma_start3A_149 = arith.constant 0 : i32
    %dma_start3A_150 = arith.constant 0 : i32
    %dma_start3A_151 = tpu.memref_slice %arg8[%dma_start3A_149, %dma_start3A_150] : memref<128x128xf32, #tpu.memory_space<vmem>> -> memref<64x128xf32, #tpu.memory_space<vmem>>
    %dma_start3A_152 = arith.constant 128 : i32
    %dma_start3A_153 = tpu.memref_slice %arg7[%dma_start3A_152] : memref<256xi32, #tpu.memory_space<vmem>> -> memref<64xi32, #tpu.memory_space<vmem>>
    %dma_start3A_154 = arith.constant 0 : i32
    %dma_start3A_155 = arith.constant 0 : i32
    %dma_start3A_156 = tpu.memref_slice %arg4[%dma_start3A_154, %dma_start3A_155] : memref<100001x128xf32, #tpu.memory_space<hbm>> -> memref<100001x128xf32, #tpu.memory_space<hbm>>
    tpu.enqueue_indirect_dma source(%dma_start3A_156 : memref<100001x128xf32, #tpu.memory_space<hbm>>) target(%dma_start3A_151 : memref<64x128xf32, #tpu.memory_space<vmem>>) offsets(%dma_start3A_153 : memref<64xi32, #tpu.memory_space<vmem>>) semaphore(%arg12 : memref<!tpu.dma_semaphore, #tpu.memory_space<semaphore_mem>>)
    %dma_wait3A_157 = arith.constant 64 : i32
    %dma_wait3A_158 = arith.constant 0 : i32
    %dma_wait3A_159 = tpu.memref_slice %arg8[%dma_wait3A_157, %dma_wait3A_158] : memref<128x128xf32, #tpu.memory_space<vmem>> -> memref<64x128xf32, #tpu.memory_space<vmem>>
    %dma_wait3A_160 = arith.constant 0 : i32
    %dma_wait3A_161 = tpu.memref_slice %arg5[%add3A_128, %dma_wait3A_160] : memref<8192x128xf32, #tpu.memory_space<hbm>> -> memref<64x128xf32, #tpu.memory_space<hbm>>
    %dma_wait3A_162 = arith.constant 0 : i32
    %dma_wait3A_163 = tpu.memref_slice %arg5[%add3A_128, %dma_wait3A_162] : memref<8192x128xf32, #tpu.memory_space<hbm>> -> memref<64x128xf32, #tpu.memory_space<hbm>>
    %dma_wait3A_164 = arith.constant 64 : i32
    %dma_wait3A_165 = arith.constant 0 : i32
    %dma_wait3A_166 = tpu.memref_slice %arg8[%dma_wait3A_164, %dma_wait3A_165] : memref<128x128xf32, #tpu.memory_space<vmem>> -> memref<64x128xf32, #tpu.memory_space<vmem>>
    tpu.wait_dma2 semaphore(%arg13 : memref<!tpu.dma_semaphore, #tpu.memory_space<semaphore_mem>>) src(%dma_wait3A_166 : memref<64x128xf32, #tpu.memory_space<vmem>>) dst(%dma_wait3A_163 : memref<64x128xf32, #tpu.memory_space<hbm>>)
    %dma_start3A_167 = arith.constant 64 : i32
    %dma_start3A_168 = arith.constant 0 : i32
    %dma_start3A_169 = tpu.memref_slice %arg8[%dma_start3A_167, %dma_start3A_168] : memref<128x128xf32, #tpu.memory_space<vmem>> -> memref<64x128xf32, #tpu.memory_space<vmem>>
    %dma_start3A_170 = arith.constant 192 : i32
    %dma_start3A_171 = tpu.memref_slice %arg7[%dma_start3A_170] : memref<256xi32, #tpu.memory_space<vmem>> -> memref<64xi32, #tpu.memory_space<vmem>>
    %dma_start3A_172 = arith.constant 0 : i32
    %dma_start3A_173 = arith.constant 0 : i32
    %dma_start3A_174 = tpu.memref_slice %arg4[%dma_start3A_172, %dma_start3A_173] : memref<100001x128xf32, #tpu.memory_space<hbm>> -> memref<100001x128xf32, #tpu.memory_space<hbm>>
    tpu.enqueue_indirect_dma source(%dma_start3A_174 : memref<100001x128xf32, #tpu.memory_space<hbm>>) target(%dma_start3A_169 : memref<64x128xf32, #tpu.memory_space<vmem>>) offsets(%dma_start3A_171 : memref<64xi32, #tpu.memory_space<vmem>>) semaphore(%arg12 : memref<!tpu.dma_semaphore, #tpu.memory_space<semaphore_mem>>)
    %dma_wait3A_175 = arith.constant 0 : i32
    %dma_wait3A_176 = arith.constant 0 : i32
    %dma_wait3A_177 = tpu.memref_slice %arg8[%dma_wait3A_175, %dma_wait3A_176] : memref<128x128xf32, #tpu.memory_space<vmem>> -> memref<64x128xf32, #tpu.memory_space<vmem>>
    %dma_wait3A_178 = arith.constant 128 : i32
    %dma_wait3A_179 = tpu.memref_slice %arg7[%dma_wait3A_178] : memref<256xi32, #tpu.memory_space<vmem>> -> memref<64xi32, #tpu.memory_space<vmem>>
    %dma_wait3A_180 = arith.constant 0 : i32
    %dma_wait3A_181 = arith.constant 0 : i32
    %dma_wait3A_182 = tpu.memref_slice %arg4[%dma_wait3A_180, %dma_wait3A_181] : memref<100001x128xf32, #tpu.memory_space<hbm>> -> memref<100001x128xf32, #tpu.memory_space<hbm>>
    tpu.wait_indirect_dma semaphore(%arg12 : memref<!tpu.dma_semaphore, #tpu.memory_space<semaphore_mem>>) src(%dma_wait3A_182 : memref<100001x128xf32, #tpu.memory_space<hbm>>) dst(%dma_wait3A_177 : memref<64x128xf32, #tpu.memory_space<vmem>>)
    %add3A_183 = arith.constant 128 : i32
    %add3A_184 = arith.addi %mul3A_2, %add3A_183 : i32
    %dma_start3A_185 = arith.constant 0 : i32
    %dma_start3A_186 = arith.constant 0 : i32
    %dma_start3A_187 = tpu.memref_slice %arg8[%dma_start3A_185, %dma_start3A_186] : memref<128x128xf32, #tpu.memory_space<vmem>> -> memref<64x128xf32, #tpu.memory_space<vmem>>
    %dma_start3A_188 = arith.constant 0 : i32
    %dma_start3A_189 = tpu.memref_slice %arg5[%add3A_184, %dma_start3A_188] : memref<8192x128xf32, #tpu.memory_space<hbm>> -> memref<64x128xf32, #tpu.memory_space<hbm>>
    %dma_start3A_190 = arith.constant 0 : i32
    %dma_start3A_191 = tpu.memref_slice %arg5[%add3A_184, %dma_start3A_190] : memref<8192x128xf32, #tpu.memory_space<hbm>> -> memref<64x128xf32, #tpu.memory_space<hbm>>
    %dma_start3A_192 = arith.constant 0 : i32
    %dma_start3A_193 = arith.constant 0 : i32
    %dma_start3A_194 = tpu.memref_slice %arg8[%dma_start3A_192, %dma_start3A_193] : memref<128x128xf32, #tpu.memory_space<vmem>> -> memref<64x128xf32, #tpu.memory_space<vmem>>
    tpu.enqueue_dma source(%dma_start3A_194 : memref<64x128xf32, #tpu.memory_space<vmem>>) target(%dma_start3A_191 : memref<64x128xf32, #tpu.memory_space<hbm>>) target_semaphore(%arg13 : memref<!tpu.dma_semaphore, #tpu.memory_space<semaphore_mem>>)
    %dma_wait3A_195 = arith.constant 64 : i32
    %dma_wait3A_196 = arith.constant 0 : i32
    %dma_wait3A_197 = tpu.memref_slice %arg8[%dma_wait3A_195, %dma_wait3A_196] : memref<128x128xf32, #tpu.memory_space<vmem>> -> memref<64x128xf32, #tpu.memory_space<vmem>>
    %dma_wait3A_198 = arith.constant 192 : i32
    %dma_wait3A_199 = tpu.memref_slice %arg7[%dma_wait3A_198] : memref<256xi32, #tpu.memory_space<vmem>> -> memref<64xi32, #tpu.memory_space<vmem>>
    %dma_wait3A_200 = arith.constant 0 : i32
    %dma_wait3A_201 = arith.constant 0 : i32
    %dma_wait3A_202 = tpu.memref_slice %arg4[%dma_wait3A_200, %dma_wait3A_201] : memref<100001x128xf32, #tpu.memory_space<hbm>> -> memref<100001x128xf32, #tpu.memory_space<hbm>>
    tpu.wait_indirect_dma semaphore(%arg12 : memref<!tpu.dma_semaphore, #tpu.memory_space<semaphore_mem>>) src(%dma_wait3A_202 : memref<100001x128xf32, #tpu.memory_space<hbm>>) dst(%dma_wait3A_197 : memref<64x128xf32, #tpu.memory_space<vmem>>)
    %add3A_203 = arith.constant 192 : i32
    %add3A_204 = arith.addi %mul3A_2, %add3A_203 : i32
    %dma_start3A_205 = arith.constant 64 : i32
    %dma_start3A_206 = arith.constant 0 : i32
    %dma_start3A_207 = tpu.memref_slice %arg8[%dma_start3A_205, %dma_start3A_206] : memref<128x128xf32, #tpu.memory_space<vmem>> -> memref<64x128xf32, #tpu.memory_space<vmem>>
    %dma_start3A_208 = arith.constant 0 : i32
    %dma_start3A_209 = tpu.memref_slice %arg5[%add3A_204, %dma_start3A_208] : memref<8192x128xf32, #tpu.memory_space<hbm>> -> memref<64x128xf32, #tpu.memory_space<hbm>>
    %dma_start3A_210 = arith.constant 0 : i32
    %dma_start3A_211 = tpu.memref_slice %arg5[%add3A_204, %dma_start3A_210] : memref<8192x128xf32, #tpu.memory_space<hbm>> -> memref<64x128xf32, #tpu.memory_space<hbm>>
    %dma_start3A_212 = arith.constant 64 : i32
    %dma_start3A_213 = arith.constant 0 : i32
    %dma_start3A_214 = tpu.memref_slice %arg8[%dma_start3A_212, %dma_start3A_213] : memref<128x128xf32, #tpu.memory_space<vmem>> -> memref<64x128xf32, #tpu.memory_space<vmem>>
    tpu.enqueue_dma source(%dma_start3A_214 : memref<64x128xf32, #tpu.memory_space<vmem>>) target(%dma_start3A_211 : memref<64x128xf32, #tpu.memory_space<hbm>>) target_semaphore(%arg13 : memref<!tpu.dma_semaphore, #tpu.memory_space<semaphore_mem>>)
    %dma_wait3A_215 = arith.constant 0 : i32
    %dma_wait3A_216 = arith.constant 0 : i32
    %dma_wait3A_217 = arith.constant 0 : i32
    %dma_wait3A_218 = tpu.memref_slice %arg10[%dma_wait3A_216, %dma_wait3A_217] : memref<832x128xf32, #tpu.memory_space<vmem>> -> memref<128x128xf32, #tpu.memory_space<vmem>>
    %dma_wait3A_219 = arith.constant 0 : i32
    %dma_wait3A_220 = tpu.memref_slice %arg9[%dma_wait3A_215, %dma_wait3A_219] : memref<4x208xi32, #tpu.memory_space<vmem>> -> memref<1x128xi32, #tpu.memory_space<vmem>>
    %dma_wait3A_221 = tpu.memref_squeeze %dma_wait3A_220 : memref<1x128xi32, #tpu.memory_space<vmem>> -> memref<128xi32, #tpu.memory_space<vmem>>
    %dma_wait3A_222 = arith.constant 0 : i32
    %dma_wait3A_223 = arith.constant 0 : i32
    %dma_wait3A_224 = tpu.memref_slice %arg4[%dma_wait3A_222, %dma_wait3A_223] : memref<100001x128xf32, #tpu.memory_space<hbm>> -> memref<100001x128xf32, #tpu.memory_space<hbm>>
    tpu.wait_indirect_dma semaphore(%arg14 : memref<!tpu.dma_semaphore, #tpu.memory_space<semaphore_mem>>) src(%dma_wait3A_224 : memref<100001x128xf32, #tpu.memory_space<hbm>>) dst(%dma_wait3A_218 : memref<128x128xf32, #tpu.memory_space<vmem>>)
    %dma_wait3A_225 = arith.constant 0 : i32
    %dma_wait3A_226 = arith.constant 128 : i32
    %dma_wait3A_227 = arith.constant 0 : i32
    %dma_wait3A_228 = tpu.memref_slice %arg10[%dma_wait3A_226, %dma_wait3A_227] : memref<832x128xf32, #tpu.memory_space<vmem>> -> memref<80x128xf32, #tpu.memory_space<vmem>>
    %dma_wait3A_229 = arith.constant 128 : i32
    %dma_wait3A_230 = tpu.memref_slice %arg9[%dma_wait3A_225, %dma_wait3A_229] : memref<4x208xi32, #tpu.memory_space<vmem>> -> memref<1x80xi32, #tpu.memory_space<vmem>>
    %dma_wait3A_231 = tpu.memref_squeeze %dma_wait3A_230 : memref<1x80xi32, #tpu.memory_space<vmem>> -> memref<80xi32, #tpu.memory_space<vmem>>
    %dma_wait3A_232 = arith.constant 0 : i32
    %dma_wait3A_233 = arith.constant 0 : i32
    %dma_wait3A_234 = tpu.memref_slice %arg4[%dma_wait3A_232, %dma_wait3A_233] : memref<100001x128xf32, #tpu.memory_space<hbm>> -> memref<100001x128xf32, #tpu.memory_space<hbm>>
    tpu.wait_indirect_dma semaphore(%arg14 : memref<!tpu.dma_semaphore, #tpu.memory_space<semaphore_mem>>) src(%dma_wait3A_234 : memref<100001x128xf32, #tpu.memory_space<hbm>>) dst(%dma_wait3A_228 : memref<80x128xf32, #tpu.memory_space<vmem>>)
    %broadcast_in_dim3A = arith.constant 0.000000e+00 : f32
    %broadcast_in_dim3A_235 = vector.broadcast %broadcast_in_dim3A : f32 to vector<16xf32>
    %broadcast_in_dim3A_236 = arith.constant 0.000000e+00 : f32
    %broadcast_in_dim3A_237 = vector.broadcast %broadcast_in_dim3A_236 : f32 to vector<16xf32>
    %broadcast_in_dim3A_238 = arith.constant 0.000000e+00 : f32
    %broadcast_in_dim3A_239 = vector.broadcast %broadcast_in_dim3A_238 : f32 to vector<16xf32>
    %broadcast_in_dim3A_240 = arith.constant 0.000000e+00 : f32
    %broadcast_in_dim3A_241 = vector.broadcast %broadcast_in_dim3A_240 : f32 to vector<16xf32>
    %broadcast_in_dim3A_242 = arith.constant 0.000000e+00 : f32
    %broadcast_in_dim3A_243 = vector.broadcast %broadcast_in_dim3A_242 : f32 to vector<16xf32>
    %broadcast_in_dim3A_244 = arith.constant 0.000000e+00 : f32
    %broadcast_in_dim3A_245 = vector.broadcast %broadcast_in_dim3A_244 : f32 to vector<16xf32>
    %broadcast_in_dim3A_246 = arith.constant 0.000000e+00 : f32
    %broadcast_in_dim3A_247 = vector.broadcast %broadcast_in_dim3A_246 : f32 to vector<16xf32>
    %broadcast_in_dim3A_248 = arith.constant 0.000000e+00 : f32
    %broadcast_in_dim3A_249 = vector.broadcast %broadcast_in_dim3A_248 : f32 to vector<16xf32>
    %scan3A = arith.constant 0 : i32
    %scan3A_250 = arith.constant 52 : i32
    %scan3A_251 = arith.addi %scan3A, %scan3A_250 : i32
    %scan3A_252 = arith.constant 1 : i32
    %scan3A_253:8 = scf.for %scan3A_592 = %scan3A to %scan3A_251 step %scan3A_252 iter_args(%scan3A_593 = %broadcast_in_dim3A_235, %scan3A_594 = %broadcast_in_dim3A_237, %scan3A_595 = %broadcast_in_dim3A_239, %scan3A_596 = %broadcast_in_dim3A_241, %scan3A_597 = %broadcast_in_dim3A_243, %scan3A_598 = %broadcast_in_dim3A_245, %scan3A_599 = %broadcast_in_dim3A_247, %scan3A_600 = %broadcast_in_dim3A_249) -> (vector<16xf32>, vector<16xf32>, vector<16xf32>, vector<16xf32>, vector<16xf32>, vector<16xf32>, vector<16xf32>, vector<16xf32>)  : i32 {
      %mul3A_601 = arith.constant 4 : i32
      %mul3A_602 = arith.muli %scan3A_592, %mul3A_601 : i32
      %add3A_603 = arith.constant 0 : i32
      %add3A_604 = arith.addi %add3A_603, %mul3A_602 : i32
      %add3A_605 = arith.constant 0 : i32
      %add3A_606 = arith.addi %add3A_604, %add3A_605 : i32
      %get3A = arith.index_cast %add3A_606 : i32 to index
      %get3A_607 = arith.constant 0 : index
      %get3A_608 = tpu.vector_load %arg10[%get3A, %get3A_607] {strides = array<i32>} : memref<832x128xf32, #tpu.memory_space<vmem>>, vector<1x16xf32>,
      %get3A_609 = vector.shape_cast %get3A_608 : vector<1x16xf32> to vector<16xf32>
      %add3A_610 = arith.addf %scan3A_593, %get3A_609 : vector<16xf32>
      %get3A_611 = arith.index_cast %add3A_606 : i32 to index
      %get3A_612 = arith.constant 16 : index
      %get3A_613 = tpu.vector_load %arg10[%get3A_611, %get3A_612] {strides = array<i32>} : memref<832x128xf32, #tpu.memory_space<vmem>>, vector<1x16xf32>,
      %get3A_614 = vector.shape_cast %get3A_613 : vector<1x16xf32> to vector<16xf32>
      %add3A_615 = arith.addf %scan3A_594, %get3A_614 : vector<16xf32>
      %get3A_616 = arith.index_cast %add3A_606 : i32 to index
      %get3A_617 = arith.constant 32 : index
      %get3A_618 = tpu.vector_load %arg10[%get3A_616, %get3A_617] {strides = array<i32>} : memref<832x128xf32, #tpu.memory_space<vmem>>, vector<1x16xf32>,
      %get3A_619 = vector.shape_cast %get3A_618 : vector<1x16xf32> to vector<16xf32>
      %add3A_620 = arith.addf %scan3A_595, %get3A_619 : vector<16xf32>
      %get3A_621 = arith.index_cast %add3A_606 : i32 to index
      %get3A_622 = arith.constant 48 : index
      %get3A_623 = tpu.vector_load %arg10[%get3A_621, %get3A_622] {strides = array<i32>} : memref<832x128xf32, #tpu.memory_space<vmem>>, vector<1x16xf32>,
      %get3A_624 = vector.shape_cast %get3A_623 : vector<1x16xf32> to vector<16xf32>
      %add3A_625 = arith.addf %scan3A_596, %get3A_624 : vector<16xf32>
      %get3A_626 = arith.index_cast %add3A_606 : i32 to index
      %get3A_627 = arith.constant 64 : index
      %get3A_628 = tpu.vector_load %arg10[%get3A_626, %get3A_627] {strides = array<i32>} : memref<832x128xf32, #tpu.memory_space<vmem>>, vector<1x16xf32>,
      %get3A_629 = vector.shape_cast %get3A_628 : vector<1x16xf32> to vector<16xf32>
      %add3A_630 = arith.addf %scan3A_597, %get3A_629 : vector<16xf32>
      %get3A_631 = arith.index_cast %add3A_606 : i32 to index
      %get3A_632 = arith.constant 80 : index
      %get3A_633 = tpu.vector_load %arg10[%get3A_631, %get3A_632] {strides = array<i32>} : memref<832x128xf32, #tpu.memory_space<vmem>>, vector<1x16xf32>,
      %get3A_634 = vector.shape_cast %get3A_633 : vector<1x16xf32> to vector<16xf32>
      %add3A_635 = arith.addf %scan3A_598, %get3A_634 : vector<16xf32>
      %get3A_636 = arith.index_cast %add3A_606 : i32 to index
      %get3A_637 = arith.constant 96 : index
      %get3A_638 = tpu.vector_load %arg10[%get3A_636, %get3A_637] {strides = array<i32>} : memref<832x128xf32, #tpu.memory_space<vmem>>, vector<1x16xf32>,
      %get3A_639 = vector.shape_cast %get3A_638 : vector<1x16xf32> to vector<16xf32>
      %add3A_640 = arith.addf %scan3A_599, %get3A_639 : vector<16xf32>
      %get3A_641 = arith.index_cast %add3A_606 : i32 to index
      %get3A_642 = arith.constant 112 : index
      %get3A_643 = tpu.vector_load %arg10[%get3A_641, %get3A_642] {strides = array<i32>} : memref<832x128xf32, #tpu.memory_space<vmem>>, vector<1x16xf32>,
      %get3A_644 = vector.shape_cast %get3A_643 : vector<1x16xf32> to vector<16xf32>
      %add3A_645 = arith.addf %scan3A_600, %get3A_644 : vector<16xf32>
      %mul3A_646 = arith.constant 4 : i32
      %mul3A_647 = arith.muli %scan3A_592, %mul3A_646 : i32
      %add3A_648 = arith.constant 0 : i32
      %add3A_649 = arith.addi %add3A_648, %mul3A_647 : i32
      %add3A_650 = arith.constant 1 : i32
      %add3A_651 = arith.addi %add3A_649, %add3A_650 : i32
      %get3A_652 = arith.index_cast %add3A_651 : i32 to index
      %get3A_653 = arith.constant 0 : index
      %get3A_654 = tpu.vector_load %arg10[%get3A_652, %get3A_653] {strides = array<i32>} : memref<832x128xf32, #tpu.memory_space<vmem>>, vector<1x16xf32>,
      %get3A_655 = vector.shape_cast %get3A_654 : vector<1x16xf32> to vector<16xf32>
      %add3A_656 = arith.addf %add3A_610, %get3A_655 : vector<16xf32>
      %get3A_657 = arith.index_cast %add3A_651 : i32 to index
      %get3A_658 = arith.constant 16 : index
      %get3A_659 = tpu.vector_load %arg10[%get3A_657, %get3A_658] {strides = array<i32>} : memref<832x128xf32, #tpu.memory_space<vmem>>, vector<1x16xf32>,
      %get3A_660 = vector.shape_cast %get3A_659 : vector<1x16xf32> to vector<16xf32>
      %add3A_661 = arith.addf %add3A_615, %get3A_660 : vector<16xf32>
      %get3A_662 = arith.index_cast %add3A_651 : i32 to index
      %get3A_663 = arith.constant 32 : index
      %get3A_664 = tpu.vector_load %arg10[%get3A_662, %get3A_663] {strides = array<i32>} : memref<832x128xf32, #tpu.memory_space<vmem>>, vector<1x16xf32>,
      %get3A_665 = vector.shape_cast %get3A_664 : vector<1x16xf32> to vector<16xf32>
      %add3A_666 = arith.addf %add3A_620, %get3A_665 : vector<16xf32>
      %get3A_667 = arith.index_cast %add3A_651 : i32 to index
      %get3A_668 = arith.constant 48 : index
      %get3A_669 = tpu.vector_load %arg10[%get3A_667, %get3A_668] {strides = array<i32>} : memref<832x128xf32, #tpu.memory_space<vmem>>, vector<1x16xf32>,
      %get3A_670 = vector.shape_cast %get3A_669 : vector<1x16xf32> to vector<16xf32>
      %add3A_671 = arith.addf %add3A_625, %get3A_670 : vector<16xf32>
      %get3A_672 = arith.index_cast %add3A_651 : i32 to index
      %get3A_673 = arith.constant 64 : index
      %get3A_674 = tpu.vector_load %arg10[%get3A_672, %get3A_673] {strides = array<i32>} : memref<832x128xf32, #tpu.memory_space<vmem>>, vector<1x16xf32>,
      %get3A_675 = vector.shape_cast %get3A_674 : vector<1x16xf32> to vector<16xf32>
      %add3A_676 = arith.addf %add3A_630, %get3A_675 : vector<16xf32>
      %get3A_677 = arith.index_cast %add3A_651 : i32 to index
      %get3A_678 = arith.constant 80 : index
      %get3A_679 = tpu.vector_load %arg10[%get3A_677, %get3A_678] {strides = array<i32>} : memref<832x128xf32, #tpu.memory_space<vmem>>, vector<1x16xf32>,
      %get3A_680 = vector.shape_cast %get3A_679 : vector<1x16xf32> to vector<16xf32>
      %add3A_681 = arith.addf %add3A_635, %get3A_680 : vector<16xf32>
      %get3A_682 = arith.index_cast %add3A_651 : i32 to index
      %get3A_683 = arith.constant 96 : index
      %get3A_684 = tpu.vector_load %arg10[%get3A_682, %get3A_683] {strides = array<i32>} : memref<832x128xf32, #tpu.memory_space<vmem>>, vector<1x16xf32>,
      %get3A_685 = vector.shape_cast %get3A_684 : vector<1x16xf32> to vector<16xf32>
      %add3A_686 = arith.addf %add3A_640, %get3A_685 : vector<16xf32>
      %get3A_687 = arith.index_cast %add3A_651 : i32 to index
      %get3A_688 = arith.constant 112 : index
      %get3A_689 = tpu.vector_load %arg10[%get3A_687, %get3A_688] {strides = array<i32>} : memref<832x128xf32, #tpu.memory_space<vmem>>, vector<1x16xf32>,
      %get3A_690 = vector.shape_cast %get3A_689 : vector<1x16xf32> to vector<16xf32>
      %add3A_691 = arith.addf %add3A_645, %get3A_690 : vector<16xf32>
      %mul3A_692 = arith.constant 4 : i32
      %mul3A_693 = arith.muli %scan3A_592, %mul3A_692 : i32
      %add3A_694 = arith.constant 0 : i32
      %add3A_695 = arith.addi %add3A_694, %mul3A_693 : i32
      %add3A_696 = arith.constant 2 : i32
      %add3A_697 = arith.addi %add3A_695, %add3A_696 : i32
      %get3A_698 = arith.index_cast %add3A_697 : i32 to index
      %get3A_699 = arith.constant 0 : index
      %get3A_700 = tpu.vector_load %arg10[%get3A_698, %get3A_699] {strides = array<i32>} : memref<832x128xf32, #tpu.memory_space<vmem>>, vector<1x16xf32>,
      %get3A_701 = vector.shape_cast %get3A_700 : vector<1x16xf32> to vector<16xf32>
      %add3A_702 = arith.addf %add3A_656, %get3A_701 : vector<16xf32>
      %get3A_703 = arith.index_cast %add3A_697 : i32 to index
      %get3A_704 = arith.constant 16 : index
      %get3A_705 = tpu.vector_load %arg10[%get3A_703, %get3A_704] {strides = array<i32>} : memref<832x128xf32, #tpu.memory_space<vmem>>, vector<1x16xf32>,
      %get3A_706 = vector.shape_cast %get3A_705 : vector<1x16xf32> to vector<16xf32>
      %add3A_707 = arith.addf %add3A_661, %get3A_706 : vector<16xf32>
      %get3A_708 = arith.index_cast %add3A_697 : i32 to index
      %get3A_709 = arith.constant 32 : index
      %get3A_710 = tpu.vector_load %arg10[%get3A_708, %get3A_709] {strides = array<i32>} : memref<832x128xf32, #tpu.memory_space<vmem>>, vector<1x16xf32>,
      %get3A_711 = vector.shape_cast %get3A_710 : vector<1x16xf32> to vector<16xf32>
      %add3A_712 = arith.addf %add3A_666, %get3A_711 : vector<16xf32>
      %get3A_713 = arith.index_cast %add3A_697 : i32 to index
      %get3A_714 = arith.constant 48 : index
      %get3A_715 = tpu.vector_load %arg10[%get3A_713, %get3A_714] {strides = array<i32>} : memref<832x128xf32, #tpu.memory_space<vmem>>, vector<1x16xf32>,
      %get3A_716 = vector.shape_cast %get3A_715 : vector<1x16xf32> to vector<16xf32>
      %add3A_717 = arith.addf %add3A_671, %get3A_716 : vector<16xf32>
      %get3A_718 = arith.index_cast %add3A_697 : i32 to index
      %get3A_719 = arith.constant 64 : index
      %get3A_720 = tpu.vector_load %arg10[%get3A_718, %get3A_719] {strides = array<i32>} : memref<832x128xf32, #tpu.memory_space<vmem>>, vector<1x16xf32>,
      %get3A_721 = vector.shape_cast %get3A_720 : vector<1x16xf32> to vector<16xf32>
      %add3A_722 = arith.addf %add3A_676, %get3A_721 : vector<16xf32>
      %get3A_723 = arith.index_cast %add3A_697 : i32 to index
      %get3A_724 = arith.constant 80 : index
      %get3A_725 = tpu.vector_load %arg10[%get3A_723, %get3A_724] {strides = array<i32>} : memref<832x128xf32, #tpu.memory_space<vmem>>, vector<1x16xf32>,
      %get3A_726 = vector.shape_cast %get3A_725 : vector<1x16xf32> to vector<16xf32>
      %add3A_727 = arith.addf %add3A_681, %get3A_726 : vector<16xf32>
      %get3A_728 = arith.index_cast %add3A_697 : i32 to index
      %get3A_729 = arith.constant 96 : index
      %get3A_730 = tpu.vector_load %arg10[%get3A_728, %get3A_729] {strides = array<i32>} : memref<832x128xf32, #tpu.memory_space<vmem>>, vector<1x16xf32>,
      %get3A_731 = vector.shape_cast %get3A_730 : vector<1x16xf32> to vector<16xf32>
      %add3A_732 = arith.addf %add3A_686, %get3A_731 : vector<16xf32>
      %get3A_733 = arith.index_cast %add3A_697 : i32 to index
      %get3A_734 = arith.constant 112 : index
      %get3A_735 = tpu.vector_load %arg10[%get3A_733, %get3A_734] {strides = array<i32>} : memref<832x128xf32, #tpu.memory_space<vmem>>, vector<1x16xf32>,
      %get3A_736 = vector.shape_cast %get3A_735 : vector<1x16xf32> to vector<16xf32>
      %add3A_737 = arith.addf %add3A_691, %get3A_736 : vector<16xf32>
      %mul3A_738 = arith.constant 4 : i32
      %mul3A_739 = arith.muli %scan3A_592, %mul3A_738 : i32
      %add3A_740 = arith.constant 0 : i32
      %add3A_741 = arith.addi %add3A_740, %mul3A_739 : i32
      %add3A_742 = arith.constant 3 : i32
      %add3A_743 = arith.addi %add3A_741, %add3A_742 : i32
      %get3A_744 = arith.index_cast %add3A_743 : i32 to index
      %get3A_745 = arith.constant 0 : index
      %get3A_746 = tpu.vector_load %arg10[%get3A_744, %get3A_745] {strides = array<i32>} : memref<832x128xf32, #tpu.memory_space<vmem>>, vector<1x16xf32>,
      %get3A_747 = vector.shape_cast %get3A_746 : vector<1x16xf32> to vector<16xf32>
      %add3A_748 = arith.addf %add3A_702, %get3A_747 : vector<16xf32>
      %get3A_749 = arith.index_cast %add3A_743 : i32 to index
      %get3A_750 = arith.constant 16 : index
      %get3A_751 = tpu.vector_load %arg10[%get3A_749, %get3A_750] {strides = array<i32>} : memref<832x128xf32, #tpu.memory_space<vmem>>, vector<1x16xf32>,
      %get3A_752 = vector.shape_cast %get3A_751 : vector<1x16xf32> to vector<16xf32>
      %add3A_753 = arith.addf %add3A_707, %get3A_752 : vector<16xf32>
      %get3A_754 = arith.index_cast %add3A_743 : i32 to index
      %get3A_755 = arith.constant 32 : index
      %get3A_756 = tpu.vector_load %arg10[%get3A_754, %get3A_755] {strides = array<i32>} : memref<832x128xf32, #tpu.memory_space<vmem>>, vector<1x16xf32>,
      %get3A_757 = vector.shape_cast %get3A_756 : vector<1x16xf32> to vector<16xf32>
      %add3A_758 = arith.addf %add3A_712, %get3A_757 : vector<16xf32>
      %get3A_759 = arith.index_cast %add3A_743 : i32 to index
      %get3A_760 = arith.constant 48 : index
      %get3A_761 = tpu.vector_load %arg10[%get3A_759, %get3A_760] {strides = array<i32>} : memref<832x128xf32, #tpu.memory_space<vmem>>, vector<1x16xf32>,
      %get3A_762 = vector.shape_cast %get3A_761 : vector<1x16xf32> to vector<16xf32>
      %add3A_763 = arith.addf %add3A_717, %get3A_762 : vector<16xf32>
      %get3A_764 = arith.index_cast %add3A_743 : i32 to index
      %get3A_765 = arith.constant 64 : index
      %get3A_766 = tpu.vector_load %arg10[%get3A_764, %get3A_765] {strides = array<i32>} : memref<832x128xf32, #tpu.memory_space<vmem>>, vector<1x16xf32>,
      %get3A_767 = vector.shape_cast %get3A_766 : vector<1x16xf32> to vector<16xf32>
      %add3A_768 = arith.addf %add3A_722, %get3A_767 : vector<16xf32>
      %get3A_769 = arith.index_cast %add3A_743 : i32 to index
      %get3A_770 = arith.constant 80 : index
      %get3A_771 = tpu.vector_load %arg10[%get3A_769, %get3A_770] {strides = array<i32>} : memref<832x128xf32, #tpu.memory_space<vmem>>, vector<1x16xf32>,
      %get3A_772 = vector.shape_cast %get3A_771 : vector<1x16xf32> to vector<16xf32>
      %add3A_773 = arith.addf %add3A_727, %get3A_772 : vector<16xf32>
      %get3A_774 = arith.index_cast %add3A_743 : i32 to index
      %get3A_775 = arith.constant 96 : index
      %get3A_776 = tpu.vector_load %arg10[%get3A_774, %get3A_775] {strides = array<i32>} : memref<832x128xf32, #tpu.memory_space<vmem>>, vector<1x16xf32>,
      %get3A_777 = vector.shape_cast %get3A_776 : vector<1x16xf32> to vector<16xf32>
      %add3A_778 = arith.addf %add3A_732, %get3A_777 : vector<16xf32>
      %get3A_779 = arith.index_cast %add3A_743 : i32 to index
      %get3A_780 = arith.constant 112 : index
      %get3A_781 = tpu.vector_load %arg10[%get3A_779, %get3A_780] {strides = array<i32>} : memref<832x128xf32, #tpu.memory_space<vmem>>, vector<1x16xf32>,
      %get3A_782 = vector.shape_cast %get3A_781 : vector<1x16xf32> to vector<16xf32>
      %add3A_783 = arith.addf %add3A_737, %get3A_782 : vector<16xf32>
      scf.yield %add3A_748, %add3A_753, %add3A_758, %add3A_763, %add3A_768, %add3A_773, %add3A_778, %add3A_783 : vector<16xf32>, vector<16xf32>, vector<16xf32>, vector<16xf32>, vector<16xf32>, vector<16xf32>, vector<16xf32>, vector<16xf32>
    }
    %scan3A_254 = arith.constant 52 : i32
    %swap3A = arith.constant 0 : i32
    %swap3A_255 = arith.index_cast %swap3A : i32 to index
    %swap3A_256 = arith.constant 0 : index
    %swap3A_257 = tpu.vector_load %arg11[%swap3A_255, %swap3A_256] {strides = array<i32>} : memref<4x128xf32, #tpu.memory_space<vmem>>, vector<1x16xf32>,
    %swap3A_258 = vector.shape_cast %swap3A_257 : vector<1x16xf32> to vector<16xf32>
    %swap3A_259 = vector.shape_cast %scan3A_253#0 : vector<16xf32> to vector<1x16xf32>
    tpu.vector_store %arg11[%swap3A_255, %swap3A_256], %swap3A_259 {strides = array<i32>} : memref<4x128xf32, #tpu.memory_space<vmem>>, vector<1x16xf32>,
    %swap3A_260 = arith.constant 0 : i32
    %swap3A_261 = arith.index_cast %swap3A_260 : i32 to index
    %swap3A_262 = arith.constant 16 : index
    %swap3A_263 = tpu.vector_load %arg11[%swap3A_261, %swap3A_262] {strides = array<i32>} : memref<4x128xf32, #tpu.memory_space<vmem>>, vector<1x16xf32>,
    %swap3A_264 = vector.shape_cast %swap3A_263 : vector<1x16xf32> to vector<16xf32>
    %swap3A_265 = vector.shape_cast %scan3A_253#1 : vector<16xf32> to vector<1x16xf32>
    tpu.vector_store %arg11[%swap3A_261, %swap3A_262], %swap3A_265 {strides = array<i32>} : memref<4x128xf32, #tpu.memory_space<vmem>>, vector<1x16xf32>,
    %swap3A_266 = arith.constant 0 : i32
    %swap3A_267 = arith.index_cast %swap3A_266 : i32 to index
    %swap3A_268 = arith.constant 32 : index
    %swap3A_269 = tpu.vector_load %arg11[%swap3A_267, %swap3A_268] {strides = array<i32>} : memref<4x128xf32, #tpu.memory_space<vmem>>, vector<1x16xf32>,
    %swap3A_270 = vector.shape_cast %swap3A_269 : vector<1x16xf32> to vector<16xf32>
    %swap3A_271 = vector.shape_cast %scan3A_253#2 : vector<16xf32> to vector<1x16xf32>
    tpu.vector_store %arg11[%swap3A_267, %swap3A_268], %swap3A_271 {strides = array<i32>} : memref<4x128xf32, #tpu.memory_space<vmem>>, vector<1x16xf32>,
    %swap3A_272 = arith.constant 0 : i32
    %swap3A_273 = arith.index_cast %swap3A_272 : i32 to index
    %swap3A_274 = arith.constant 48 : index
    %swap3A_275 = tpu.vector_load %arg11[%swap3A_273, %swap3A_274] {strides = array<i32>} : memref<4x128xf32, #tpu.memory_space<vmem>>, vector<1x16xf32>,
    %swap3A_276 = vector.shape_cast %swap3A_275 : vector<1x16xf32> to vector<16xf32>
    %swap3A_277 = vector.shape_cast %scan3A_253#3 : vector<16xf32> to vector<1x16xf32>
    tpu.vector_store %arg11[%swap3A_273, %swap3A_274], %swap3A_277 {strides = array<i32>} : memref<4x128xf32, #tpu.memory_space<vmem>>, vector<1x16xf32>,
    %swap3A_278 = arith.constant 0 : i32
    %swap3A_279 = arith.index_cast %swap3A_278 : i32 to index
    %swap3A_280 = arith.constant 64 : index
    %swap3A_281 = tpu.vector_load %arg11[%swap3A_279, %swap3A_280] {strides = array<i32>} : memref<4x128xf32, #tpu.memory_space<vmem>>, vector<1x16xf32>,
    %swap3A_282 = vector.shape_cast %swap3A_281 : vector<1x16xf32> to vector<16xf32>
    %swap3A_283 = vector.shape_cast %scan3A_253#4 : vector<16xf32> to vector<1x16xf32>
    tpu.vector_store %arg11[%swap3A_279, %swap3A_280], %swap3A_283 {strides = array<i32>} : memref<4x128xf32, #tpu.memory_space<vmem>>, vector<1x16xf32>,
    %swap3A_284 = arith.constant 0 : i32
    %swap3A_285 = arith.index_cast %swap3A_284 : i32 to index
    %swap3A_286 = arith.constant 80 : index
    %swap3A_287 = tpu.vector_load %arg11[%swap3A_285, %swap3A_286] {strides = array<i32>} : memref<4x128xf32, #tpu.memory_space<vmem>>, vector<1x16xf32>,
    %swap3A_288 = vector.shape_cast %swap3A_287 : vector<1x16xf32> to vector<16xf32>
    %swap3A_289 = vector.shape_cast %scan3A_253#5 : vector<16xf32> to vector<1x16xf32>
    tpu.vector_store %arg11[%swap3A_285, %swap3A_286], %swap3A_289 {strides = array<i32>} : memref<4x128xf32, #tpu.memory_space<vmem>>, vector<1x16xf32>,
    %swap3A_290 = arith.constant 0 : i32
    %swap3A_291 = arith.index_cast %swap3A_290 : i32 to index
    %swap3A_292 = arith.constant 96 : index
    %swap3A_293 = tpu.vector_load %arg11[%swap3A_291, %swap3A_292] {strides = array<i32>} : memref<4x128xf32, #tpu.memory_space<vmem>>, vector<1x16xf32>,
    %swap3A_294 = vector.shape_cast %swap3A_293 : vector<1x16xf32> to vector<16xf32>
    %swap3A_295 = vector.shape_cast %scan3A_253#6 : vector<16xf32> to vector<1x16xf32>
    tpu.vector_store %arg11[%swap3A_291, %swap3A_292], %swap3A_295 {strides = array<i32>} : memref<4x128xf32, #tpu.memory_space<vmem>>, vector<1x16xf32>,
    %swap3A_296 = arith.constant 0 : i32
    %swap3A_297 = arith.index_cast %swap3A_296 : i32 to index
    %swap3A_298 = arith.constant 112 : index
    %swap3A_299 = tpu.vector_load %arg11[%swap3A_297, %swap3A_298] {strides = array<i32>} : memref<4x128xf32, #tpu.memory_space<vmem>>, vector<1x16xf32>,
    %swap3A_300 = vector.shape_cast %swap3A_299 : vector<1x16xf32> to vector<16xf32>
    %swap3A_301 = vector.shape_cast %scan3A_253#7 : vector<16xf32> to vector<1x16xf32>
    tpu.vector_store %arg11[%swap3A_297, %swap3A_298], %swap3A_301 {strides = array<i32>} : memref<4x128xf32, #tpu.memory_space<vmem>>, vector<1x16xf32>,
    %dma_wait3A_302 = arith.constant 1 : i32
    %dma_wait3A_303 = arith.constant 208 : i32
    %dma_wait3A_304 = arith.constant 0 : i32
    %dma_wait3A_305 = tpu.memref_slice %arg10[%dma_wait3A_303, %dma_wait3A_304] : memref<832x128xf32, #tpu.memory_space<vmem>> -> memref<128x128xf32, #tpu.memory_space<vmem>>
    %dma_wait3A_306 = arith.constant 0 : i32
    %dma_wait3A_307 = tpu.memref_slice %arg9[%dma_wait3A_302, %dma_wait3A_306] : memref<4x208xi32, #tpu.memory_space<vmem>> -> memref<1x128xi32, #tpu.memory_space<vmem>>
    %dma_wait3A_308 = tpu.memref_squeeze %dma_wait3A_307 : memref<1x128xi32, #tpu.memory_space<vmem>> -> memref<128xi32, #tpu.memory_space<vmem>>
    %dma_wait3A_309 = arith.constant 0 : i32
    %dma_wait3A_310 = arith.constant 0 : i32
    %dma_wait3A_311 = tpu.memref_slice %arg4[%dma_wait3A_309, %dma_wait3A_310] : memref<100001x128xf32, #tpu.memory_space<hbm>> -> memref<100001x128xf32, #tpu.memory_space<hbm>>
    tpu.wait_indirect_dma semaphore(%arg15 : memref<!tpu.dma_semaphore, #tpu.memory_space<semaphore_mem>>) src(%dma_wait3A_311 : memref<100001x128xf32, #tpu.memory_space<hbm>>) dst(%dma_wait3A_305 : memref<128x128xf32, #tpu.memory_space<vmem>>)
    %dma_wait3A_312 = arith.constant 1 : i32
    %dma_wait3A_313 = arith.constant 336 : i32
    %dma_wait3A_314 = arith.constant 0 : i32
    %dma_wait3A_315 = tpu.memref_slice %arg10[%dma_wait3A_313, %dma_wait3A_314] : memref<832x128xf32, #tpu.memory_space<vmem>> -> memref<80x128xf32, #tpu.memory_space<vmem>>
    %dma_wait3A_316 = arith.constant 128 : i32
    %dma_wait3A_317 = tpu.memref_slice %arg9[%dma_wait3A_312, %dma_wait3A_316] : memref<4x208xi32, #tpu.memory_space<vmem>> -> memref<1x80xi32, #tpu.memory_space<vmem>>
    %dma_wait3A_318 = tpu.memref_squeeze %dma_wait3A_317 : memref<1x80xi32, #tpu.memory_space<vmem>> -> memref<80xi32, #tpu.memory_space<vmem>>
    %dma_wait3A_319 = arith.constant 0 : i32
    %dma_wait3A_320 = arith.constant 0 : i32
    %dma_wait3A_321 = tpu.memref_slice %arg4[%dma_wait3A_319, %dma_wait3A_320] : memref<100001x128xf32, #tpu.memory_space<hbm>> -> memref<100001x128xf32, #tpu.memory_space<hbm>>
    tpu.wait_indirect_dma semaphore(%arg15 : memref<!tpu.dma_semaphore, #tpu.memory_space<semaphore_mem>>) src(%dma_wait3A_321 : memref<100001x128xf32, #tpu.memory_space<hbm>>) dst(%dma_wait3A_315 : memref<80x128xf32, #tpu.memory_space<vmem>>)
    %broadcast_in_dim3A_322 = arith.constant 0.000000e+00 : f32
    %broadcast_in_dim3A_323 = vector.broadcast %broadcast_in_dim3A_322 : f32 to vector<16xf32>
    %broadcast_in_dim3A_324 = arith.constant 0.000000e+00 : f32
    %broadcast_in_dim3A_325 = vector.broadcast %broadcast_in_dim3A_324 : f32 to vector<16xf32>
    %broadcast_in_dim3A_326 = arith.constant 0.000000e+00 : f32
    %broadcast_in_dim3A_327 = vector.broadcast %broadcast_in_dim3A_326 : f32 to vector<16xf32>
    %broadcast_in_dim3A_328 = arith.constant 0.000000e+00 : f32
    %broadcast_in_dim3A_329 = vector.broadcast %broadcast_in_dim3A_328 : f32 to vector<16xf32>
    %broadcast_in_dim3A_330 = arith.constant 0.000000e+00 : f32
    %broadcast_in_dim3A_331 = vector.broadcast %broadcast_in_dim3A_330 : f32 to vector<16xf32>
    %broadcast_in_dim3A_332 = arith.constant 0.000000e+00 : f32
    %broadcast_in_dim3A_333 = vector.broadcast %broadcast_in_dim3A_332 : f32 to vector<16xf32>
    %broadcast_in_dim3A_334 = arith.constant 0.000000e+00 : f32
    %broadcast_in_dim3A_335 = vector.broadcast %broadcast_in_dim3A_334 : f32 to vector<16xf32>
    %broadcast_in_dim3A_336 = arith.constant 0.000000e+00 : f32
    %broadcast_in_dim3A_337 = vector.broadcast %broadcast_in_dim3A_336 : f32 to vector<16xf32>
    %scan3A_338 = arith.constant 0 : i32
    %scan3A_339 = arith.constant 52 : i32
    %scan3A_340 = arith.addi %scan3A_338, %scan3A_339 : i32
    %scan3A_341 = arith.constant 1 : i32
    %scan3A_342:8 = scf.for %scan3A_592 = %scan3A_338 to %scan3A_340 step %scan3A_341 iter_args(%scan3A_593 = %broadcast_in_dim3A_323, %scan3A_594 = %broadcast_in_dim3A_325, %scan3A_595 = %broadcast_in_dim3A_327, %scan3A_596 = %broadcast_in_dim3A_329, %scan3A_597 = %broadcast_in_dim3A_331, %scan3A_598 = %broadcast_in_dim3A_333, %scan3A_599 = %broadcast_in_dim3A_335, %scan3A_600 = %broadcast_in_dim3A_337) -> (vector<16xf32>, vector<16xf32>, vector<16xf32>, vector<16xf32>, vector<16xf32>, vector<16xf32>, vector<16xf32>, vector<16xf32>)  : i32 {
      %mul3A_601 = arith.constant 4 : i32
      %mul3A_602 = arith.muli %scan3A_592, %mul3A_601 : i32
      %add3A_603 = arith.constant 208 : i32
      %add3A_604 = arith.addi %add3A_603, %mul3A_602 : i32
      %add3A_605 = arith.constant 0 : i32
      %add3A_606 = arith.addi %add3A_604, %add3A_605 : i32
      %get3A = arith.index_cast %add3A_606 : i32 to index
      %get3A_607 = arith.constant 0 : index
      %get3A_608 = tpu.vector_load %arg10[%get3A, %get3A_607] {strides = array<i32>} : memref<832x128xf32, #tpu.memory_space<vmem>>, vector<1x16xf32>,
      %get3A_609 = vector.shape_cast %get3A_608 : vector<1x16xf32> to vector<16xf32>
      %add3A_610 = arith.addf %scan3A_593, %get3A_609 : vector<16xf32>
      %get3A_611 = arith.index_cast %add3A_606 : i32 to index
      %get3A_612 = arith.constant 16 : index
      %get3A_613 = tpu.vector_load %arg10[%get3A_611, %get3A_612] {strides = array<i32>} : memref<832x128xf32, #tpu.memory_space<vmem>>, vector<1x16xf32>,
      %get3A_614 = vector.shape_cast %get3A_613 : vector<1x16xf32> to vector<16xf32>
      %add3A_615 = arith.addf %scan3A_594, %get3A_614 : vector<16xf32>
      %get3A_616 = arith.index_cast %add3A_606 : i32 to index
      %get3A_617 = arith.constant 32 : index
      %get3A_618 = tpu.vector_load %arg10[%get3A_616, %get3A_617] {strides = array<i32>} : memref<832x128xf32, #tpu.memory_space<vmem>>, vector<1x16xf32>,
      %get3A_619 = vector.shape_cast %get3A_618 : vector<1x16xf32> to vector<16xf32>
      %add3A_620 = arith.addf %scan3A_595, %get3A_619 : vector<16xf32>
      %get3A_621 = arith.index_cast %add3A_606 : i32 to index
      %get3A_622 = arith.constant 48 : index
      %get3A_623 = tpu.vector_load %arg10[%get3A_621, %get3A_622] {strides = array<i32>} : memref<832x128xf32, #tpu.memory_space<vmem>>, vector<1x16xf32>,
      %get3A_624 = vector.shape_cast %get3A_623 : vector<1x16xf32> to vector<16xf32>
      %add3A_625 = arith.addf %scan3A_596, %get3A_624 : vector<16xf32>
      %get3A_626 = arith.index_cast %add3A_606 : i32 to index
      %get3A_627 = arith.constant 64 : index
      %get3A_628 = tpu.vector_load %arg10[%get3A_626, %get3A_627] {strides = array<i32>} : memref<832x128xf32, #tpu.memory_space<vmem>>, vector<1x16xf32>,
      %get3A_629 = vector.shape_cast %get3A_628 : vector<1x16xf32> to vector<16xf32>
      %add3A_630 = arith.addf %scan3A_597, %get3A_629 : vector<16xf32>
      %get3A_631 = arith.index_cast %add3A_606 : i32 to index
      %get3A_632 = arith.constant 80 : index
      %get3A_633 = tpu.vector_load %arg10[%get3A_631, %get3A_632] {strides = array<i32>} : memref<832x128xf32, #tpu.memory_space<vmem>>, vector<1x16xf32>,
      %get3A_634 = vector.shape_cast %get3A_633 : vector<1x16xf32> to vector<16xf32>
      %add3A_635 = arith.addf %scan3A_598, %get3A_634 : vector<16xf32>
      %get3A_636 = arith.index_cast %add3A_606 : i32 to index
      %get3A_637 = arith.constant 96 : index
      %get3A_638 = tpu.vector_load %arg10[%get3A_636, %get3A_637] {strides = array<i32>} : memref<832x128xf32, #tpu.memory_space<vmem>>, vector<1x16xf32>,
      %get3A_639 = vector.shape_cast %get3A_638 : vector<1x16xf32> to vector<16xf32>
      %add3A_640 = arith.addf %scan3A_599, %get3A_639 : vector<16xf32>
      %get3A_641 = arith.index_cast %add3A_606 : i32 to index
      %get3A_642 = arith.constant 112 : index
      %get3A_643 = tpu.vector_load %arg10[%get3A_641, %get3A_642] {strides = array<i32>} : memref<832x128xf32, #tpu.memory_space<vmem>>, vector<1x16xf32>,
      %get3A_644 = vector.shape_cast %get3A_643 : vector<1x16xf32> to vector<16xf32>
      %add3A_645 = arith.addf %scan3A_600, %get3A_644 : vector<16xf32>
      %mul3A_646 = arith.constant 4 : i32
      %mul3A_647 = arith.muli %scan3A_592, %mul3A_646 : i32
      %add3A_648 = arith.constant 208 : i32
      %add3A_649 = arith.addi %add3A_648, %mul3A_647 : i32
      %add3A_650 = arith.constant 1 : i32
      %add3A_651 = arith.addi %add3A_649, %add3A_650 : i32
      %get3A_652 = arith.index_cast %add3A_651 : i32 to index
      %get3A_653 = arith.constant 0 : index
      %get3A_654 = tpu.vector_load %arg10[%get3A_652, %get3A_653] {strides = array<i32>} : memref<832x128xf32, #tpu.memory_space<vmem>>, vector<1x16xf32>,
      %get3A_655 = vector.shape_cast %get3A_654 : vector<1x16xf32> to vector<16xf32>
      %add3A_656 = arith.addf %add3A_610, %get3A_655 : vector<16xf32>
      %get3A_657 = arith.index_cast %add3A_651 : i32 to index
      %get3A_658 = arith.constant 16 : index
      %get3A_659 = tpu.vector_load %arg10[%get3A_657, %get3A_658] {strides = array<i32>} : memref<832x128xf32, #tpu.memory_space<vmem>>, vector<1x16xf32>,
      %get3A_660 = vector.shape_cast %get3A_659 : vector<1x16xf32> to vector<16xf32>
      %add3A_661 = arith.addf %add3A_615, %get3A_660 : vector<16xf32>
      %get3A_662 = arith.index_cast %add3A_651 : i32 to index
      %get3A_663 = arith.constant 32 : index
      %get3A_664 = tpu.vector_load %arg10[%get3A_662, %get3A_663] {strides = array<i32>} : memref<832x128xf32, #tpu.memory_space<vmem>>, vector<1x16xf32>,
      %get3A_665 = vector.shape_cast %get3A_664 : vector<1x16xf32> to vector<16xf32>
      %add3A_666 = arith.addf %add3A_620, %get3A_665 : vector<16xf32>
      %get3A_667 = arith.index_cast %add3A_651 : i32 to index
      %get3A_668 = arith.constant 48 : index
      %get3A_669 = tpu.vector_load %arg10[%get3A_667, %get3A_668] {strides = array<i32>} : memref<832x128xf32, #tpu.memory_space<vmem>>, vector<1x16xf32>,
      %get3A_670 = vector.shape_cast %get3A_669 : vector<1x16xf32> to vector<16xf32>
      %add3A_671 = arith.addf %add3A_625, %get3A_670 : vector<16xf32>
      %get3A_672 = arith.index_cast %add3A_651 : i32 to index
      %get3A_673 = arith.constant 64 : index
      %get3A_674 = tpu.vector_load %arg10[%get3A_672, %get3A_673] {strides = array<i32>} : memref<832x128xf32, #tpu.memory_space<vmem>>, vector<1x16xf32>,
      %get3A_675 = vector.shape_cast %get3A_674 : vector<1x16xf32> to vector<16xf32>
      %add3A_676 = arith.addf %add3A_630, %get3A_675 : vector<16xf32>
      %get3A_677 = arith.index_cast %add3A_651 : i32 to index
      %get3A_678 = arith.constant 80 : index
      %get3A_679 = tpu.vector_load %arg10[%get3A_677, %get3A_678] {strides = array<i32>} : memref<832x128xf32, #tpu.memory_space<vmem>>, vector<1x16xf32>,
      %get3A_680 = vector.shape_cast %get3A_679 : vector<1x16xf32> to vector<16xf32>
      %add3A_681 = arith.addf %add3A_635, %get3A_680 : vector<16xf32>
      %get3A_682 = arith.index_cast %add3A_651 : i32 to index
      %get3A_683 = arith.constant 96 : index
      %get3A_684 = tpu.vector_load %arg10[%get3A_682, %get3A_683] {strides = array<i32>} : memref<832x128xf32, #tpu.memory_space<vmem>>, vector<1x16xf32>,
      %get3A_685 = vector.shape_cast %get3A_684 : vector<1x16xf32> to vector<16xf32>
      %add3A_686 = arith.addf %add3A_640, %get3A_685 : vector<16xf32>
      %get3A_687 = arith.index_cast %add3A_651 : i32 to index
      %get3A_688 = arith.constant 112 : index
      %get3A_689 = tpu.vector_load %arg10[%get3A_687, %get3A_688] {strides = array<i32>} : memref<832x128xf32, #tpu.memory_space<vmem>>, vector<1x16xf32>,
      %get3A_690 = vector.shape_cast %get3A_689 : vector<1x16xf32> to vector<16xf32>
      %add3A_691 = arith.addf %add3A_645, %get3A_690 : vector<16xf32>
      %mul3A_692 = arith.constant 4 : i32
      %mul3A_693 = arith.muli %scan3A_592, %mul3A_692 : i32
      %add3A_694 = arith.constant 208 : i32
      %add3A_695 = arith.addi %add3A_694, %mul3A_693 : i32
      %add3A_696 = arith.constant 2 : i32
      %add3A_697 = arith.addi %add3A_695, %add3A_696 : i32
      %get3A_698 = arith.index_cast %add3A_697 : i32 to index
      %get3A_699 = arith.constant 0 : index
      %get3A_700 = tpu.vector_load %arg10[%get3A_698, %get3A_699] {strides = array<i32>} : memref<832x128xf32, #tpu.memory_space<vmem>>, vector<1x16xf32>,
      %get3A_701 = vector.shape_cast %get3A_700 : vector<1x16xf32> to vector<16xf32>
      %add3A_702 = arith.addf %add3A_656, %get3A_701 : vector<16xf32>
      %get3A_703 = arith.index_cast %add3A_697 : i32 to index
      %get3A_704 = arith.constant 16 : index
      %get3A_705 = tpu.vector_load %arg10[%get3A_703, %get3A_704] {strides = array<i32>} : memref<832x128xf32, #tpu.memory_space<vmem>>, vector<1x16xf32>,
      %get3A_706 = vector.shape_cast %get3A_705 : vector<1x16xf32> to vector<16xf32>
      %add3A_707 = arith.addf %add3A_661, %get3A_706 : vector<16xf32>
      %get3A_708 = arith.index_cast %add3A_697 : i32 to index
      %get3A_709 = arith.constant 32 : index
      %get3A_710 = tpu.vector_load %arg10[%get3A_708, %get3A_709] {strides = array<i32>} : memref<832x128xf32, #tpu.memory_space<vmem>>, vector<1x16xf32>,
      %get3A_711 = vector.shape_cast %get3A_710 : vector<1x16xf32> to vector<16xf32>
      %add3A_712 = arith.addf %add3A_666, %get3A_711 : vector<16xf32>
      %get3A_713 = arith.index_cast %add3A_697 : i32 to index
      %get3A_714 = arith.constant 48 : index
      %get3A_715 = tpu.vector_load %arg10[%get3A_713, %get3A_714] {strides = array<i32>} : memref<832x128xf32, #tpu.memory_space<vmem>>, vector<1x16xf32>,
      %get3A_716 = vector.shape_cast %get3A_715 : vector<1x16xf32> to vector<16xf32>
      %add3A_717 = arith.addf %add3A_671, %get3A_716 : vector<16xf32>
      %get3A_718 = arith.index_cast %add3A_697 : i32 to index
      %get3A_719 = arith.constant 64 : index
      %get3A_720 = tpu.vector_load %arg10[%get3A_718, %get3A_719] {strides = array<i32>} : memref<832x128xf32, #tpu.memory_space<vmem>>, vector<1x16xf32>,
      %get3A_721 = vector.shape_cast %get3A_720 : vector<1x16xf32> to vector<16xf32>
      %add3A_722 = arith.addf %add3A_676, %get3A_721 : vector<16xf32>
      %get3A_723 = arith.index_cast %add3A_697 : i32 to index
      %get3A_724 = arith.constant 80 : index
      %get3A_725 = tpu.vector_load %arg10[%get3A_723, %get3A_724] {strides = array<i32>} : memref<832x128xf32, #tpu.memory_space<vmem>>, vector<1x16xf32>,
      %get3A_726 = vector.shape_cast %get3A_725 : vector<1x16xf32> to vector<16xf32>
      %add3A_727 = arith.addf %add3A_681, %get3A_726 : vector<16xf32>
      %get3A_728 = arith.index_cast %add3A_697 : i32 to index
      %get3A_729 = arith.constant 96 : index
      %get3A_730 = tpu.vector_load %arg10[%get3A_728, %get3A_729] {strides = array<i32>} : memref<832x128xf32, #tpu.memory_space<vmem>>, vector<1x16xf32>,
      %get3A_731 = vector.shape_cast %get3A_730 : vector<1x16xf32> to vector<16xf32>
      %add3A_732 = arith.addf %add3A_686, %get3A_731 : vector<16xf32>
      %get3A_733 = arith.index_cast %add3A_697 : i32 to index
      %get3A_734 = arith.constant 112 : index
      %get3A_735 = tpu.vector_load %arg10[%get3A_733, %get3A_734] {strides = array<i32>} : memref<832x128xf32, #tpu.memory_space<vmem>>, vector<1x16xf32>,
      %get3A_736 = vector.shape_cast %get3A_735 : vector<1x16xf32> to vector<16xf32>
      %add3A_737 = arith.addf %add3A_691, %get3A_736 : vector<16xf32>
      %mul3A_738 = arith.constant 4 : i32
      %mul3A_739 = arith.muli %scan3A_592, %mul3A_738 : i32
      %add3A_740 = arith.constant 208 : i32
      %add3A_741 = arith.addi %add3A_740, %mul3A_739 : i32
      %add3A_742 = arith.constant 3 : i32
      %add3A_743 = arith.addi %add3A_741, %add3A_742 : i32
      %get3A_744 = arith.index_cast %add3A_743 : i32 to index
      %get3A_745 = arith.constant 0 : index
      %get3A_746 = tpu.vector_load %arg10[%get3A_744, %get3A_745] {strides = array<i32>} : memref<832x128xf32, #tpu.memory_space<vmem>>, vector<1x16xf32>,
      %get3A_747 = vector.shape_cast %get3A_746 : vector<1x16xf32> to vector<16xf32>
      %add3A_748 = arith.addf %add3A_702, %get3A_747 : vector<16xf32>
      %get3A_749 = arith.index_cast %add3A_743 : i32 to index
      %get3A_750 = arith.constant 16 : index
      %get3A_751 = tpu.vector_load %arg10[%get3A_749, %get3A_750] {strides = array<i32>} : memref<832x128xf32, #tpu.memory_space<vmem>>, vector<1x16xf32>,
      %get3A_752 = vector.shape_cast %get3A_751 : vector<1x16xf32> to vector<16xf32>
      %add3A_753 = arith.addf %add3A_707, %get3A_752 : vector<16xf32>
      %get3A_754 = arith.index_cast %add3A_743 : i32 to index
      %get3A_755 = arith.constant 32 : index
      %get3A_756 = tpu.vector_load %arg10[%get3A_754, %get3A_755] {strides = array<i32>} : memref<832x128xf32, #tpu.memory_space<vmem>>, vector<1x16xf32>,
      %get3A_757 = vector.shape_cast %get3A_756 : vector<1x16xf32> to vector<16xf32>
      %add3A_758 = arith.addf %add3A_712, %get3A_757 : vector<16xf32>
      %get3A_759 = arith.index_cast %add3A_743 : i32 to index
      %get3A_760 = arith.constant 48 : index
      %get3A_761 = tpu.vector_load %arg10[%get3A_759, %get3A_760] {strides = array<i32>} : memref<832x128xf32, #tpu.memory_space<vmem>>, vector<1x16xf32>,
      %get3A_762 = vector.shape_cast %get3A_761 : vector<1x16xf32> to vector<16xf32>
      %add3A_763 = arith.addf %add3A_717, %get3A_762 : vector<16xf32>
      %get3A_764 = arith.index_cast %add3A_743 : i32 to index
      %get3A_765 = arith.constant 64 : index
      %get3A_766 = tpu.vector_load %arg10[%get3A_764, %get3A_765] {strides = array<i32>} : memref<832x128xf32, #tpu.memory_space<vmem>>, vector<1x16xf32>,
      %get3A_767 = vector.shape_cast %get3A_766 : vector<1x16xf32> to vector<16xf32>
      %add3A_768 = arith.addf %add3A_722, %get3A_767 : vector<16xf32>
      %get3A_769 = arith.index_cast %add3A_743 : i32 to index
      %get3A_770 = arith.constant 80 : index
      %get3A_771 = tpu.vector_load %arg10[%get3A_769, %get3A_770] {strides = array<i32>} : memref<832x128xf32, #tpu.memory_space<vmem>>, vector<1x16xf32>,
      %get3A_772 = vector.shape_cast %get3A_771 : vector<1x16xf32> to vector<16xf32>
      %add3A_773 = arith.addf %add3A_727, %get3A_772 : vector<16xf32>
      %get3A_774 = arith.index_cast %add3A_743 : i32 to index
      %get3A_775 = arith.constant 96 : index
      %get3A_776 = tpu.vector_load %arg10[%get3A_774, %get3A_775] {strides = array<i32>} : memref<832x128xf32, #tpu.memory_space<vmem>>, vector<1x16xf32>,
      %get3A_777 = vector.shape_cast %get3A_776 : vector<1x16xf32> to vector<16xf32>
      %add3A_778 = arith.addf %add3A_732, %get3A_777 : vector<16xf32>
      %get3A_779 = arith.index_cast %add3A_743 : i32 to index
      %get3A_780 = arith.constant 112 : index
      %get3A_781 = tpu.vector_load %arg10[%get3A_779, %get3A_780] {strides = array<i32>} : memref<832x128xf32, #tpu.memory_space<vmem>>, vector<1x16xf32>,
      %get3A_782 = vector.shape_cast %get3A_781 : vector<1x16xf32> to vector<16xf32>
      %add3A_783 = arith.addf %add3A_737, %get3A_782 : vector<16xf32>
      scf.yield %add3A_748, %add3A_753, %add3A_758, %add3A_763, %add3A_768, %add3A_773, %add3A_778, %add3A_783 : vector<16xf32>, vector<16xf32>, vector<16xf32>, vector<16xf32>, vector<16xf32>, vector<16xf32>, vector<16xf32>, vector<16xf32>
    }
    %scan3A_343 = arith.constant 52 : i32
    %swap3A_344 = arith.constant 1 : i32
    %swap3A_345 = arith.index_cast %swap3A_344 : i32 to index
    %swap3A_346 = arith.constant 0 : index
    %swap3A_347 = tpu.vector_load %arg11[%swap3A_345, %swap3A_346] {strides = array<i32>} : memref<4x128xf32, #tpu.memory_space<vmem>>, vector<1x16xf32>,
    %swap3A_348 = vector.shape_cast %swap3A_347 : vector<1x16xf32> to vector<16xf32>
    %swap3A_349 = vector.shape_cast %scan3A_342#0 : vector<16xf32> to vector<1x16xf32>
    tpu.vector_store %arg11[%swap3A_345, %swap3A_346], %swap3A_349 {strides = array<i32>} : memref<4x128xf32, #tpu.memory_space<vmem>>, vector<1x16xf32>,
    %swap3A_350 = arith.constant 1 : i32
    %swap3A_351 = arith.index_cast %swap3A_350 : i32 to index
    %swap3A_352 = arith.constant 16 : index
    %swap3A_353 = tpu.vector_load %arg11[%swap3A_351, %swap3A_352] {strides = array<i32>} : memref<4x128xf32, #tpu.memory_space<vmem>>, vector<1x16xf32>,
    %swap3A_354 = vector.shape_cast %swap3A_353 : vector<1x16xf32> to vector<16xf32>
    %swap3A_355 = vector.shape_cast %scan3A_342#1 : vector<16xf32> to vector<1x16xf32>
    tpu.vector_store %arg11[%swap3A_351, %swap3A_352], %swap3A_355 {strides = array<i32>} : memref<4x128xf32, #tpu.memory_space<vmem>>, vector<1x16xf32>,
    %swap3A_356 = arith.constant 1 : i32
    %swap3A_357 = arith.index_cast %swap3A_356 : i32 to index
    %swap3A_358 = arith.constant 32 : index
    %swap3A_359 = tpu.vector_load %arg11[%swap3A_357, %swap3A_358] {strides = array<i32>} : memref<4x128xf32, #tpu.memory_space<vmem>>, vector<1x16xf32>,
    %swap3A_360 = vector.shape_cast %swap3A_359 : vector<1x16xf32> to vector<16xf32>
    %swap3A_361 = vector.shape_cast %scan3A_342#2 : vector<16xf32> to vector<1x16xf32>
    tpu.vector_store %arg11[%swap3A_357, %swap3A_358], %swap3A_361 {strides = array<i32>} : memref<4x128xf32, #tpu.memory_space<vmem>>, vector<1x16xf32>,
    %swap3A_362 = arith.constant 1 : i32
    %swap3A_363 = arith.index_cast %swap3A_362 : i32 to index
    %swap3A_364 = arith.constant 48 : index
    %swap3A_365 = tpu.vector_load %arg11[%swap3A_363, %swap3A_364] {strides = array<i32>} : memref<4x128xf32, #tpu.memory_space<vmem>>, vector<1x16xf32>,
    %swap3A_366 = vector.shape_cast %swap3A_365 : vector<1x16xf32> to vector<16xf32>
    %swap3A_367 = vector.shape_cast %scan3A_342#3 : vector<16xf32> to vector<1x16xf32>
    tpu.vector_store %arg11[%swap3A_363, %swap3A_364], %swap3A_367 {strides = array<i32>} : memref<4x128xf32, #tpu.memory_space<vmem>>, vector<1x16xf32>,
    %swap3A_368 = arith.constant 1 : i32
    %swap3A_369 = arith.index_cast %swap3A_368 : i32 to index
    %swap3A_370 = arith.constant 64 : index
    %swap3A_371 = tpu.vector_load %arg11[%swap3A_369, %swap3A_370] {strides = array<i32>} : memref<4x128xf32, #tpu.memory_space<vmem>>, vector<1x16xf32>,
    %swap3A_372 = vector.shape_cast %swap3A_371 : vector<1x16xf32> to vector<16xf32>
    %swap3A_373 = vector.shape_cast %scan3A_342#4 : vector<16xf32> to vector<1x16xf32>
    tpu.vector_store %arg11[%swap3A_369, %swap3A_370], %swap3A_373 {strides = array<i32>} : memref<4x128xf32, #tpu.memory_space<vmem>>, vector<1x16xf32>,
    %swap3A_374 = arith.constant 1 : i32
    %swap3A_375 = arith.index_cast %swap3A_374 : i32 to index
    %swap3A_376 = arith.constant 80 : index
    %swap3A_377 = tpu.vector_load %arg11[%swap3A_375, %swap3A_376] {strides = array<i32>} : memref<4x128xf32, #tpu.memory_space<vmem>>, vector<1x16xf32>,
    %swap3A_378 = vector.shape_cast %swap3A_377 : vector<1x16xf32> to vector<16xf32>
    %swap3A_379 = vector.shape_cast %scan3A_342#5 : vector<16xf32> to vector<1x16xf32>
    tpu.vector_store %arg11[%swap3A_375, %swap3A_376], %swap3A_379 {strides = array<i32>} : memref<4x128xf32, #tpu.memory_space<vmem>>, vector<1x16xf32>,
    %swap3A_380 = arith.constant 1 : i32
    %swap3A_381 = arith.index_cast %swap3A_380 : i32 to index
    %swap3A_382 = arith.constant 96 : index
    %swap3A_383 = tpu.vector_load %arg11[%swap3A_381, %swap3A_382] {strides = array<i32>} : memref<4x128xf32, #tpu.memory_space<vmem>>, vector<1x16xf32>,
    %swap3A_384 = vector.shape_cast %swap3A_383 : vector<1x16xf32> to vector<16xf32>
    %swap3A_385 = vector.shape_cast %scan3A_342#6 : vector<16xf32> to vector<1x16xf32>
    tpu.vector_store %arg11[%swap3A_381, %swap3A_382], %swap3A_385 {strides = array<i32>} : memref<4x128xf32, #tpu.memory_space<vmem>>, vector<1x16xf32>,
    %swap3A_386 = arith.constant 1 : i32
    %swap3A_387 = arith.index_cast %swap3A_386 : i32 to index
    %swap3A_388 = arith.constant 112 : index
    %swap3A_389 = tpu.vector_load %arg11[%swap3A_387, %swap3A_388] {strides = array<i32>} : memref<4x128xf32, #tpu.memory_space<vmem>>, vector<1x16xf32>,
    %swap3A_390 = vector.shape_cast %swap3A_389 : vector<1x16xf32> to vector<16xf32>
    %swap3A_391 = vector.shape_cast %scan3A_342#7 : vector<16xf32> to vector<1x16xf32>
    tpu.vector_store %arg11[%swap3A_387, %swap3A_388], %swap3A_391 {strides = array<i32>} : memref<4x128xf32, #tpu.memory_space<vmem>>, vector<1x16xf32>,
    %dma_wait3A_392 = arith.constant 2 : i32
    %dma_wait3A_393 = arith.constant 416 : i32
    %dma_wait3A_394 = arith.constant 0 : i32
    %dma_wait3A_395 = tpu.memref_slice %arg10[%dma_wait3A_393, %dma_wait3A_394] : memref<832x128xf32, #tpu.memory_space<vmem>> -> memref<128x128xf32, #tpu.memory_space<vmem>>
    %dma_wait3A_396 = arith.constant 0 : i32
    %dma_wait3A_397 = tpu.memref_slice %arg9[%dma_wait3A_392, %dma_wait3A_396] : memref<4x208xi32, #tpu.memory_space<vmem>> -> memref<1x128xi32, #tpu.memory_space<vmem>>
    %dma_wait3A_398 = tpu.memref_squeeze %dma_wait3A_397 : memref<1x128xi32, #tpu.memory_space<vmem>> -> memref<128xi32, #tpu.memory_space<vmem>>
    %dma_wait3A_399 = arith.constant 0 : i32
    %dma_wait3A_400 = arith.constant 0 : i32
    %dma_wait3A_401 = tpu.memref_slice %arg4[%dma_wait3A_399, %dma_wait3A_400] : memref<100001x128xf32, #tpu.memory_space<hbm>> -> memref<100001x128xf32, #tpu.memory_space<hbm>>
    tpu.wait_indirect_dma semaphore(%arg16 : memref<!tpu.dma_semaphore, #tpu.memory_space<semaphore_mem>>) src(%dma_wait3A_401 : memref<100001x128xf32, #tpu.memory_space<hbm>>) dst(%dma_wait3A_395 : memref<128x128xf32, #tpu.memory_space<vmem>>)
    %dma_wait3A_402 = arith.constant 2 : i32
    %dma_wait3A_403 = arith.constant 544 : i32
    %dma_wait3A_404 = arith.constant 0 : i32
    %dma_wait3A_405 = tpu.memref_slice %arg10[%dma_wait3A_403, %dma_wait3A_404] : memref<832x128xf32, #tpu.memory_space<vmem>> -> memref<80x128xf32, #tpu.memory_space<vmem>>
    %dma_wait3A_406 = arith.constant 128 : i32
    %dma_wait3A_407 = tpu.memref_slice %arg9[%dma_wait3A_402, %dma_wait3A_406] : memref<4x208xi32, #tpu.memory_space<vmem>> -> memref<1x80xi32, #tpu.memory_space<vmem>>
    %dma_wait3A_408 = tpu.memref_squeeze %dma_wait3A_407 : memref<1x80xi32, #tpu.memory_space<vmem>> -> memref<80xi32, #tpu.memory_space<vmem>>
    %dma_wait3A_409 = arith.constant 0 : i32
    %dma_wait3A_410 = arith.constant 0 : i32
    %dma_wait3A_411 = tpu.memref_slice %arg4[%dma_wait3A_409, %dma_wait3A_410] : memref<100001x128xf32, #tpu.memory_space<hbm>> -> memref<100001x128xf32, #tpu.memory_space<hbm>>
    tpu.wait_indirect_dma semaphore(%arg16 : memref<!tpu.dma_semaphore, #tpu.memory_space<semaphore_mem>>) src(%dma_wait3A_411 : memref<100001x128xf32, #tpu.memory_space<hbm>>) dst(%dma_wait3A_405 : memref<80x128xf32, #tpu.memory_space<vmem>>)
    %broadcast_in_dim3A_412 = arith.constant 0.000000e+00 : f32
    %broadcast_in_dim3A_413 = vector.broadcast %broadcast_in_dim3A_412 : f32 to vector<16xf32>
    %broadcast_in_dim3A_414 = arith.constant 0.000000e+00 : f32
    %broadcast_in_dim3A_415 = vector.broadcast %broadcast_in_dim3A_414 : f32 to vector<16xf32>
    %broadcast_in_dim3A_416 = arith.constant 0.000000e+00 : f32
    %broadcast_in_dim3A_417 = vector.broadcast %broadcast_in_dim3A_416 : f32 to vector<16xf32>
    %broadcast_in_dim3A_418 = arith.constant 0.000000e+00 : f32
    %broadcast_in_dim3A_419 = vector.broadcast %broadcast_in_dim3A_418 : f32 to vector<16xf32>
    %broadcast_in_dim3A_420 = arith.constant 0.000000e+00 : f32
    %broadcast_in_dim3A_421 = vector.broadcast %broadcast_in_dim3A_420 : f32 to vector<16xf32>
    %broadcast_in_dim3A_422 = arith.constant 0.000000e+00 : f32
    %broadcast_in_dim3A_423 = vector.broadcast %broadcast_in_dim3A_422 : f32 to vector<16xf32>
    %broadcast_in_dim3A_424 = arith.constant 0.000000e+00 : f32
    %broadcast_in_dim3A_425 = vector.broadcast %broadcast_in_dim3A_424 : f32 to vector<16xf32>
    %broadcast_in_dim3A_426 = arith.constant 0.000000e+00 : f32
    %broadcast_in_dim3A_427 = vector.broadcast %broadcast_in_dim3A_426 : f32 to vector<16xf32>
    %scan3A_428 = arith.constant 0 : i32
    %scan3A_429 = arith.constant 52 : i32
    %scan3A_430 = arith.addi %scan3A_428, %scan3A_429 : i32
    %scan3A_431 = arith.constant 1 : i32
    %scan3A_432:8 = scf.for %scan3A_592 = %scan3A_428 to %scan3A_430 step %scan3A_431 iter_args(%scan3A_593 = %broadcast_in_dim3A_413, %scan3A_594 = %broadcast_in_dim3A_415, %scan3A_595 = %broadcast_in_dim3A_417, %scan3A_596 = %broadcast_in_dim3A_419, %scan3A_597 = %broadcast_in_dim3A_421, %scan3A_598 = %broadcast_in_dim3A_423, %scan3A_599 = %broadcast_in_dim3A_425, %scan3A_600 = %broadcast_in_dim3A_427) -> (vector<16xf32>, vector<16xf32>, vector<16xf32>, vector<16xf32>, vector<16xf32>, vector<16xf32>, vector<16xf32>, vector<16xf32>)  : i32 {
      %mul3A_601 = arith.constant 4 : i32
      %mul3A_602 = arith.muli %scan3A_592, %mul3A_601 : i32
      %add3A_603 = arith.constant 416 : i32
      %add3A_604 = arith.addi %add3A_603, %mul3A_602 : i32
      %add3A_605 = arith.constant 0 : i32
      %add3A_606 = arith.addi %add3A_604, %add3A_605 : i32
      %get3A = arith.index_cast %add3A_606 : i32 to index
      %get3A_607 = arith.constant 0 : index
      %get3A_608 = tpu.vector_load %arg10[%get3A, %get3A_607] {strides = array<i32>} : memref<832x128xf32, #tpu.memory_space<vmem>>, vector<1x16xf32>,
      %get3A_609 = vector.shape_cast %get3A_608 : vector<1x16xf32> to vector<16xf32>
      %add3A_610 = arith.addf %scan3A_593, %get3A_609 : vector<16xf32>
      %get3A_611 = arith.index_cast %add3A_606 : i32 to index
      %get3A_612 = arith.constant 16 : index
      %get3A_613 = tpu.vector_load %arg10[%get3A_611, %get3A_612] {strides = array<i32>} : memref<832x128xf32, #tpu.memory_space<vmem>>, vector<1x16xf32>,
      %get3A_614 = vector.shape_cast %get3A_613 : vector<1x16xf32> to vector<16xf32>
      %add3A_615 = arith.addf %scan3A_594, %get3A_614 : vector<16xf32>
      %get3A_616 = arith.index_cast %add3A_606 : i32 to index
      %get3A_617 = arith.constant 32 : index
      %get3A_618 = tpu.vector_load %arg10[%get3A_616, %get3A_617] {strides = array<i32>} : memref<832x128xf32, #tpu.memory_space<vmem>>, vector<1x16xf32>,
      %get3A_619 = vector.shape_cast %get3A_618 : vector<1x16xf32> to vector<16xf32>
      %add3A_620 = arith.addf %scan3A_595, %get3A_619 : vector<16xf32>
      %get3A_621 = arith.index_cast %add3A_606 : i32 to index
      %get3A_622 = arith.constant 48 : index
      %get3A_623 = tpu.vector_load %arg10[%get3A_621, %get3A_622] {strides = array<i32>} : memref<832x128xf32, #tpu.memory_space<vmem>>, vector<1x16xf32>,
      %get3A_624 = vector.shape_cast %get3A_623 : vector<1x16xf32> to vector<16xf32>
      %add3A_625 = arith.addf %scan3A_596, %get3A_624 : vector<16xf32>
      %get3A_626 = arith.index_cast %add3A_606 : i32 to index
      %get3A_627 = arith.constant 64 : index
      %get3A_628 = tpu.vector_load %arg10[%get3A_626, %get3A_627] {strides = array<i32>} : memref<832x128xf32, #tpu.memory_space<vmem>>, vector<1x16xf32>,
      %get3A_629 = vector.shape_cast %get3A_628 : vector<1x16xf32> to vector<16xf32>
      %add3A_630 = arith.addf %scan3A_597, %get3A_629 : vector<16xf32>
      %get3A_631 = arith.index_cast %add3A_606 : i32 to index
      %get3A_632 = arith.constant 80 : index
      %get3A_633 = tpu.vector_load %arg10[%get3A_631, %get3A_632] {strides = array<i32>} : memref<832x128xf32, #tpu.memory_space<vmem>>, vector<1x16xf32>,
      %get3A_634 = vector.shape_cast %get3A_633 : vector<1x16xf32> to vector<16xf32>
      %add3A_635 = arith.addf %scan3A_598, %get3A_634 : vector<16xf32>
      %get3A_636 = arith.index_cast %add3A_606 : i32 to index
      %get3A_637 = arith.constant 96 : index
      %get3A_638 = tpu.vector_load %arg10[%get3A_636, %get3A_637] {strides = array<i32>} : memref<832x128xf32, #tpu.memory_space<vmem>>, vector<1x16xf32>,
      %get3A_639 = vector.shape_cast %get3A_638 : vector<1x16xf32> to vector<16xf32>
      %add3A_640 = arith.addf %scan3A_599, %get3A_639 : vector<16xf32>
      %get3A_641 = arith.index_cast %add3A_606 : i32 to index
      %get3A_642 = arith.constant 112 : index
      %get3A_643 = tpu.vector_load %arg10[%get3A_641, %get3A_642] {strides = array<i32>} : memref<832x128xf32, #tpu.memory_space<vmem>>, vector<1x16xf32>,
      %get3A_644 = vector.shape_cast %get3A_643 : vector<1x16xf32> to vector<16xf32>
      %add3A_645 = arith.addf %scan3A_600, %get3A_644 : vector<16xf32>
      %mul3A_646 = arith.constant 4 : i32
      %mul3A_647 = arith.muli %scan3A_592, %mul3A_646 : i32
      %add3A_648 = arith.constant 416 : i32
      %add3A_649 = arith.addi %add3A_648, %mul3A_647 : i32
      %add3A_650 = arith.constant 1 : i32
      %add3A_651 = arith.addi %add3A_649, %add3A_650 : i32
      %get3A_652 = arith.index_cast %add3A_651 : i32 to index
      %get3A_653 = arith.constant 0 : index
      %get3A_654 = tpu.vector_load %arg10[%get3A_652, %get3A_653] {strides = array<i32>} : memref<832x128xf32, #tpu.memory_space<vmem>>, vector<1x16xf32>,
      %get3A_655 = vector.shape_cast %get3A_654 : vector<1x16xf32> to vector<16xf32>
      %add3A_656 = arith.addf %add3A_610, %get3A_655 : vector<16xf32>
      %get3A_657 = arith.index_cast %add3A_651 : i32 to index
      %get3A_658 = arith.constant 16 : index
      %get3A_659 = tpu.vector_load %arg10[%get3A_657, %get3A_658] {strides = array<i32>} : memref<832x128xf32, #tpu.memory_space<vmem>>, vector<1x16xf32>,
      %get3A_660 = vector.shape_cast %get3A_659 : vector<1x16xf32> to vector<16xf32>
      %add3A_661 = arith.addf %add3A_615, %get3A_660 : vector<16xf32>
      %get3A_662 = arith.index_cast %add3A_651 : i32 to index
      %get3A_663 = arith.constant 32 : index
      %get3A_664 = tpu.vector_load %arg10[%get3A_662, %get3A_663] {strides = array<i32>} : memref<832x128xf32, #tpu.memory_space<vmem>>, vector<1x16xf32>,
      %get3A_665 = vector.shape_cast %get3A_664 : vector<1x16xf32> to vector<16xf32>
      %add3A_666 = arith.addf %add3A_620, %get3A_665 : vector<16xf32>
      %get3A_667 = arith.index_cast %add3A_651 : i32 to index
      %get3A_668 = arith.constant 48 : index
      %get3A_669 = tpu.vector_load %arg10[%get3A_667, %get3A_668] {strides = array<i32>} : memref<832x128xf32, #tpu.memory_space<vmem>>, vector<1x16xf32>,
      %get3A_670 = vector.shape_cast %get3A_669 : vector<1x16xf32> to vector<16xf32>
      %add3A_671 = arith.addf %add3A_625, %get3A_670 : vector<16xf32>
      %get3A_672 = arith.index_cast %add3A_651 : i32 to index
      %get3A_673 = arith.constant 64 : index
      %get3A_674 = tpu.vector_load %arg10[%get3A_672, %get3A_673] {strides = array<i32>} : memref<832x128xf32, #tpu.memory_space<vmem>>, vector<1x16xf32>,
      %get3A_675 = vector.shape_cast %get3A_674 : vector<1x16xf32> to vector<16xf32>
      %add3A_676 = arith.addf %add3A_630, %get3A_675 : vector<16xf32>
      %get3A_677 = arith.index_cast %add3A_651 : i32 to index
      %get3A_678 = arith.constant 80 : index
      %get3A_679 = tpu.vector_load %arg10[%get3A_677, %get3A_678] {strides = array<i32>} : memref<832x128xf32, #tpu.memory_space<vmem>>, vector<1x16xf32>,
      %get3A_680 = vector.shape_cast %get3A_679 : vector<1x16xf32> to vector<16xf32>
      %add3A_681 = arith.addf %add3A_635, %get3A_680 : vector<16xf32>
      %get3A_682 = arith.index_cast %add3A_651 : i32 to index
      %get3A_683 = arith.constant 96 : index
      %get3A_684 = tpu.vector_load %arg10[%get3A_682, %get3A_683] {strides = array<i32>} : memref<832x128xf32, #tpu.memory_space<vmem>>, vector<1x16xf32>,
      %get3A_685 = vector.shape_cast %get3A_684 : vector<1x16xf32> to vector<16xf32>
      %add3A_686 = arith.addf %add3A_640, %get3A_685 : vector<16xf32>
      %get3A_687 = arith.index_cast %add3A_651 : i32 to index
      %get3A_688 = arith.constant 112 : index
      %get3A_689 = tpu.vector_load %arg10[%get3A_687, %get3A_688] {strides = array<i32>} : memref<832x128xf32, #tpu.memory_space<vmem>>, vector<1x16xf32>,
      %get3A_690 = vector.shape_cast %get3A_689 : vector<1x16xf32> to vector<16xf32>
      %add3A_691 = arith.addf %add3A_645, %get3A_690 : vector<16xf32>
      %mul3A_692 = arith.constant 4 : i32
      %mul3A_693 = arith.muli %scan3A_592, %mul3A_692 : i32
      %add3A_694 = arith.constant 416 : i32
      %add3A_695 = arith.addi %add3A_694, %mul3A_693 : i32
      %add3A_696 = arith.constant 2 : i32
      %add3A_697 = arith.addi %add3A_695, %add3A_696 : i32
      %get3A_698 = arith.index_cast %add3A_697 : i32 to index
      %get3A_699 = arith.constant 0 : index
      %get3A_700 = tpu.vector_load %arg10[%get3A_698, %get3A_699] {strides = array<i32>} : memref<832x128xf32, #tpu.memory_space<vmem>>, vector<1x16xf32>,
      %get3A_701 = vector.shape_cast %get3A_700 : vector<1x16xf32> to vector<16xf32>
      %add3A_702 = arith.addf %add3A_656, %get3A_701 : vector<16xf32>
      %get3A_703 = arith.index_cast %add3A_697 : i32 to index
      %get3A_704 = arith.constant 16 : index
      %get3A_705 = tpu.vector_load %arg10[%get3A_703, %get3A_704] {strides = array<i32>} : memref<832x128xf32, #tpu.memory_space<vmem>>, vector<1x16xf32>,
      %get3A_706 = vector.shape_cast %get3A_705 : vector<1x16xf32> to vector<16xf32>
      %add3A_707 = arith.addf %add3A_661, %get3A_706 : vector<16xf32>
      %get3A_708 = arith.index_cast %add3A_697 : i32 to index
      %get3A_709 = arith.constant 32 : index
      %get3A_710 = tpu.vector_load %arg10[%get3A_708, %get3A_709] {strides = array<i32>} : memref<832x128xf32, #tpu.memory_space<vmem>>, vector<1x16xf32>,
      %get3A_711 = vector.shape_cast %get3A_710 : vector<1x16xf32> to vector<16xf32>
      %add3A_712 = arith.addf %add3A_666, %get3A_711 : vector<16xf32>
      %get3A_713 = arith.index_cast %add3A_697 : i32 to index
      %get3A_714 = arith.constant 48 : index
      %get3A_715 = tpu.vector_load %arg10[%get3A_713, %get3A_714] {strides = array<i32>} : memref<832x128xf32, #tpu.memory_space<vmem>>, vector<1x16xf32>,
      %get3A_716 = vector.shape_cast %get3A_715 : vector<1x16xf32> to vector<16xf32>
      %add3A_717 = arith.addf %add3A_671, %get3A_716 : vector<16xf32>
      %get3A_718 = arith.index_cast %add3A_697 : i32 to index
      %get3A_719 = arith.constant 64 : index
      %get3A_720 = tpu.vector_load %arg10[%get3A_718, %get3A_719] {strides = array<i32>} : memref<832x128xf32, #tpu.memory_space<vmem>>, vector<1x16xf32>,
      %get3A_721 = vector.shape_cast %get3A_720 : vector<1x16xf32> to vector<16xf32>
      %add3A_722 = arith.addf %add3A_676, %get3A_721 : vector<16xf32>
      %get3A_723 = arith.index_cast %add3A_697 : i32 to index
      %get3A_724 = arith.constant 80 : index
      %get3A_725 = tpu.vector_load %arg10[%get3A_723, %get3A_724] {strides = array<i32>} : memref<832x128xf32, #tpu.memory_space<vmem>>, vector<1x16xf32>,
      %get3A_726 = vector.shape_cast %get3A_725 : vector<1x16xf32> to vector<16xf32>
      %add3A_727 = arith.addf %add3A_681, %get3A_726 : vector<16xf32>
      %get3A_728 = arith.index_cast %add3A_697 : i32 to index
      %get3A_729 = arith.constant 96 : index
      %get3A_730 = tpu.vector_load %arg10[%get3A_728, %get3A_729] {strides = array<i32>} : memref<832x128xf32, #tpu.memory_space<vmem>>, vector<1x16xf32>,
      %get3A_731 = vector.shape_cast %get3A_730 : vector<1x16xf32> to vector<16xf32>
      %add3A_732 = arith.addf %add3A_686, %get3A_731 : vector<16xf32>
      %get3A_733 = arith.index_cast %add3A_697 : i32 to index
      %get3A_734 = arith.constant 112 : index
      %get3A_735 = tpu.vector_load %arg10[%get3A_733, %get3A_734] {strides = array<i32>} : memref<832x128xf32, #tpu.memory_space<vmem>>, vector<1x16xf32>,
      %get3A_736 = vector.shape_cast %get3A_735 : vector<1x16xf32> to vector<16xf32>
      %add3A_737 = arith.addf %add3A_691, %get3A_736 : vector<16xf32>
      %mul3A_738 = arith.constant 4 : i32
      %mul3A_739 = arith.muli %scan3A_592, %mul3A_738 : i32
      %add3A_740 = arith.constant 416 : i32
      %add3A_741 = arith.addi %add3A_740, %mul3A_739 : i32
      %add3A_742 = arith.constant 3 : i32
      %add3A_743 = arith.addi %add3A_741, %add3A_742 : i32
      %get3A_744 = arith.index_cast %add3A_743 : i32 to index
      %get3A_745 = arith.constant 0 : index
      %get3A_746 = tpu.vector_load %arg10[%get3A_744, %get3A_745] {strides = array<i32>} : memref<832x128xf32, #tpu.memory_space<vmem>>, vector<1x16xf32>,
      %get3A_747 = vector.shape_cast %get3A_746 : vector<1x16xf32> to vector<16xf32>
      %add3A_748 = arith.addf %add3A_702, %get3A_747 : vector<16xf32>
      %get3A_749 = arith.index_cast %add3A_743 : i32 to index
      %get3A_750 = arith.constant 16 : index
      %get3A_751 = tpu.vector_load %arg10[%get3A_749, %get3A_750] {strides = array<i32>} : memref<832x128xf32, #tpu.memory_space<vmem>>, vector<1x16xf32>,
      %get3A_752 = vector.shape_cast %get3A_751 : vector<1x16xf32> to vector<16xf32>
      %add3A_753 = arith.addf %add3A_707, %get3A_752 : vector<16xf32>
      %get3A_754 = arith.index_cast %add3A_743 : i32 to index
      %get3A_755 = arith.constant 32 : index
      %get3A_756 = tpu.vector_load %arg10[%get3A_754, %get3A_755] {strides = array<i32>} : memref<832x128xf32, #tpu.memory_space<vmem>>, vector<1x16xf32>,
      %get3A_757 = vector.shape_cast %get3A_756 : vector<1x16xf32> to vector<16xf32>
      %add3A_758 = arith.addf %add3A_712, %get3A_757 : vector<16xf32>
      %get3A_759 = arith.index_cast %add3A_743 : i32 to index
      %get3A_760 = arith.constant 48 : index
      %get3A_761 = tpu.vector_load %arg10[%get3A_759, %get3A_760] {strides = array<i32>} : memref<832x128xf32, #tpu.memory_space<vmem>>, vector<1x16xf32>,
      %get3A_762 = vector.shape_cast %get3A_761 : vector<1x16xf32> to vector<16xf32>
      %add3A_763 = arith.addf %add3A_717, %get3A_762 : vector<16xf32>
      %get3A_764 = arith.index_cast %add3A_743 : i32 to index
      %get3A_765 = arith.constant 64 : index
      %get3A_766 = tpu.vector_load %arg10[%get3A_764, %get3A_765] {strides = array<i32>} : memref<832x128xf32, #tpu.memory_space<vmem>>, vector<1x16xf32>,
      %get3A_767 = vector.shape_cast %get3A_766 : vector<1x16xf32> to vector<16xf32>
      %add3A_768 = arith.addf %add3A_722, %get3A_767 : vector<16xf32>
      %get3A_769 = arith.index_cast %add3A_743 : i32 to index
      %get3A_770 = arith.constant 80 : index
      %get3A_771 = tpu.vector_load %arg10[%get3A_769, %get3A_770] {strides = array<i32>} : memref<832x128xf32, #tpu.memory_space<vmem>>, vector<1x16xf32>,
      %get3A_772 = vector.shape_cast %get3A_771 : vector<1x16xf32> to vector<16xf32>
      %add3A_773 = arith.addf %add3A_727, %get3A_772 : vector<16xf32>
      %get3A_774 = arith.index_cast %add3A_743 : i32 to index
      %get3A_775 = arith.constant 96 : index
      %get3A_776 = tpu.vector_load %arg10[%get3A_774, %get3A_775] {strides = array<i32>} : memref<832x128xf32, #tpu.memory_space<vmem>>, vector<1x16xf32>,
      %get3A_777 = vector.shape_cast %get3A_776 : vector<1x16xf32> to vector<16xf32>
      %add3A_778 = arith.addf %add3A_732, %get3A_777 : vector<16xf32>
      %get3A_779 = arith.index_cast %add3A_743 : i32 to index
      %get3A_780 = arith.constant 112 : index
      %get3A_781 = tpu.vector_load %arg10[%get3A_779, %get3A_780] {strides = array<i32>} : memref<832x128xf32, #tpu.memory_space<vmem>>, vector<1x16xf32>,
      %get3A_782 = vector.shape_cast %get3A_781 : vector<1x16xf32> to vector<16xf32>
      %add3A_783 = arith.addf %add3A_737, %get3A_782 : vector<16xf32>
      scf.yield %add3A_748, %add3A_753, %add3A_758, %add3A_763, %add3A_768, %add3A_773, %add3A_778, %add3A_783 : vector<16xf32>, vector<16xf32>, vector<16xf32>, vector<16xf32>, vector<16xf32>, vector<16xf32>, vector<16xf32>, vector<16xf32>
    }
    %scan3A_433 = arith.constant 52 : i32
    %swap3A_434 = arith.constant 2 : i32
    %swap3A_435 = arith.index_cast %swap3A_434 : i32 to index
    %swap3A_436 = arith.constant 0 : index
    %swap3A_437 = tpu.vector_load %arg11[%swap3A_435, %swap3A_436] {strides = array<i32>} : memref<4x128xf32, #tpu.memory_space<vmem>>, vector<1x16xf32>,
    %swap3A_438 = vector.shape_cast %swap3A_437 : vector<1x16xf32> to vector<16xf32>
    %swap3A_439 = vector.shape_cast %scan3A_432#0 : vector<16xf32> to vector<1x16xf32>
    tpu.vector_store %arg11[%swap3A_435, %swap3A_436], %swap3A_439 {strides = array<i32>} : memref<4x128xf32, #tpu.memory_space<vmem>>, vector<1x16xf32>,
    %swap3A_440 = arith.constant 2 : i32
    %swap3A_441 = arith.index_cast %swap3A_440 : i32 to index
    %swap3A_442 = arith.constant 16 : index
    %swap3A_443 = tpu.vector_load %arg11[%swap3A_441, %swap3A_442] {strides = array<i32>} : memref<4x128xf32, #tpu.memory_space<vmem>>, vector<1x16xf32>,
    %swap3A_444 = vector.shape_cast %swap3A_443 : vector<1x16xf32> to vector<16xf32>
    %swap3A_445 = vector.shape_cast %scan3A_432#1 : vector<16xf32> to vector<1x16xf32>
    tpu.vector_store %arg11[%swap3A_441, %swap3A_442], %swap3A_445 {strides = array<i32>} : memref<4x128xf32, #tpu.memory_space<vmem>>, vector<1x16xf32>,
    %swap3A_446 = arith.constant 2 : i32
    %swap3A_447 = arith.index_cast %swap3A_446 : i32 to index
    %swap3A_448 = arith.constant 32 : index
    %swap3A_449 = tpu.vector_load %arg11[%swap3A_447, %swap3A_448] {strides = array<i32>} : memref<4x128xf32, #tpu.memory_space<vmem>>, vector<1x16xf32>,
    %swap3A_450 = vector.shape_cast %swap3A_449 : vector<1x16xf32> to vector<16xf32>
    %swap3A_451 = vector.shape_cast %scan3A_432#2 : vector<16xf32> to vector<1x16xf32>
    tpu.vector_store %arg11[%swap3A_447, %swap3A_448], %swap3A_451 {strides = array<i32>} : memref<4x128xf32, #tpu.memory_space<vmem>>, vector<1x16xf32>,
    %swap3A_452 = arith.constant 2 : i32
    %swap3A_453 = arith.index_cast %swap3A_452 : i32 to index
    %swap3A_454 = arith.constant 48 : index
    %swap3A_455 = tpu.vector_load %arg11[%swap3A_453, %swap3A_454] {strides = array<i32>} : memref<4x128xf32, #tpu.memory_space<vmem>>, vector<1x16xf32>,
    %swap3A_456 = vector.shape_cast %swap3A_455 : vector<1x16xf32> to vector<16xf32>
    %swap3A_457 = vector.shape_cast %scan3A_432#3 : vector<16xf32> to vector<1x16xf32>
    tpu.vector_store %arg11[%swap3A_453, %swap3A_454], %swap3A_457 {strides = array<i32>} : memref<4x128xf32, #tpu.memory_space<vmem>>, vector<1x16xf32>,
    %swap3A_458 = arith.constant 2 : i32
    %swap3A_459 = arith.index_cast %swap3A_458 : i32 to index
    %swap3A_460 = arith.constant 64 : index
    %swap3A_461 = tpu.vector_load %arg11[%swap3A_459, %swap3A_460] {strides = array<i32>} : memref<4x128xf32, #tpu.memory_space<vmem>>, vector<1x16xf32>,
    %swap3A_462 = vector.shape_cast %swap3A_461 : vector<1x16xf32> to vector<16xf32>
    %swap3A_463 = vector.shape_cast %scan3A_432#4 : vector<16xf32> to vector<1x16xf32>
    tpu.vector_store %arg11[%swap3A_459, %swap3A_460], %swap3A_463 {strides = array<i32>} : memref<4x128xf32, #tpu.memory_space<vmem>>, vector<1x16xf32>,
    %swap3A_464 = arith.constant 2 : i32
    %swap3A_465 = arith.index_cast %swap3A_464 : i32 to index
    %swap3A_466 = arith.constant 80 : index
    %swap3A_467 = tpu.vector_load %arg11[%swap3A_465, %swap3A_466] {strides = array<i32>} : memref<4x128xf32, #tpu.memory_space<vmem>>, vector<1x16xf32>,
    %swap3A_468 = vector.shape_cast %swap3A_467 : vector<1x16xf32> to vector<16xf32>
    %swap3A_469 = vector.shape_cast %scan3A_432#5 : vector<16xf32> to vector<1x16xf32>
    tpu.vector_store %arg11[%swap3A_465, %swap3A_466], %swap3A_469 {strides = array<i32>} : memref<4x128xf32, #tpu.memory_space<vmem>>, vector<1x16xf32>,
    %swap3A_470 = arith.constant 2 : i32
    %swap3A_471 = arith.index_cast %swap3A_470 : i32 to index
    %swap3A_472 = arith.constant 96 : index
    %swap3A_473 = tpu.vector_load %arg11[%swap3A_471, %swap3A_472] {strides = array<i32>} : memref<4x128xf32, #tpu.memory_space<vmem>>, vector<1x16xf32>,
    %swap3A_474 = vector.shape_cast %swap3A_473 : vector<1x16xf32> to vector<16xf32>
    %swap3A_475 = vector.shape_cast %scan3A_432#6 : vector<16xf32> to vector<1x16xf32>
    tpu.vector_store %arg11[%swap3A_471, %swap3A_472], %swap3A_475 {strides = array<i32>} : memref<4x128xf32, #tpu.memory_space<vmem>>, vector<1x16xf32>,
    %swap3A_476 = arith.constant 2 : i32
    %swap3A_477 = arith.index_cast %swap3A_476 : i32 to index
    %swap3A_478 = arith.constant 112 : index
    %swap3A_479 = tpu.vector_load %arg11[%swap3A_477, %swap3A_478] {strides = array<i32>} : memref<4x128xf32, #tpu.memory_space<vmem>>, vector<1x16xf32>,
    %swap3A_480 = vector.shape_cast %swap3A_479 : vector<1x16xf32> to vector<16xf32>
    %swap3A_481 = vector.shape_cast %scan3A_432#7 : vector<16xf32> to vector<1x16xf32>
    tpu.vector_store %arg11[%swap3A_477, %swap3A_478], %swap3A_481 {strides = array<i32>} : memref<4x128xf32, #tpu.memory_space<vmem>>, vector<1x16xf32>,
    %dma_wait3A_482 = arith.constant 3 : i32
    %dma_wait3A_483 = arith.constant 624 : i32
    %dma_wait3A_484 = arith.constant 0 : i32
    %dma_wait3A_485 = tpu.memref_slice %arg10[%dma_wait3A_483, %dma_wait3A_484] : memref<832x128xf32, #tpu.memory_space<vmem>> -> memref<128x128xf32, #tpu.memory_space<vmem>>
    %dma_wait3A_486 = arith.constant 0 : i32
    %dma_wait3A_487 = tpu.memref_slice %arg9[%dma_wait3A_482, %dma_wait3A_486] : memref<4x208xi32, #tpu.memory_space<vmem>> -> memref<1x128xi32, #tpu.memory_space<vmem>>
    %dma_wait3A_488 = tpu.memref_squeeze %dma_wait3A_487 : memref<1x128xi32, #tpu.memory_space<vmem>> -> memref<128xi32, #tpu.memory_space<vmem>>
    %dma_wait3A_489 = arith.constant 0 : i32
    %dma_wait3A_490 = arith.constant 0 : i32
    %dma_wait3A_491 = tpu.memref_slice %arg4[%dma_wait3A_489, %dma_wait3A_490] : memref<100001x128xf32, #tpu.memory_space<hbm>> -> memref<100001x128xf32, #tpu.memory_space<hbm>>
    tpu.wait_indirect_dma semaphore(%arg17 : memref<!tpu.dma_semaphore, #tpu.memory_space<semaphore_mem>>) src(%dma_wait3A_491 : memref<100001x128xf32, #tpu.memory_space<hbm>>) dst(%dma_wait3A_485 : memref<128x128xf32, #tpu.memory_space<vmem>>)
    %dma_wait3A_492 = arith.constant 3 : i32
    %dma_wait3A_493 = arith.constant 752 : i32
    %dma_wait3A_494 = arith.constant 0 : i32
    %dma_wait3A_495 = tpu.memref_slice %arg10[%dma_wait3A_493, %dma_wait3A_494] : memref<832x128xf32, #tpu.memory_space<vmem>> -> memref<80x128xf32, #tpu.memory_space<vmem>>
    %dma_wait3A_496 = arith.constant 128 : i32
    %dma_wait3A_497 = tpu.memref_slice %arg9[%dma_wait3A_492, %dma_wait3A_496] : memref<4x208xi32, #tpu.memory_space<vmem>> -> memref<1x80xi32, #tpu.memory_space<vmem>>
    %dma_wait3A_498 = tpu.memref_squeeze %dma_wait3A_497 : memref<1x80xi32, #tpu.memory_space<vmem>> -> memref<80xi32, #tpu.memory_space<vmem>>
    %dma_wait3A_499 = arith.constant 0 : i32
    %dma_wait3A_500 = arith.constant 0 : i32
    %dma_wait3A_501 = tpu.memref_slice %arg4[%dma_wait3A_499, %dma_wait3A_500] : memref<100001x128xf32, #tpu.memory_space<hbm>> -> memref<100001x128xf32, #tpu.memory_space<hbm>>
    tpu.wait_indirect_dma semaphore(%arg17 : memref<!tpu.dma_semaphore, #tpu.memory_space<semaphore_mem>>) src(%dma_wait3A_501 : memref<100001x128xf32, #tpu.memory_space<hbm>>) dst(%dma_wait3A_495 : memref<80x128xf32, #tpu.memory_space<vmem>>)
    %broadcast_in_dim3A_502 = arith.constant 0.000000e+00 : f32
    %broadcast_in_dim3A_503 = vector.broadcast %broadcast_in_dim3A_502 : f32 to vector<16xf32>
    %broadcast_in_dim3A_504 = arith.constant 0.000000e+00 : f32
    %broadcast_in_dim3A_505 = vector.broadcast %broadcast_in_dim3A_504 : f32 to vector<16xf32>
    %broadcast_in_dim3A_506 = arith.constant 0.000000e+00 : f32
    %broadcast_in_dim3A_507 = vector.broadcast %broadcast_in_dim3A_506 : f32 to vector<16xf32>
    %broadcast_in_dim3A_508 = arith.constant 0.000000e+00 : f32
    %broadcast_in_dim3A_509 = vector.broadcast %broadcast_in_dim3A_508 : f32 to vector<16xf32>
    %broadcast_in_dim3A_510 = arith.constant 0.000000e+00 : f32
    %broadcast_in_dim3A_511 = vector.broadcast %broadcast_in_dim3A_510 : f32 to vector<16xf32>
    %broadcast_in_dim3A_512 = arith.constant 0.000000e+00 : f32
    %broadcast_in_dim3A_513 = vector.broadcast %broadcast_in_dim3A_512 : f32 to vector<16xf32>
    %broadcast_in_dim3A_514 = arith.constant 0.000000e+00 : f32
    %broadcast_in_dim3A_515 = vector.broadcast %broadcast_in_dim3A_514 : f32 to vector<16xf32>
    %broadcast_in_dim3A_516 = arith.constant 0.000000e+00 : f32
    %broadcast_in_dim3A_517 = vector.broadcast %broadcast_in_dim3A_516 : f32 to vector<16xf32>
    %scan3A_518 = arith.constant 0 : i32
    %scan3A_519 = arith.constant 52 : i32
    %scan3A_520 = arith.addi %scan3A_518, %scan3A_519 : i32
    %scan3A_521 = arith.constant 1 : i32
    %scan3A_522:8 = scf.for %scan3A_592 = %scan3A_518 to %scan3A_520 step %scan3A_521 iter_args(%scan3A_593 = %broadcast_in_dim3A_503, %scan3A_594 = %broadcast_in_dim3A_505, %scan3A_595 = %broadcast_in_dim3A_507, %scan3A_596 = %broadcast_in_dim3A_509, %scan3A_597 = %broadcast_in_dim3A_511, %scan3A_598 = %broadcast_in_dim3A_513, %scan3A_599 = %broadcast_in_dim3A_515, %scan3A_600 = %broadcast_in_dim3A_517) -> (vector<16xf32>, vector<16xf32>, vector<16xf32>, vector<16xf32>, vector<16xf32>, vector<16xf32>, vector<16xf32>, vector<16xf32>)  : i32 {
      %mul3A_601 = arith.constant 4 : i32
      %mul3A_602 = arith.muli %scan3A_592, %mul3A_601 : i32
      %add3A_603 = arith.constant 624 : i32
      %add3A_604 = arith.addi %add3A_603, %mul3A_602 : i32
      %add3A_605 = arith.constant 0 : i32
      %add3A_606 = arith.addi %add3A_604, %add3A_605 : i32
      %get3A = arith.index_cast %add3A_606 : i32 to index
      %get3A_607 = arith.constant 0 : index
      %get3A_608 = tpu.vector_load %arg10[%get3A, %get3A_607] {strides = array<i32>} : memref<832x128xf32, #tpu.memory_space<vmem>>, vector<1x16xf32>,
      %get3A_609 = vector.shape_cast %get3A_608 : vector<1x16xf32> to vector<16xf32>
      %add3A_610 = arith.addf %scan3A_593, %get3A_609 : vector<16xf32>
      %get3A_611 = arith.index_cast %add3A_606 : i32 to index
      %get3A_612 = arith.constant 16 : index
      %get3A_613 = tpu.vector_load %arg10[%get3A_611, %get3A_612] {strides = array<i32>} : memref<832x128xf32, #tpu.memory_space<vmem>>, vector<1x16xf32>,
      %get3A_614 = vector.shape_cast %get3A_613 : vector<1x16xf32> to vector<16xf32>
      %add3A_615 = arith.addf %scan3A_594, %get3A_614 : vector<16xf32>
      %get3A_616 = arith.index_cast %add3A_606 : i32 to index
      %get3A_617 = arith.constant 32 : index
      %get3A_618 = tpu.vector_load %arg10[%get3A_616, %get3A_617] {strides = array<i32>} : memref<832x128xf32, #tpu.memory_space<vmem>>, vector<1x16xf32>,
      %get3A_619 = vector.shape_cast %get3A_618 : vector<1x16xf32> to vector<16xf32>
      %add3A_620 = arith.addf %scan3A_595, %get3A_619 : vector<16xf32>
      %get3A_621 = arith.index_cast %add3A_606 : i32 to index
      %get3A_622 = arith.constant 48 : index
      %get3A_623 = tpu.vector_load %arg10[%get3A_621, %get3A_622] {strides = array<i32>} : memref<832x128xf32, #tpu.memory_space<vmem>>, vector<1x16xf32>,
      %get3A_624 = vector.shape_cast %get3A_623 : vector<1x16xf32> to vector<16xf32>
      %add3A_625 = arith.addf %scan3A_596, %get3A_624 : vector<16xf32>
      %get3A_626 = arith.index_cast %add3A_606 : i32 to index
      %get3A_627 = arith.constant 64 : index
      %get3A_628 = tpu.vector_load %arg10[%get3A_626, %get3A_627] {strides = array<i32>} : memref<832x128xf32, #tpu.memory_space<vmem>>, vector<1x16xf32>,
      %get3A_629 = vector.shape_cast %get3A_628 : vector<1x16xf32> to vector<16xf32>
      %add3A_630 = arith.addf %scan3A_597, %get3A_629 : vector<16xf32>
      %get3A_631 = arith.index_cast %add3A_606 : i32 to index
      %get3A_632 = arith.constant 80 : index
      %get3A_633 = tpu.vector_load %arg10[%get3A_631, %get3A_632] {strides = array<i32>} : memref<832x128xf32, #tpu.memory_space<vmem>>, vector<1x16xf32>,
      %get3A_634 = vector.shape_cast %get3A_633 : vector<1x16xf32> to vector<16xf32>
      %add3A_635 = arith.addf %scan3A_598, %get3A_634 : vector<16xf32>
      %get3A_636 = arith.index_cast %add3A_606 : i32 to index
      %get3A_637 = arith.constant 96 : index
      %get3A_638 = tpu.vector_load %arg10[%get3A_636, %get3A_637] {strides = array<i32>} : memref<832x128xf32, #tpu.memory_space<vmem>>, vector<1x16xf32>,
      %get3A_639 = vector.shape_cast %get3A_638 : vector<1x16xf32> to vector<16xf32>
      %add3A_640 = arith.addf %scan3A_599, %get3A_639 : vector<16xf32>
      %get3A_641 = arith.index_cast %add3A_606 : i32 to index
      %get3A_642 = arith.constant 112 : index
      %get3A_643 = tpu.vector_load %arg10[%get3A_641, %get3A_642] {strides = array<i32>} : memref<832x128xf32, #tpu.memory_space<vmem>>, vector<1x16xf32>,
      %get3A_644 = vector.shape_cast %get3A_643 : vector<1x16xf32> to vector<16xf32>
      %add3A_645 = arith.addf %scan3A_600, %get3A_644 : vector<16xf32>
      %mul3A_646 = arith.constant 4 : i32
      %mul3A_647 = arith.muli %scan3A_592, %mul3A_646 : i32
      %add3A_648 = arith.constant 624 : i32
      %add3A_649 = arith.addi %add3A_648, %mul3A_647 : i32
      %add3A_650 = arith.constant 1 : i32
      %add3A_651 = arith.addi %add3A_649, %add3A_650 : i32
      %get3A_652 = arith.index_cast %add3A_651 : i32 to index
      %get3A_653 = arith.constant 0 : index
      %get3A_654 = tpu.vector_load %arg10[%get3A_652, %get3A_653] {strides = array<i32>} : memref<832x128xf32, #tpu.memory_space<vmem>>, vector<1x16xf32>,
      %get3A_655 = vector.shape_cast %get3A_654 : vector<1x16xf32> to vector<16xf32>
      %add3A_656 = arith.addf %add3A_610, %get3A_655 : vector<16xf32>
      %get3A_657 = arith.index_cast %add3A_651 : i32 to index
      %get3A_658 = arith.constant 16 : index
      %get3A_659 = tpu.vector_load %arg10[%get3A_657, %get3A_658] {strides = array<i32>} : memref<832x128xf32, #tpu.memory_space<vmem>>, vector<1x16xf32>,
      %get3A_660 = vector.shape_cast %get3A_659 : vector<1x16xf32> to vector<16xf32>
      %add3A_661 = arith.addf %add3A_615, %get3A_660 : vector<16xf32>
      %get3A_662 = arith.index_cast %add3A_651 : i32 to index
      %get3A_663 = arith.constant 32 : index
      %get3A_664 = tpu.vector_load %arg10[%get3A_662, %get3A_663] {strides = array<i32>} : memref<832x128xf32, #tpu.memory_space<vmem>>, vector<1x16xf32>,
      %get3A_665 = vector.shape_cast %get3A_664 : vector<1x16xf32> to vector<16xf32>
      %add3A_666 = arith.addf %add3A_620, %get3A_665 : vector<16xf32>
      %get3A_667 = arith.index_cast %add3A_651 : i32 to index
      %get3A_668 = arith.constant 48 : index
      %get3A_669 = tpu.vector_load %arg10[%get3A_667, %get3A_668] {strides = array<i32>} : memref<832x128xf32, #tpu.memory_space<vmem>>, vector<1x16xf32>,
      %get3A_670 = vector.shape_cast %get3A_669 : vector<1x16xf32> to vector<16xf32>
      %add3A_671 = arith.addf %add3A_625, %get3A_670 : vector<16xf32>
      %get3A_672 = arith.index_cast %add3A_651 : i32 to index
      %get3A_673 = arith.constant 64 : index
      %get3A_674 = tpu.vector_load %arg10[%get3A_672, %get3A_673] {strides = array<i32>} : memref<832x128xf32, #tpu.memory_space<vmem>>, vector<1x16xf32>,
      %get3A_675 = vector.shape_cast %get3A_674 : vector<1x16xf32> to vector<16xf32>
      %add3A_676 = arith.addf %add3A_630, %get3A_675 : vector<16xf32>
      %get3A_677 = arith.index_cast %add3A_651 : i32 to index
      %get3A_678 = arith.constant 80 : index
      %get3A_679 = tpu.vector_load %arg10[%get3A_677, %get3A_678] {strides = array<i32>} : memref<832x128xf32, #tpu.memory_space<vmem>>, vector<1x16xf32>,
      %get3A_680 = vector.shape_cast %get3A_679 : vector<1x16xf32> to vector<16xf32>
      %add3A_681 = arith.addf %add3A_635, %get3A_680 : vector<16xf32>
      %get3A_682 = arith.index_cast %add3A_651 : i32 to index
      %get3A_683 = arith.constant 96 : index
      %get3A_684 = tpu.vector_load %arg10[%get3A_682, %get3A_683] {strides = array<i32>} : memref<832x128xf32, #tpu.memory_space<vmem>>, vector<1x16xf32>,
      %get3A_685 = vector.shape_cast %get3A_684 : vector<1x16xf32> to vector<16xf32>
      %add3A_686 = arith.addf %add3A_640, %get3A_685 : vector<16xf32>
      %get3A_687 = arith.index_cast %add3A_651 : i32 to index
      %get3A_688 = arith.constant 112 : index
      %get3A_689 = tpu.vector_load %arg10[%get3A_687, %get3A_688] {strides = array<i32>} : memref<832x128xf32, #tpu.memory_space<vmem>>, vector<1x16xf32>,
      %get3A_690 = vector.shape_cast %get3A_689 : vector<1x16xf32> to vector<16xf32>
      %add3A_691 = arith.addf %add3A_645, %get3A_690 : vector<16xf32>
      %mul3A_692 = arith.constant 4 : i32
      %mul3A_693 = arith.muli %scan3A_592, %mul3A_692 : i32
      %add3A_694 = arith.constant 624 : i32
      %add3A_695 = arith.addi %add3A_694, %mul3A_693 : i32
      %add3A_696 = arith.constant 2 : i32
      %add3A_697 = arith.addi %add3A_695, %add3A_696 : i32
      %get3A_698 = arith.index_cast %add3A_697 : i32 to index
      %get3A_699 = arith.constant 0 : index
      %get3A_700 = tpu.vector_load %arg10[%get3A_698, %get3A_699] {strides = array<i32>} : memref<832x128xf32, #tpu.memory_space<vmem>>, vector<1x16xf32>,
      %get3A_701 = vector.shape_cast %get3A_700 : vector<1x16xf32> to vector<16xf32>
      %add3A_702 = arith.addf %add3A_656, %get3A_701 : vector<16xf32>
      %get3A_703 = arith.index_cast %add3A_697 : i32 to index
      %get3A_704 = arith.constant 16 : index
      %get3A_705 = tpu.vector_load %arg10[%get3A_703, %get3A_704] {strides = array<i32>} : memref<832x128xf32, #tpu.memory_space<vmem>>, vector<1x16xf32>,
      %get3A_706 = vector.shape_cast %get3A_705 : vector<1x16xf32> to vector<16xf32>
      %add3A_707 = arith.addf %add3A_661, %get3A_706 : vector<16xf32>
      %get3A_708 = arith.index_cast %add3A_697 : i32 to index
      %get3A_709 = arith.constant 32 : index
      %get3A_710 = tpu.vector_load %arg10[%get3A_708, %get3A_709] {strides = array<i32>} : memref<832x128xf32, #tpu.memory_space<vmem>>, vector<1x16xf32>,
      %get3A_711 = vector.shape_cast %get3A_710 : vector<1x16xf32> to vector<16xf32>
      %add3A_712 = arith.addf %add3A_666, %get3A_711 : vector<16xf32>
      %get3A_713 = arith.index_cast %add3A_697 : i32 to index
      %get3A_714 = arith.constant 48 : index
      %get3A_715 = tpu.vector_load %arg10[%get3A_713, %get3A_714] {strides = array<i32>} : memref<832x128xf32, #tpu.memory_space<vmem>>, vector<1x16xf32>,
      %get3A_716 = vector.shape_cast %get3A_715 : vector<1x16xf32> to vector<16xf32>
      %add3A_717 = arith.addf %add3A_671, %get3A_716 : vector<16xf32>
      %get3A_718 = arith.index_cast %add3A_697 : i32 to index
      %get3A_719 = arith.constant 64 : index
      %get3A_720 = tpu.vector_load %arg10[%get3A_718, %get3A_719] {strides = array<i32>} : memref<832x128xf32, #tpu.memory_space<vmem>>, vector<1x16xf32>,
      %get3A_721 = vector.shape_cast %get3A_720 : vector<1x16xf32> to vector<16xf32>
      %add3A_722 = arith.addf %add3A_676, %get3A_721 : vector<16xf32>
      %get3A_723 = arith.index_cast %add3A_697 : i32 to index
      %get3A_724 = arith.constant 80 : index
      %get3A_725 = tpu.vector_load %arg10[%get3A_723, %get3A_724] {strides = array<i32>} : memref<832x128xf32, #tpu.memory_space<vmem>>, vector<1x16xf32>,
      %get3A_726 = vector.shape_cast %get3A_725 : vector<1x16xf32> to vector<16xf32>
      %add3A_727 = arith.addf %add3A_681, %get3A_726 : vector<16xf32>
      %get3A_728 = arith.index_cast %add3A_697 : i32 to index
      %get3A_729 = arith.constant 96 : index
      %get3A_730 = tpu.vector_load %arg10[%get3A_728, %get3A_729] {strides = array<i32>} : memref<832x128xf32, #tpu.memory_space<vmem>>, vector<1x16xf32>,
      %get3A_731 = vector.shape_cast %get3A_730 : vector<1x16xf32> to vector<16xf32>
      %add3A_732 = arith.addf %add3A_686, %get3A_731 : vector<16xf32>
      %get3A_733 = arith.index_cast %add3A_697 : i32 to index
      %get3A_734 = arith.constant 112 : index
      %get3A_735 = tpu.vector_load %arg10[%get3A_733, %get3A_734] {strides = array<i32>} : memref<832x128xf32, #tpu.memory_space<vmem>>, vector<1x16xf32>,
      %get3A_736 = vector.shape_cast %get3A_735 : vector<1x16xf32> to vector<16xf32>
      %add3A_737 = arith.addf %add3A_691, %get3A_736 : vector<16xf32>
      %mul3A_738 = arith.constant 4 : i32
      %mul3A_739 = arith.muli %scan3A_592, %mul3A_738 : i32
      %add3A_740 = arith.constant 624 : i32
      %add3A_741 = arith.addi %add3A_740, %mul3A_739 : i32
      %add3A_742 = arith.constant 3 : i32
      %add3A_743 = arith.addi %add3A_741, %add3A_742 : i32
      %get3A_744 = arith.index_cast %add3A_743 : i32 to index
      %get3A_745 = arith.constant 0 : index
      %get3A_746 = tpu.vector_load %arg10[%get3A_744, %get3A_745] {strides = array<i32>} : memref<832x128xf32, #tpu.memory_space<vmem>>, vector<1x16xf32>,
      %get3A_747 = vector.shape_cast %get3A_746 : vector<1x16xf32> to vector<16xf32>
      %add3A_748 = arith.addf %add3A_702, %get3A_747 : vector<16xf32>
      %get3A_749 = arith.index_cast %add3A_743 : i32 to index
      %get3A_750 = arith.constant 16 : index
      %get3A_751 = tpu.vector_load %arg10[%get3A_749, %get3A_750] {strides = array<i32>} : memref<832x128xf32, #tpu.memory_space<vmem>>, vector<1x16xf32>,
      %get3A_752 = vector.shape_cast %get3A_751 : vector<1x16xf32> to vector<16xf32>
      %add3A_753 = arith.addf %add3A_707, %get3A_752 : vector<16xf32>
      %get3A_754 = arith.index_cast %add3A_743 : i32 to index
      %get3A_755 = arith.constant 32 : index
      %get3A_756 = tpu.vector_load %arg10[%get3A_754, %get3A_755] {strides = array<i32>} : memref<832x128xf32, #tpu.memory_space<vmem>>, vector<1x16xf32>,
      %get3A_757 = vector.shape_cast %get3A_756 : vector<1x16xf32> to vector<16xf32>
      %add3A_758 = arith.addf %add3A_712, %get3A_757 : vector<16xf32>
      %get3A_759 = arith.index_cast %add3A_743 : i32 to index
      %get3A_760 = arith.constant 48 : index
      %get3A_761 = tpu.vector_load %arg10[%get3A_759, %get3A_760] {strides = array<i32>} : memref<832x128xf32, #tpu.memory_space<vmem>>, vector<1x16xf32>,
      %get3A_762 = vector.shape_cast %get3A_761 : vector<1x16xf32> to vector<16xf32>
      %add3A_763 = arith.addf %add3A_717, %get3A_762 : vector<16xf32>
      %get3A_764 = arith.index_cast %add3A_743 : i32 to index
      %get3A_765 = arith.constant 64 : index
      %get3A_766 = tpu.vector_load %arg10[%get3A_764, %get3A_765] {strides = array<i32>} : memref<832x128xf32, #tpu.memory_space<vmem>>, vector<1x16xf32>,
      %get3A_767 = vector.shape_cast %get3A_766 : vector<1x16xf32> to vector<16xf32>
      %add3A_768 = arith.addf %add3A_722, %get3A_767 : vector<16xf32>
      %get3A_769 = arith.index_cast %add3A_743 : i32 to index
      %get3A_770 = arith.constant 80 : index
      %get3A_771 = tpu.vector_load %arg10[%get3A_769, %get3A_770] {strides = array<i32>} : memref<832x128xf32, #tpu.memory_space<vmem>>, vector<1x16xf32>,
      %get3A_772 = vector.shape_cast %get3A_771 : vector<1x16xf32> to vector<16xf32>
      %add3A_773 = arith.addf %add3A_727, %get3A_772 : vector<16xf32>
      %get3A_774 = arith.index_cast %add3A_743 : i32 to index
      %get3A_775 = arith.constant 96 : index
      %get3A_776 = tpu.vector_load %arg10[%get3A_774, %get3A_775] {strides = array<i32>} : memref<832x128xf32, #tpu.memory_space<vmem>>, vector<1x16xf32>,
      %get3A_777 = vector.shape_cast %get3A_776 : vector<1x16xf32> to vector<16xf32>
      %add3A_778 = arith.addf %add3A_732, %get3A_777 : vector<16xf32>
      %get3A_779 = arith.index_cast %add3A_743 : i32 to index
      %get3A_780 = arith.constant 112 : index
      %get3A_781 = tpu.vector_load %arg10[%get3A_779, %get3A_780] {strides = array<i32>} : memref<832x128xf32, #tpu.memory_space<vmem>>, vector<1x16xf32>,
      %get3A_782 = vector.shape_cast %get3A_781 : vector<1x16xf32> to vector<16xf32>
      %add3A_783 = arith.addf %add3A_737, %get3A_782 : vector<16xf32>
      scf.yield %add3A_748, %add3A_753, %add3A_758, %add3A_763, %add3A_768, %add3A_773, %add3A_778, %add3A_783 : vector<16xf32>, vector<16xf32>, vector<16xf32>, vector<16xf32>, vector<16xf32>, vector<16xf32>, vector<16xf32>, vector<16xf32>
    }
    %scan3A_523 = arith.constant 52 : i32
    %swap3A_524 = arith.constant 3 : i32
    %swap3A_525 = arith.index_cast %swap3A_524 : i32 to index
    %swap3A_526 = arith.constant 0 : index
    %swap3A_527 = tpu.vector_load %arg11[%swap3A_525, %swap3A_526] {strides = array<i32>} : memref<4x128xf32, #tpu.memory_space<vmem>>, vector<1x16xf32>,
    %swap3A_528 = vector.shape_cast %swap3A_527 : vector<1x16xf32> to vector<16xf32>
    %swap3A_529 = vector.shape_cast %scan3A_522#0 : vector<16xf32> to vector<1x16xf32>
    tpu.vector_store %arg11[%swap3A_525, %swap3A_526], %swap3A_529 {strides = array<i32>} : memref<4x128xf32, #tpu.memory_space<vmem>>, vector<1x16xf32>,
    %swap3A_530 = arith.constant 3 : i32
    %swap3A_531 = arith.index_cast %swap3A_530 : i32 to index
    %swap3A_532 = arith.constant 16 : index
    %swap3A_533 = tpu.vector_load %arg11[%swap3A_531, %swap3A_532] {strides = array<i32>} : memref<4x128xf32, #tpu.memory_space<vmem>>, vector<1x16xf32>,
    %swap3A_534 = vector.shape_cast %swap3A_533 : vector<1x16xf32> to vector<16xf32>
    %swap3A_535 = vector.shape_cast %scan3A_522#1 : vector<16xf32> to vector<1x16xf32>
    tpu.vector_store %arg11[%swap3A_531, %swap3A_532], %swap3A_535 {strides = array<i32>} : memref<4x128xf32, #tpu.memory_space<vmem>>, vector<1x16xf32>,
    %swap3A_536 = arith.constant 3 : i32
    %swap3A_537 = arith.index_cast %swap3A_536 : i32 to index
    %swap3A_538 = arith.constant 32 : index
    %swap3A_539 = tpu.vector_load %arg11[%swap3A_537, %swap3A_538] {strides = array<i32>} : memref<4x128xf32, #tpu.memory_space<vmem>>, vector<1x16xf32>,
    %swap3A_540 = vector.shape_cast %swap3A_539 : vector<1x16xf32> to vector<16xf32>
    %swap3A_541 = vector.shape_cast %scan3A_522#2 : vector<16xf32> to vector<1x16xf32>
    tpu.vector_store %arg11[%swap3A_537, %swap3A_538], %swap3A_541 {strides = array<i32>} : memref<4x128xf32, #tpu.memory_space<vmem>>, vector<1x16xf32>,
    %swap3A_542 = arith.constant 3 : i32
    %swap3A_543 = arith.index_cast %swap3A_542 : i32 to index
    %swap3A_544 = arith.constant 48 : index
    %swap3A_545 = tpu.vector_load %arg11[%swap3A_543, %swap3A_544] {strides = array<i32>} : memref<4x128xf32, #tpu.memory_space<vmem>>, vector<1x16xf32>,
    %swap3A_546 = vector.shape_cast %swap3A_545 : vector<1x16xf32> to vector<16xf32>
    %swap3A_547 = vector.shape_cast %scan3A_522#3 : vector<16xf32> to vector<1x16xf32>
    tpu.vector_store %arg11[%swap3A_543, %swap3A_544], %swap3A_547 {strides = array<i32>} : memref<4x128xf32, #tpu.memory_space<vmem>>, vector<1x16xf32>,
    %swap3A_548 = arith.constant 3 : i32
    %swap3A_549 = arith.index_cast %swap3A_548 : i32 to index
    %swap3A_550 = arith.constant 64 : index
    %swap3A_551 = tpu.vector_load %arg11[%swap3A_549, %swap3A_550] {strides = array<i32>} : memref<4x128xf32, #tpu.memory_space<vmem>>, vector<1x16xf32>,
    %swap3A_552 = vector.shape_cast %swap3A_551 : vector<1x16xf32> to vector<16xf32>
    %swap3A_553 = vector.shape_cast %scan3A_522#4 : vector<16xf32> to vector<1x16xf32>
    tpu.vector_store %arg11[%swap3A_549, %swap3A_550], %swap3A_553 {strides = array<i32>} : memref<4x128xf32, #tpu.memory_space<vmem>>, vector<1x16xf32>,
    %swap3A_554 = arith.constant 3 : i32
    %swap3A_555 = arith.index_cast %swap3A_554 : i32 to index
    %swap3A_556 = arith.constant 80 : index
    %swap3A_557 = tpu.vector_load %arg11[%swap3A_555, %swap3A_556] {strides = array<i32>} : memref<4x128xf32, #tpu.memory_space<vmem>>, vector<1x16xf32>,
    %swap3A_558 = vector.shape_cast %swap3A_557 : vector<1x16xf32> to vector<16xf32>
    %swap3A_559 = vector.shape_cast %scan3A_522#5 : vector<16xf32> to vector<1x16xf32>
    tpu.vector_store %arg11[%swap3A_555, %swap3A_556], %swap3A_559 {strides = array<i32>} : memref<4x128xf32, #tpu.memory_space<vmem>>, vector<1x16xf32>,
    %swap3A_560 = arith.constant 3 : i32
    %swap3A_561 = arith.index_cast %swap3A_560 : i32 to index
    %swap3A_562 = arith.constant 96 : index
    %swap3A_563 = tpu.vector_load %arg11[%swap3A_561, %swap3A_562] {strides = array<i32>} : memref<4x128xf32, #tpu.memory_space<vmem>>, vector<1x16xf32>,
    %swap3A_564 = vector.shape_cast %swap3A_563 : vector<1x16xf32> to vector<16xf32>
    %swap3A_565 = vector.shape_cast %scan3A_522#6 : vector<16xf32> to vector<1x16xf32>
    tpu.vector_store %arg11[%swap3A_561, %swap3A_562], %swap3A_565 {strides = array<i32>} : memref<4x128xf32, #tpu.memory_space<vmem>>, vector<1x16xf32>,
    %swap3A_566 = arith.constant 3 : i32
    %swap3A_567 = arith.index_cast %swap3A_566 : i32 to index
    %swap3A_568 = arith.constant 112 : index
    %swap3A_569 = tpu.vector_load %arg11[%swap3A_567, %swap3A_568] {strides = array<i32>} : memref<4x128xf32, #tpu.memory_space<vmem>>, vector<1x16xf32>,
    %swap3A_570 = vector.shape_cast %swap3A_569 : vector<1x16xf32> to vector<16xf32>
    %swap3A_571 = vector.shape_cast %scan3A_522#7 : vector<16xf32> to vector<1x16xf32>
    tpu.vector_store %arg11[%swap3A_567, %swap3A_568], %swap3A_571 {strides = array<i32>} : memref<4x128xf32, #tpu.memory_space<vmem>>, vector<1x16xf32>,
    "tpu.region"() ({
      %run_scoped3A = tpu.sem_alloc : memref<!tpu.dma_semaphore, #tpu.memory_space<semaphore_mem>>
      %dma_start3A_592 = arith.constant 0 : i32
      %dma_start3A_593 = tpu.memref_slice %arg6[%mul3A_4, %dma_start3A_592] : memref<128x128xf32, #tpu.memory_space<hbm>> -> memref<4x128xf32, #tpu.memory_space<hbm>>
      %dma_start3A_594 = arith.constant 0 : i32
      %dma_start3A_595 = tpu.memref_slice %arg6[%mul3A_4, %dma_start3A_594] : memref<128x128xf32, #tpu.memory_space<hbm>> -> memref<4x128xf32, #tpu.memory_space<hbm>>
      tpu.enqueue_dma source(%arg11 : memref<4x128xf32, #tpu.memory_space<vmem>>) target(%dma_start3A_595 : memref<4x128xf32, #tpu.memory_space<hbm>>) target_semaphore(%run_scoped3A : memref<!tpu.dma_semaphore, #tpu.memory_space<semaphore_mem>>)
      %dma_wait3A_596 = arith.constant 0 : i32
      %dma_wait3A_597 = tpu.memref_slice %arg6[%mul3A_4, %dma_wait3A_596] : memref<128x128xf32, #tpu.memory_space<hbm>> -> memref<4x128xf32, #tpu.memory_space<hbm>>
      %dma_wait3A_598 = arith.constant 0 : i32
      %dma_wait3A_599 = tpu.memref_slice %arg6[%mul3A_4, %dma_wait3A_598] : memref<128x128xf32, #tpu.memory_space<hbm>> -> memref<4x128xf32, #tpu.memory_space<hbm>>
      tpu.wait_dma2 semaphore(%run_scoped3A : memref<!tpu.dma_semaphore, #tpu.memory_space<semaphore_mem>>) src(%arg11 : memref<4x128xf32, #tpu.memory_space<vmem>>) dst(%dma_wait3A_599 : memref<4x128xf32, #tpu.memory_space<hbm>>)
      tpu.yield
    }) : () -> ()
    %dma_wait3A_572 = arith.constant 0 : i32
    %dma_wait3A_573 = arith.constant 0 : i32
    %dma_wait3A_574 = tpu.memref_slice %arg8[%dma_wait3A_572, %dma_wait3A_573] : memref<128x128xf32, #tpu.memory_space<vmem>> -> memref<64x128xf32, #tpu.memory_space<vmem>>
    %dma_wait3A_575 = arith.constant 0 : i32
    %dma_wait3A_576 = tpu.memref_slice %arg5[%add3A_184, %dma_wait3A_575] : memref<8192x128xf32, #tpu.memory_space<hbm>> -> memref<64x128xf32, #tpu.memory_space<hbm>>
    %dma_wait3A_577 = arith.constant 0 : i32
    %dma_wait3A_578 = tpu.memref_slice %arg5[%add3A_184, %dma_wait3A_577] : memref<8192x128xf32, #tpu.memory_space<hbm>> -> memref<64x128xf32, #tpu.memory_space<hbm>>
    %dma_wait3A_579 = arith.constant 0 : i32
    %dma_wait3A_580 = arith.constant 0 : i32
    %dma_wait3A_581 = tpu.memref_slice %arg8[%dma_wait3A_579, %dma_wait3A_580] : memref<128x128xf32, #tpu.memory_space<vmem>> -> memref<64x128xf32, #tpu.memory_space<vmem>>
    tpu.wait_dma2 semaphore(%arg13 : memref<!tpu.dma_semaphore, #tpu.memory_space<semaphore_mem>>) src(%dma_wait3A_581 : memref<64x128xf32, #tpu.memory_space<vmem>>) dst(%dma_wait3A_578 : memref<64x128xf32, #tpu.memory_space<hbm>>)
    %dma_wait3A_582 = arith.constant 64 : i32
    %dma_wait3A_583 = arith.constant 0 : i32
    %dma_wait3A_584 = tpu.memref_slice %arg8[%dma_wait3A_582, %dma_wait3A_583] : memref<128x128xf32, #tpu.memory_space<vmem>> -> memref<64x128xf32, #tpu.memory_space<vmem>>
    %dma_wait3A_585 = arith.constant 0 : i32
    %dma_wait3A_586 = tpu.memref_slice %arg5[%add3A_204, %dma_wait3A_585] : memref<8192x128xf32, #tpu.memory_space<hbm>> -> memref<64x128xf32, #tpu.memory_space<hbm>>
    %dma_wait3A_587 = arith.constant 0 : i32
    %dma_wait3A_588 = tpu.memref_slice %arg5[%add3A_204, %dma_wait3A_587] : memref<8192x128xf32, #tpu.memory_space<hbm>> -> memref<64x128xf32, #tpu.memory_space<hbm>>
    %dma_wait3A_589 = arith.constant 64 : i32
    %dma_wait3A_590 = arith.constant 0 : i32
    %dma_wait3A_591 = tpu.memref_slice %arg8[%dma_wait3A_589, %dma_wait3A_590] : memref<128x128xf32, #tpu.memory_space<vmem>> -> memref<64x128xf32, #tpu.memory_space<vmem>>
    tpu.wait_dma2 semaphore(%arg13 : memref<!tpu.dma_semaphore, #tpu.memory_space<semaphore_mem>>) src(%dma_wait3A_591 : memref<64x128xf32, #tpu.memory_space<vmem>>) dst(%dma_wait3A_588 : memref<64x128xf32, #tpu.memory_space<hbm>>)
    return
  }
}

module attributes {stable_mosaic.version = 14 : i64} {
  func.func @_lstm_body(%arg0: i32, %arg1: memref<2048x128xf32, #tpu.memory_space<vmem>>, %arg2: memref<2048x128xf32, #tpu.memory_space<vmem>>, %arg3: memref<1024x128xf32, #tpu.memory_space<vmem>>, %arg4: memref<1024x256xf32, #tpu.memory_space<vmem>>, %arg5: memref<128x128xf32, #tpu.memory_space<vmem>>, %arg6: memref<128x256xf32, #tpu.memory_space<vmem>>, %arg7: memref<256x128xf32, #tpu.memory_space<vmem>>, %arg8: memref<128x256xf32, #tpu.memory_space<vmem>>, %arg9: memref<1x128xf32, #tpu.memory_space<vmem>>, %arg10: memref<1x256xf32, #tpu.memory_space<vmem>>, %arg11: memref<1x128xf32, #tpu.memory_space<vmem>>, %arg12: memref<1x128xf32, #tpu.memory_space<vmem>>, %arg13: memref<1x128xf32, #tpu.memory_space<vmem>>, %arg14: memref<1x1024xf32, #tpu.memory_space<vmem>>, %arg15: memref<1x2048xf32, #tpu.memory_space<vmem>>) attributes {dimension_semantics = [#tpu.dimension_semantics<arbitrary>], iteration_bounds = array<i64: 2>, scalar_prefetch = 0 : i64, scratch_operands = 0 : i64, tpu.core_type = #tpu.core_type<tc>, window_params = [{transform_indices = @transform_0, window_bounds = array<i64: 2048, 128>}, {transform_indices = @transform_1, window_bounds = array<i64: 2048, 128>}, {pipeline_mode = #tpu.pipeline_mode<synchronous>, transform_indices = @transform_2, window_bounds = array<i64: 1024, 128>}, {pipeline_mode = #tpu.pipeline_mode<synchronous>, transform_indices = @transform_3, window_bounds = array<i64: 1024, 256>}, {pipeline_mode = #tpu.pipeline_mode<synchronous>, transform_indices = @transform_4, window_bounds = array<i64: 128, 128>}, {pipeline_mode = #tpu.pipeline_mode<synchronous>, transform_indices = @transform_5, window_bounds = array<i64: 128, 256>}, {pipeline_mode = #tpu.pipeline_mode<synchronous>, transform_indices = @transform_6, window_bounds = array<i64: 256, 128>}, {pipeline_mode = #tpu.pipeline_mode<synchronous>, transform_indices = @transform_7, window_bounds = array<i64: 128, 256>}, {pipeline_mode = #tpu.pipeline_mode<synchronous>, transform_indices = @transform_8, window_bounds = array<i64: 1, 128>}, {pipeline_mode = #tpu.pipeline_mode<synchronous>, transform_indices = @transform_9, window_bounds = array<i64: 1, 256>}, {pipeline_mode = #tpu.pipeline_mode<synchronous>, transform_indices = @transform_10, window_bounds = array<i64: 1, 128>}, {pipeline_mode = #tpu.pipeline_mode<synchronous>, transform_indices = @transform_11, window_bounds = array<i64: 1, 128>}, {pipeline_mode = #tpu.pipeline_mode<synchronous>, transform_indices = @transform_12, window_bounds = array<i64: 1, 128>}, {pipeline_mode = #tpu.pipeline_mode<synchronous>, transform_indices = @transform_13, window_bounds = array<i64: 1, 1024>}, {transform_indices = @transform_14, window_bounds = array<i64: 1, 2048>}]} {
    %get3A = arith.constant 0 : index
    %get3A_0 = arith.constant 0 : index
    %get3A_1 = vector.load %arg5[%get3A, %get3A_0] : memref<128x128xf32, #tpu.memory_space<vmem>>, vector<128x128xf32>
    %slice3A = vector.extract_strided_slice %get3A_1 {offsets = [0, 0], sizes = [64, 128], strides = [1, 1]} : vector<128x128xf32> to vector<64x128xf32>
    %slice3A_2 = vector.extract_strided_slice %get3A_1 {offsets = [64, 0], sizes = [64, 128], strides = [1, 1]} : vector<128x128xf32> to vector<64x128xf32>
    %concatenate3A = tpu.concatenate %slice3A, %slice3A_2 in 1 : vector<64x128xf32>, vector<64x128xf32> -> vector<64x256xf32>
    %get3A_3 = arith.constant 0 : index
    %get3A_4 = arith.constant 0 : index
    %get3A_5 = vector.load %arg6[%get3A_3, %get3A_4] : memref<128x256xf32, #tpu.memory_space<vmem>>, vector<128x256xf32>
    %dot_general3A = arith.constant dense<0.000000e+00> : vector<64x128xf32>
    %dot_general3A_6 = tpu.matmul %concatenate3A, %get3A_5, %dot_general3A {dimension_numbers = #tpu.dot_dimension_numbers<[1], [1], [0], [0], [0, 0, 1, 0], [], []>, transpose_lhs_hint = false} : vector<64x256xf32>, vector<128x256xf32>, vector<64x128xf32> -> vector<64x128xf32>
    %get3A_7 = arith.constant 0 : index
    %get3A_8 = arith.constant 0 : index
    %get3A_9 = vector.load %arg9[%get3A_7, %get3A_8] : memref<1x128xf32, #tpu.memory_space<vmem>>, vector<1x128xf32>
    %mul3A = arith.constant 2.000000e+02 : f32
    %mul3A_10 = vector.broadcast %mul3A : f32 to vector<1x128xf32>
    %mul3A_11 = arith.mulf %get3A_9, %mul3A_10 : vector<1x128xf32>
    %add3A = vector.broadcast %mul3A_11 : vector<1x128xf32> to vector<64x128xf32>
    %add3A_12 = arith.addf %dot_general3A_6, %add3A : vector<64x128xf32>
    %mul3A_13 = arith.constant 1.562500e-02 : f32
    %mul3A_14 = vector.broadcast %mul3A_13 : f32 to vector<64x128xf32>
    %mul3A_15 = arith.mulf %add3A_12, %mul3A_14 : vector<64x128xf32>
    %tanh3A = math.tanh %mul3A_15 : vector<64x128xf32>
    %get3A_16 = arith.constant 0 : index
    %get3A_17 = arith.constant 0 : index
    %get3A_18 = vector.load %arg7[%get3A_16, %get3A_17] : memref<256x128xf32, #tpu.memory_space<vmem>>, vector<256x128xf32>
    %dot_general3A_19 = arith.constant dense<0.000000e+00> : vector<64x256xf32>
    %dot_general3A_20 = tpu.matmul %tanh3A, %get3A_18, %dot_general3A_19 {dimension_numbers = #tpu.dot_dimension_numbers<[1], [1], [0], [0], [0, 0, 1, 0], [], []>, transpose_lhs_hint = false} : vector<64x128xf32>, vector<256x128xf32>, vector<64x256xf32> -> vector<64x256xf32>
    %get3A_21 = arith.constant 0 : index
    %get3A_22 = arith.constant 0 : index
    %get3A_23 = vector.load %arg10[%get3A_21, %get3A_22] : memref<1x256xf32, #tpu.memory_space<vmem>>, vector<1x256xf32>
    %add3A_24 = vector.broadcast %get3A_23 : vector<1x256xf32> to vector<64x256xf32>
    %add3A_25 = arith.addf %dot_general3A_20, %add3A_24 : vector<64x256xf32>
    %max3A = arith.constant 0.000000e+00 : f32
    %max3A_26 = vector.broadcast %max3A : f32 to vector<64x256xf32>
    %max3A_27 = arith.maximumf %add3A_25, %max3A_26 : vector<64x256xf32>
    %get3A_28 = arith.constant 0 : index
    %get3A_29 = arith.constant 0 : index
    %get3A_30 = vector.load %arg8[%get3A_28, %get3A_29] : memref<128x256xf32, #tpu.memory_space<vmem>>, vector<128x256xf32>
    %dot_general3A_31 = arith.constant dense<0.000000e+00> : vector<64x128xf32>
    %dot_general3A_32 = tpu.matmul %max3A_27, %get3A_30, %dot_general3A_31 {dimension_numbers = #tpu.dot_dimension_numbers<[1], [1], [0], [0], [0, 0, 1, 0], [], []>, transpose_lhs_hint = false} : vector<64x256xf32>, vector<128x256xf32>, vector<64x128xf32> -> vector<64x128xf32>
    %get3A_33 = arith.constant 0 : index
    %get3A_34 = arith.constant 0 : index
    %get3A_35 = vector.load %arg11[%get3A_33, %get3A_34] : memref<1x128xf32, #tpu.memory_space<vmem>>, vector<1x128xf32>
    %add3A_36 = vector.broadcast %get3A_35 : vector<1x128xf32> to vector<64x128xf32>
    %add3A_37 = arith.addf %dot_general3A_32, %add3A_36 : vector<64x128xf32>
    %add3A_38 = arith.addf %add3A_37, %tanh3A : vector<64x128xf32>
    %reduce_sum3A = arith.constant dense<0.000000e+00> : vector<64xf32>
    %reduce_sum3A_39 = vector.multi_reduction <add>, %add3A_38, %reduce_sum3A [1] : vector<64x128xf32> to vector<64xf32>
    %broadcast_in_dim3A = vector.shape_cast %reduce_sum3A_39 : vector<64xf32> to vector<64x1xf32>
    %div3A = arith.constant 1.280000e+02 : f32
    %div3A_40 = vector.broadcast %div3A : f32 to vector<64x1xf32>
    %div3A_41 = arith.divf %broadcast_in_dim3A, %div3A_40 : vector<64x1xf32>
    %sub3A = vector.broadcast %div3A_41 : vector<64x1xf32> to vector<64x128xf32>
    %sub3A_42 = arith.subf %add3A_38, %sub3A : vector<64x128xf32>
    %mul3A_43 = arith.mulf %sub3A_42, %sub3A_42 : vector<64x128xf32>
    %reduce_sum3A_44 = arith.constant dense<0.000000e+00> : vector<64xf32>
    %reduce_sum3A_45 = vector.multi_reduction <add>, %mul3A_43, %reduce_sum3A_44 [1] : vector<64x128xf32> to vector<64xf32>
    %broadcast_in_dim3A_46 = vector.shape_cast %reduce_sum3A_45 : vector<64xf32> to vector<64x1xf32>
    %div3A_47 = arith.constant 1.270000e+02 : f32
    %div3A_48 = vector.broadcast %div3A_47 : f32 to vector<64x1xf32>
    %div3A_49 = arith.divf %broadcast_in_dim3A_46, %div3A_48 : vector<64x1xf32>
    %sqrt3A = math.sqrt %div3A_49 : vector<64x1xf32>
    %get3A_50 = arith.constant 0 : index
    %get3A_51 = arith.constant 0 : index
    %get3A_52 = vector.load %arg12[%get3A_50, %get3A_51] : memref<1x128xf32, #tpu.memory_space<vmem>>, vector<1x128xf32>
    %mul3A_53 = vector.broadcast %get3A_52 : vector<1x128xf32> to vector<64x128xf32>
    %mul3A_54 = arith.mulf %mul3A_53, %sub3A_42 : vector<64x128xf32>
    %add3A_55 = arith.constant 1.000000e-03 : f32
    %add3A_56 = vector.broadcast %add3A_55 : f32 to vector<64x1xf32>
    %add3A_57 = arith.addf %sqrt3A, %add3A_56 : vector<64x1xf32>
    %div3A_58 = vector.broadcast %add3A_57 : vector<64x1xf32> to vector<64x128xf32>
    %div3A_59 = arith.divf %mul3A_54, %div3A_58 : vector<64x128xf32>
    %get3A_60 = arith.constant 0 : index
    %get3A_61 = arith.constant 0 : index
    %get3A_62 = vector.load %arg13[%get3A_60, %get3A_61] : memref<1x128xf32, #tpu.memory_space<vmem>>, vector<1x128xf32>
    %add3A_63 = vector.broadcast %get3A_62 : vector<1x128xf32> to vector<64x128xf32>
    %add3A_64 = arith.addf %div3A_59, %add3A_63 : vector<64x128xf32>
    %reduce_sum3A_65 = arith.constant dense<0.000000e+00> : vector<128xf32>
    %reduce_sum3A_66 = vector.multi_reduction <add>, %add3A_64, %reduce_sum3A_65 [0] : vector<64x128xf32> to vector<128xf32>
    %broadcast_in_dim3A_67 = vector.shape_cast %reduce_sum3A_66 : vector<128xf32> to vector<1x128xf32>
    %div3A_68 = arith.constant 6.400000e+01 : f32
    %div3A_69 = vector.broadcast %div3A_68 : f32 to vector<1x128xf32>
    %div3A_70 = arith.divf %broadcast_in_dim3A_67, %div3A_69 : vector<1x128xf32>
    %get3A_71 = arith.constant 0 : index
    %get3A_72 = arith.constant 0 : index
    %get3A_73 = vector.load %arg1[%get3A_71, %get3A_72] : memref<2048x128xf32, #tpu.memory_space<vmem>>, vector<2048x128xf32>
    %get3A_74 = arith.constant 0 : index
    %get3A_75 = arith.constant 0 : index
    %get3A_76 = vector.load %arg2[%get3A_74, %get3A_75] : memref<2048x128xf32, #tpu.memory_space<vmem>>, vector<2048x128xf32>
    %concatenate3A_77 = tpu.concatenate %get3A_73, %get3A_76 in 0 : vector<2048x128xf32>, vector<2048x128xf32> -> vector<4096x128xf32>
    %convert_element_type3A = arith.truncf %concatenate3A_77 : vector<4096x128xf32> to vector<4096x128xbf16>
    %get3A_78 = arith.constant 0 : index
    %get3A_79 = arith.constant 0 : index
    %get3A_80 = vector.load %arg3[%get3A_78, %get3A_79] : memref<1024x128xf32, #tpu.memory_space<vmem>>, vector<1024x128xf32>
    %convert_element_type3A_81 = arith.truncf %get3A_80 : vector<1024x128xf32> to vector<1024x128xbf16>
    %get3A_82 = arith.constant 0 : index
    %get3A_83 = arith.constant 0 : index
    %get3A_84 = vector.load %arg4[%get3A_82, %get3A_83] : memref<1024x256xf32, #tpu.memory_space<vmem>>, vector<1024x256xf32>
    %convert_element_type3A_85 = arith.truncf %get3A_84 : vector<1024x256xf32> to vector<1024x256xbf16>
    %convert_element_type3A_86 = arith.truncf %add3A_64 : vector<64x128xf32> to vector<64x128xbf16>
    %dot_general3A_87 = arith.constant dense<0.000000e+00> : vector<4096x1024xf32>
    %dot_general3A_88 = tpu.matmul %convert_element_type3A, %convert_element_type3A_81, %dot_general3A_87 {dimension_numbers = #tpu.dot_dimension_numbers<[1], [1], [0], [0], [0, 0, 1, 0], [], []>, transpose_lhs_hint = false} : vector<4096x128xbf16>, vector<1024x128xbf16>, vector<4096x1024xf32> -> vector<4096x1024xf32>
    %get3A_89 = arith.constant 0 : index
    %get3A_90 = arith.constant 0 : index
    %get3A_91 = vector.load %arg14[%get3A_89, %get3A_90] : memref<1x1024xf32, #tpu.memory_space<vmem>>, vector<1x1024xf32>
    %add3A_92 = vector.broadcast %get3A_91 : vector<1x1024xf32> to vector<4096x1024xf32>
    %add3A_93 = arith.addf %dot_general3A_88, %add3A_92 : vector<4096x1024xf32>
    %slice3A_94 = vector.extract_strided_slice %add3A_93 {offsets = [0, 0], sizes = [4096, 256], strides = [1, 1]} : vector<4096x1024xf32> to vector<4096x256xf32>
    %logistic3A = arith.negf %slice3A_94 : vector<4096x256xf32>
    %logistic3A_95 = math.exp %logistic3A : vector<4096x256xf32>
    %logistic3A_96 = arith.constant 1.000000e+00 : f32
    %logistic3A_97 = vector.broadcast %logistic3A_96 : f32 to vector<4096x256xf32>
    %logistic3A_98 = arith.addf %logistic3A_97, %logistic3A_95 : vector<4096x256xf32>
    %logistic3A_99 = arith.divf %logistic3A_97, %logistic3A_98 : vector<4096x256xf32>
    %slice3A_100 = vector.extract_strided_slice %add3A_93 {offsets = [0, 512], sizes = [4096, 256], strides = [1, 1]} : vector<4096x1024xf32> to vector<4096x256xf32>
    %tanh3A_101 = math.tanh %slice3A_100 : vector<4096x256xf32>
    %mul3A_102 = arith.mulf %logistic3A_99, %tanh3A_101 : vector<4096x256xf32>
    %slice3A_103 = vector.extract_strided_slice %add3A_93 {offsets = [0, 768], sizes = [4096, 256], strides = [1, 1]} : vector<4096x1024xf32> to vector<4096x256xf32>
    %logistic3A_104 = arith.negf %slice3A_103 : vector<4096x256xf32>
    %logistic3A_105 = math.exp %logistic3A_104 : vector<4096x256xf32>
    %logistic3A_106 = arith.constant 1.000000e+00 : f32
    %logistic3A_107 = vector.broadcast %logistic3A_106 : f32 to vector<4096x256xf32>
    %logistic3A_108 = arith.addf %logistic3A_107, %logistic3A_105 : vector<4096x256xf32>
    %logistic3A_109 = arith.divf %logistic3A_107, %logistic3A_108 : vector<4096x256xf32>
    %tanh3A_110 = math.tanh %mul3A_102 : vector<4096x256xf32>
    %mul3A_111 = arith.mulf %logistic3A_109, %tanh3A_110 : vector<4096x256xf32>
    %slice3A_112 = vector.extract_strided_slice %mul3A_111 {offsets = [0, 0], sizes = [4096, 128], strides = [1, 1]} : vector<4096x256xf32> to vector<4096x128xf32>
    %add3A_113 = arith.addf %concatenate3A_77, %slice3A_112 : vector<4096x128xf32>
    %convert_element_type3A_114 = arith.truncf %add3A_113 : vector<4096x128xf32> to vector<4096x128xbf16>
    %dot_general3A_115 = arith.constant dense<0.000000e+00> : vector<4096x64xf32>
    %dot_general3A_116 = tpu.matmul %convert_element_type3A_114, %convert_element_type3A_86, %dot_general3A_115 {dimension_numbers = #tpu.dot_dimension_numbers<[1], [1], [0], [0], [0, 0, 1, 0], [], []>, transpose_lhs_hint = false} : vector<4096x128xbf16>, vector<64x128xbf16>, vector<4096x64xf32> -> vector<4096x64xf32>
    %reduce_max3A = arith.constant dense<0xFF800000> : vector<4096xf32>
    %reduce_max3A_117 = vector.multi_reduction <maximumf>, %dot_general3A_116, %reduce_max3A [1] : vector<4096x64xf32> to vector<4096xf32>
    %broadcast_in_dim3A_118 = vector.shape_cast %reduce_max3A_117 : vector<4096xf32> to vector<4096x1xf32>
    %sub3A_119 = vector.broadcast %broadcast_in_dim3A_118 : vector<4096x1xf32> to vector<4096x64xf32>
    %sub3A_120 = arith.subf %dot_general3A_116, %sub3A_119 : vector<4096x64xf32>
    %exp3A = math.exp %sub3A_120 : vector<4096x64xf32>
    %reduce_sum3A_121 = arith.constant dense<0.000000e+00> : vector<4096xf32>
    %reduce_sum3A_122 = vector.multi_reduction <add>, %exp3A, %reduce_sum3A_121 [1] : vector<4096x64xf32> to vector<4096xf32>
    %broadcast_in_dim3A_123 = vector.shape_cast %reduce_sum3A_122 : vector<4096xf32> to vector<4096x1xf32>
    %div3A_124 = vector.broadcast %broadcast_in_dim3A_123 : vector<4096x1xf32> to vector<4096x64xf32>
    %div3A_125 = arith.divf %exp3A, %div3A_124 : vector<4096x64xf32>
    %convert_element_type3A_126 = arith.truncf %div3A_125 : vector<4096x64xf32> to vector<4096x64xbf16>
    %dot_general3A_127 = arith.constant dense<0.000000e+00> : vector<4096x128xf32>
    %dot_general3A_128 = tpu.matmul %convert_element_type3A_126, %convert_element_type3A_86, %dot_general3A_127 {dimension_numbers = #tpu.dot_dimension_numbers<[1], [0], [0], [1], [0, 0, 1, 1], [], []>, transpose_lhs_hint = false} : vector<4096x64xbf16>, vector<64x128xbf16>, vector<4096x128xf32> -> vector<4096x128xf32>
    %concatenate3A_129 = tpu.concatenate %add3A_113, %dot_general3A_128 in 1 : vector<4096x128xf32>, vector<4096x128xf32> -> vector<4096x256xf32>
    %convert_element_type3A_130 = arith.truncf %concatenate3A_129 : vector<4096x256xf32> to vector<4096x256xbf16>
    %dot_general3A_131 = arith.constant dense<0.000000e+00> : vector<4096x1024xf32>
    %dot_general3A_132 = tpu.matmul %convert_element_type3A_130, %convert_element_type3A_85, %dot_general3A_131 {dimension_numbers = #tpu.dot_dimension_numbers<[1], [1], [0], [0], [0, 0, 1, 0], [], []>, transpose_lhs_hint = false} : vector<4096x256xbf16>, vector<1024x256xbf16>, vector<4096x1024xf32> -> vector<4096x1024xf32>
    %add3A_133 = arith.addf %add3A_93, %dot_general3A_132 : vector<4096x1024xf32>
    %slice3A_134 = vector.extract_strided_slice %add3A_133 {offsets = [0, 256], sizes = [4096, 256], strides = [1, 1]} : vector<4096x1024xf32> to vector<4096x256xf32>
    %logistic3A_135 = arith.negf %slice3A_134 : vector<4096x256xf32>
    %logistic3A_136 = math.exp %logistic3A_135 : vector<4096x256xf32>
    %logistic3A_137 = arith.constant 1.000000e+00 : f32
    %logistic3A_138 = vector.broadcast %logistic3A_137 : f32 to vector<4096x256xf32>
    %logistic3A_139 = arith.addf %logistic3A_138, %logistic3A_136 : vector<4096x256xf32>
    %logistic3A_140 = arith.divf %logistic3A_138, %logistic3A_139 : vector<4096x256xf32>
    %mul3A_141 = arith.mulf %logistic3A_140, %mul3A_102 : vector<4096x256xf32>
    %slice3A_142 = vector.extract_strided_slice %add3A_133 {offsets = [0, 0], sizes = [4096, 256], strides = [1, 1]} : vector<4096x1024xf32> to vector<4096x256xf32>
    %logistic3A_143 = arith.negf %slice3A_142 : vector<4096x256xf32>
    %logistic3A_144 = math.exp %logistic3A_143 : vector<4096x256xf32>
    %logistic3A_145 = arith.constant 1.000000e+00 : f32
    %logistic3A_146 = vector.broadcast %logistic3A_145 : f32 to vector<4096x256xf32>
    %logistic3A_147 = arith.addf %logistic3A_146, %logistic3A_144 : vector<4096x256xf32>
    %logistic3A_148 = arith.divf %logistic3A_146, %logistic3A_147 : vector<4096x256xf32>
    %slice3A_149 = vector.extract_strided_slice %add3A_133 {offsets = [0, 512], sizes = [4096, 256], strides = [1, 1]} : vector<4096x1024xf32> to vector<4096x256xf32>
    %tanh3A_150 = math.tanh %slice3A_149 : vector<4096x256xf32>
    %mul3A_151 = arith.mulf %logistic3A_148, %tanh3A_150 : vector<4096x256xf32>
    %add3A_152 = arith.addf %mul3A_141, %mul3A_151 : vector<4096x256xf32>
    %slice3A_153 = vector.extract_strided_slice %add3A_133 {offsets = [0, 768], sizes = [4096, 256], strides = [1, 1]} : vector<4096x1024xf32> to vector<4096x256xf32>
    %logistic3A_154 = arith.negf %slice3A_153 : vector<4096x256xf32>
    %logistic3A_155 = math.exp %logistic3A_154 : vector<4096x256xf32>
    %logistic3A_156 = arith.constant 1.000000e+00 : f32
    %logistic3A_157 = vector.broadcast %logistic3A_156 : f32 to vector<4096x256xf32>
    %logistic3A_158 = arith.addf %logistic3A_157, %logistic3A_155 : vector<4096x256xf32>
    %logistic3A_159 = arith.divf %logistic3A_157, %logistic3A_158 : vector<4096x256xf32>
    %tanh3A_160 = math.tanh %add3A_152 : vector<4096x256xf32>
    %mul3A_161 = arith.mulf %logistic3A_159, %tanh3A_160 : vector<4096x256xf32>
    %slice3A_162 = vector.extract_strided_slice %mul3A_161 {offsets = [0, 0], sizes = [4096, 128], strides = [1, 1]} : vector<4096x256xf32> to vector<4096x128xf32>
    %add3A_163 = arith.addf %concatenate3A_77, %slice3A_162 : vector<4096x128xf32>
    %convert_element_type3A_164 = arith.truncf %add3A_163 : vector<4096x128xf32> to vector<4096x128xbf16>
    %dot_general3A_165 = arith.constant dense<0.000000e+00> : vector<4096x64xf32>
    %dot_general3A_166 = tpu.matmul %convert_element_type3A_164, %convert_element_type3A_86, %dot_general3A_165 {dimension_numbers = #tpu.dot_dimension_numbers<[1], [1], [0], [0], [0, 0, 1, 0], [], []>, transpose_lhs_hint = false} : vector<4096x128xbf16>, vector<64x128xbf16>, vector<4096x64xf32> -> vector<4096x64xf32>
    %reduce_max3A_167 = arith.constant dense<0xFF800000> : vector<4096xf32>
    %reduce_max3A_168 = vector.multi_reduction <maximumf>, %dot_general3A_166, %reduce_max3A_167 [1] : vector<4096x64xf32> to vector<4096xf32>
    %broadcast_in_dim3A_169 = vector.shape_cast %reduce_max3A_168 : vector<4096xf32> to vector<4096x1xf32>
    %sub3A_170 = vector.broadcast %broadcast_in_dim3A_169 : vector<4096x1xf32> to vector<4096x64xf32>
    %sub3A_171 = arith.subf %dot_general3A_166, %sub3A_170 : vector<4096x64xf32>
    %exp3A_172 = math.exp %sub3A_171 : vector<4096x64xf32>
    %reduce_sum3A_173 = arith.constant dense<0.000000e+00> : vector<4096xf32>
    %reduce_sum3A_174 = vector.multi_reduction <add>, %exp3A_172, %reduce_sum3A_173 [1] : vector<4096x64xf32> to vector<4096xf32>
    %broadcast_in_dim3A_175 = vector.shape_cast %reduce_sum3A_174 : vector<4096xf32> to vector<4096x1xf32>
    %div3A_176 = vector.broadcast %broadcast_in_dim3A_175 : vector<4096x1xf32> to vector<4096x64xf32>
    %div3A_177 = arith.divf %exp3A_172, %div3A_176 : vector<4096x64xf32>
    %convert_element_type3A_178 = arith.truncf %div3A_177 : vector<4096x64xf32> to vector<4096x64xbf16>
    %dot_general3A_179 = arith.constant dense<0.000000e+00> : vector<4096x128xf32>
    %dot_general3A_180 = tpu.matmul %convert_element_type3A_178, %convert_element_type3A_86, %dot_general3A_179 {dimension_numbers = #tpu.dot_dimension_numbers<[1], [0], [0], [1], [0, 0, 1, 1], [], []>, transpose_lhs_hint = false} : vector<4096x64xbf16>, vector<64x128xbf16>, vector<4096x128xf32> -> vector<4096x128xf32>
    %concatenate3A_181 = tpu.concatenate %add3A_163, %dot_general3A_180 in 1 : vector<4096x128xf32>, vector<4096x128xf32> -> vector<4096x256xf32>
    %convert_element_type3A_182 = arith.truncf %concatenate3A_181 : vector<4096x256xf32> to vector<4096x256xbf16>
    %dot_general3A_183 = arith.constant dense<0.000000e+00> : vector<4096x1024xf32>
    %dot_general3A_184 = tpu.matmul %convert_element_type3A_182, %convert_element_type3A_85, %dot_general3A_183 {dimension_numbers = #tpu.dot_dimension_numbers<[1], [1], [0], [0], [0, 0, 1, 0], [], []>, transpose_lhs_hint = false} : vector<4096x256xbf16>, vector<1024x256xbf16>, vector<4096x1024xf32> -> vector<4096x1024xf32>
    %add3A_185 = arith.addf %add3A_93, %dot_general3A_184 : vector<4096x1024xf32>
    %slice3A_186 = vector.extract_strided_slice %add3A_185 {offsets = [0, 256], sizes = [4096, 256], strides = [1, 1]} : vector<4096x1024xf32> to vector<4096x256xf32>
    %logistic3A_187 = arith.negf %slice3A_186 : vector<4096x256xf32>
    %logistic3A_188 = math.exp %logistic3A_187 : vector<4096x256xf32>
    %logistic3A_189 = arith.constant 1.000000e+00 : f32
    %logistic3A_190 = vector.broadcast %logistic3A_189 : f32 to vector<4096x256xf32>
    %logistic3A_191 = arith.addf %logistic3A_190, %logistic3A_188 : vector<4096x256xf32>
    %logistic3A_192 = arith.divf %logistic3A_190, %logistic3A_191 : vector<4096x256xf32>
    %mul3A_193 = arith.mulf %logistic3A_192, %add3A_152 : vector<4096x256xf32>
    %slice3A_194 = vector.extract_strided_slice %add3A_185 {offsets = [0, 0], sizes = [4096, 256], strides = [1, 1]} : vector<4096x1024xf32> to vector<4096x256xf32>
    %logistic3A_195 = arith.negf %slice3A_194 : vector<4096x256xf32>
    %logistic3A_196 = math.exp %logistic3A_195 : vector<4096x256xf32>
    %logistic3A_197 = arith.constant 1.000000e+00 : f32
    %logistic3A_198 = vector.broadcast %logistic3A_197 : f32 to vector<4096x256xf32>
    %logistic3A_199 = arith.addf %logistic3A_198, %logistic3A_196 : vector<4096x256xf32>
    %logistic3A_200 = arith.divf %logistic3A_198, %logistic3A_199 : vector<4096x256xf32>
    %slice3A_201 = vector.extract_strided_slice %add3A_185 {offsets = [0, 512], sizes = [4096, 256], strides = [1, 1]} : vector<4096x1024xf32> to vector<4096x256xf32>
    %tanh3A_202 = math.tanh %slice3A_201 : vector<4096x256xf32>
    %mul3A_203 = arith.mulf %logistic3A_200, %tanh3A_202 : vector<4096x256xf32>
    %add3A_204 = arith.addf %mul3A_193, %mul3A_203 : vector<4096x256xf32>
    %slice3A_205 = vector.extract_strided_slice %add3A_185 {offsets = [0, 768], sizes = [4096, 256], strides = [1, 1]} : vector<4096x1024xf32> to vector<4096x256xf32>
    %logistic3A_206 = arith.negf %slice3A_205 : vector<4096x256xf32>
    %logistic3A_207 = math.exp %logistic3A_206 : vector<4096x256xf32>
    %logistic3A_208 = arith.constant 1.000000e+00 : f32
    %logistic3A_209 = vector.broadcast %logistic3A_208 : f32 to vector<4096x256xf32>
    %logistic3A_210 = arith.addf %logistic3A_209, %logistic3A_207 : vector<4096x256xf32>
    %logistic3A_211 = arith.divf %logistic3A_209, %logistic3A_210 : vector<4096x256xf32>
    %tanh3A_212 = math.tanh %add3A_204 : vector<4096x256xf32>
    %mul3A_213 = arith.mulf %logistic3A_211, %tanh3A_212 : vector<4096x256xf32>
    %slice3A_214 = vector.extract_strided_slice %mul3A_213 {offsets = [0, 0], sizes = [4096, 128], strides = [1, 1]} : vector<4096x256xf32> to vector<4096x128xf32>
    %add3A_215 = arith.addf %concatenate3A_77, %slice3A_214 : vector<4096x128xf32>
    %convert_element_type3A_216 = arith.truncf %add3A_215 : vector<4096x128xf32> to vector<4096x128xbf16>
    %dot_general3A_217 = arith.constant dense<0.000000e+00> : vector<4096x64xf32>
    %dot_general3A_218 = tpu.matmul %convert_element_type3A_216, %convert_element_type3A_86, %dot_general3A_217 {dimension_numbers = #tpu.dot_dimension_numbers<[1], [1], [0], [0], [0, 0, 1, 0], [], []>, transpose_lhs_hint = false} : vector<4096x128xbf16>, vector<64x128xbf16>, vector<4096x64xf32> -> vector<4096x64xf32>
    %reduce_max3A_219 = arith.constant dense<0xFF800000> : vector<4096xf32>
    %reduce_max3A_220 = vector.multi_reduction <maximumf>, %dot_general3A_218, %reduce_max3A_219 [1] : vector<4096x64xf32> to vector<4096xf32>
    %broadcast_in_dim3A_221 = vector.shape_cast %reduce_max3A_220 : vector<4096xf32> to vector<4096x1xf32>
    %sub3A_222 = vector.broadcast %broadcast_in_dim3A_221 : vector<4096x1xf32> to vector<4096x64xf32>
    %sub3A_223 = arith.subf %dot_general3A_218, %sub3A_222 : vector<4096x64xf32>
    %exp3A_224 = math.exp %sub3A_223 : vector<4096x64xf32>
    %reduce_sum3A_225 = arith.constant dense<0.000000e+00> : vector<4096xf32>
    %reduce_sum3A_226 = vector.multi_reduction <add>, %exp3A_224, %reduce_sum3A_225 [1] : vector<4096x64xf32> to vector<4096xf32>
    %broadcast_in_dim3A_227 = vector.shape_cast %reduce_sum3A_226 : vector<4096xf32> to vector<4096x1xf32>
    %div3A_228 = vector.broadcast %broadcast_in_dim3A_227 : vector<4096x1xf32> to vector<4096x64xf32>
    %div3A_229 = arith.divf %exp3A_224, %div3A_228 : vector<4096x64xf32>
    %convert_element_type3A_230 = arith.truncf %div3A_229 : vector<4096x64xf32> to vector<4096x64xbf16>
    %dot_general3A_231 = arith.constant dense<0.000000e+00> : vector<4096x128xf32>
    %dot_general3A_232 = tpu.matmul %convert_element_type3A_230, %convert_element_type3A_86, %dot_general3A_231 {dimension_numbers = #tpu.dot_dimension_numbers<[1], [0], [0], [1], [0, 0, 1, 1], [], []>, transpose_lhs_hint = false} : vector<4096x64xbf16>, vector<64x128xbf16>, vector<4096x128xf32> -> vector<4096x128xf32>
    %concatenate3A_233 = tpu.concatenate %add3A_215, %dot_general3A_232 in 1 : vector<4096x128xf32>, vector<4096x128xf32> -> vector<4096x256xf32>
    %convert_element_type3A_234 = arith.truncf %concatenate3A_233 : vector<4096x256xf32> to vector<4096x256xbf16>
    %dot_general3A_235 = arith.constant dense<0.000000e+00> : vector<4096x1024xf32>
    %dot_general3A_236 = tpu.matmul %convert_element_type3A_234, %convert_element_type3A_85, %dot_general3A_235 {dimension_numbers = #tpu.dot_dimension_numbers<[1], [1], [0], [0], [0, 0, 1, 0], [], []>, transpose_lhs_hint = false} : vector<4096x256xbf16>, vector<1024x256xbf16>, vector<4096x1024xf32> -> vector<4096x1024xf32>
    %add3A_237 = arith.addf %add3A_93, %dot_general3A_236 : vector<4096x1024xf32>
    %slice3A_238 = vector.extract_strided_slice %add3A_237 {offsets = [0, 256], sizes = [4096, 256], strides = [1, 1]} : vector<4096x1024xf32> to vector<4096x256xf32>
    %logistic3A_239 = arith.negf %slice3A_238 : vector<4096x256xf32>
    %logistic3A_240 = math.exp %logistic3A_239 : vector<4096x256xf32>
    %logistic3A_241 = arith.constant 1.000000e+00 : f32
    %logistic3A_242 = vector.broadcast %logistic3A_241 : f32 to vector<4096x256xf32>
    %logistic3A_243 = arith.addf %logistic3A_242, %logistic3A_240 : vector<4096x256xf32>
    %logistic3A_244 = arith.divf %logistic3A_242, %logistic3A_243 : vector<4096x256xf32>
    %mul3A_245 = arith.mulf %logistic3A_244, %add3A_204 : vector<4096x256xf32>
    %slice3A_246 = vector.extract_strided_slice %add3A_237 {offsets = [0, 0], sizes = [4096, 256], strides = [1, 1]} : vector<4096x1024xf32> to vector<4096x256xf32>
    %logistic3A_247 = arith.negf %slice3A_246 : vector<4096x256xf32>
    %logistic3A_248 = math.exp %logistic3A_247 : vector<4096x256xf32>
    %logistic3A_249 = arith.constant 1.000000e+00 : f32
    %logistic3A_250 = vector.broadcast %logistic3A_249 : f32 to vector<4096x256xf32>
    %logistic3A_251 = arith.addf %logistic3A_250, %logistic3A_248 : vector<4096x256xf32>
    %logistic3A_252 = arith.divf %logistic3A_250, %logistic3A_251 : vector<4096x256xf32>
    %slice3A_253 = vector.extract_strided_slice %add3A_237 {offsets = [0, 512], sizes = [4096, 256], strides = [1, 1]} : vector<4096x1024xf32> to vector<4096x256xf32>
    %tanh3A_254 = math.tanh %slice3A_253 : vector<4096x256xf32>
    %mul3A_255 = arith.mulf %logistic3A_252, %tanh3A_254 : vector<4096x256xf32>
    %add3A_256 = arith.addf %mul3A_245, %mul3A_255 : vector<4096x256xf32>
    %slice3A_257 = vector.extract_strided_slice %add3A_237 {offsets = [0, 768], sizes = [4096, 256], strides = [1, 1]} : vector<4096x1024xf32> to vector<4096x256xf32>
    %logistic3A_258 = arith.negf %slice3A_257 : vector<4096x256xf32>
    %logistic3A_259 = math.exp %logistic3A_258 : vector<4096x256xf32>
    %logistic3A_260 = arith.constant 1.000000e+00 : f32
    %logistic3A_261 = vector.broadcast %logistic3A_260 : f32 to vector<4096x256xf32>
    %logistic3A_262 = arith.addf %logistic3A_261, %logistic3A_259 : vector<4096x256xf32>
    %logistic3A_263 = arith.divf %logistic3A_261, %logistic3A_262 : vector<4096x256xf32>
    %tanh3A_264 = math.tanh %add3A_256 : vector<4096x256xf32>
    %mul3A_265 = arith.mulf %logistic3A_263, %tanh3A_264 : vector<4096x256xf32>
    %slice3A_266 = vector.extract_strided_slice %mul3A_265 {offsets = [0, 0], sizes = [4096, 128], strides = [1, 1]} : vector<4096x256xf32> to vector<4096x128xf32>
    %add3A_267 = arith.addf %concatenate3A_77, %slice3A_266 : vector<4096x128xf32>
    %slice3A_268 = vector.extract_strided_slice %add3A_267 {offsets = [0, 0], sizes = [2048, 128], strides = [1, 1]} : vector<4096x128xf32> to vector<2048x128xf32>
    %slice3A_269 = vector.extract_strided_slice %add3A_267 {offsets = [2048, 0], sizes = [2048, 128], strides = [1, 1]} : vector<4096x128xf32> to vector<2048x128xf32>
    %add3A_270 = arith.addf %slice3A_268, %slice3A_269 : vector<2048x128xf32>
    %dot_general3A_271 = arith.constant dense<0.000000e+00> : vector<1x2048xf32>
    %dot_general3A_272 = tpu.matmul %div3A_70, %add3A_270, %dot_general3A_271 {dimension_numbers = #tpu.dot_dimension_numbers<[1], [1], [0], [0], [0, 0, 1, 0], [], []>, transpose_lhs_hint = false} : vector<1x128xf32>, vector<2048x128xf32>, vector<1x2048xf32> -> vector<1x2048xf32>
    %mul3A_273 = arith.constant 5.000000e-01 : f32
    %mul3A_274 = vector.broadcast %mul3A_273 : f32 to vector<1x2048xf32>
    %mul3A_275 = arith.mulf %mul3A_274, %dot_general3A_272 : vector<1x2048xf32>
    %swap3A = arith.constant 0 : index
    %swap3A_276 = arith.constant 0 : index
    %swap3A_277 = vector.load %arg15[%swap3A, %swap3A_276] : memref<1x2048xf32, #tpu.memory_space<vmem>>, vector<1x2048xf32>
    tpu.vector_store %arg15[%swap3A, %swap3A_276], %mul3A_275 {strides = array<i32>} : memref<1x2048xf32, #tpu.memory_space<vmem>>, vector<1x2048xf32>,
    return
  }
  func.func @transform_0(%arg0: i32) -> (i32, i32) {
    %c0_i32 = arith.constant 0 : i32
    %c0_i32_0 = arith.constant 0 : i32
    return %arg0, %c0_i32 : i32, i32
  }
  func.func @transform_1(%arg0: i32) -> (i32, i32) {
    %add3A = arith.constant 2 : i32
    %add3A_0 = arith.addi %arg0, %add3A : i32
    %c0_i32 = arith.constant 0 : i32
    %c0_i32_1 = arith.constant 0 : i32
    return %add3A_0, %c0_i32 : i32, i32
  }
  func.func @transform_2(%arg0: i32) -> (i32, i32) {
    %c0_i32 = arith.constant 0 : i32
    %c0_i32_0 = arith.constant 0 : i32
    %c0_i32_1 = arith.constant 0 : i32
    return %c0_i32, %c0_i32_0 : i32, i32
  }
  func.func @transform_3(%arg0: i32) -> (i32, i32) {
    %c0_i32 = arith.constant 0 : i32
    %c0_i32_0 = arith.constant 0 : i32
    %c0_i32_1 = arith.constant 0 : i32
    return %c0_i32, %c0_i32_0 : i32, i32
  }
  func.func @transform_4(%arg0: i32) -> (i32, i32) {
    %c0_i32 = arith.constant 0 : i32
    %c0_i32_0 = arith.constant 0 : i32
    %c0_i32_1 = arith.constant 0 : i32
    return %c0_i32, %c0_i32_0 : i32, i32
  }
  func.func @transform_5(%arg0: i32) -> (i32, i32) {
    %c0_i32 = arith.constant 0 : i32
    %c0_i32_0 = arith.constant 0 : i32
    %c0_i32_1 = arith.constant 0 : i32
    return %c0_i32, %c0_i32_0 : i32, i32
  }
  func.func @transform_6(%arg0: i32) -> (i32, i32) {
    %c0_i32 = arith.constant 0 : i32
    %c0_i32_0 = arith.constant 0 : i32
    %c0_i32_1 = arith.constant 0 : i32
    return %c0_i32, %c0_i32_0 : i32, i32
  }
  func.func @transform_7(%arg0: i32) -> (i32, i32) {
    %c0_i32 = arith.constant 0 : i32
    %c0_i32_0 = arith.constant 0 : i32
    %c0_i32_1 = arith.constant 0 : i32
    return %c0_i32, %c0_i32_0 : i32, i32
  }
  func.func @transform_8(%arg0: i32) -> (i32, i32) {
    %c0_i32 = arith.constant 0 : i32
    %c0_i32_0 = arith.constant 0 : i32
    %c0_i32_1 = arith.constant 0 : i32
    return %c0_i32, %c0_i32_0 : i32, i32
  }
  func.func @transform_9(%arg0: i32) -> (i32, i32) {
    %c0_i32 = arith.constant 0 : i32
    %c0_i32_0 = arith.constant 0 : i32
    %c0_i32_1 = arith.constant 0 : i32
    return %c0_i32, %c0_i32_0 : i32, i32
  }
  func.func @transform_10(%arg0: i32) -> (i32, i32) {
    %c0_i32 = arith.constant 0 : i32
    %c0_i32_0 = arith.constant 0 : i32
    %c0_i32_1 = arith.constant 0 : i32
    return %c0_i32, %c0_i32_0 : i32, i32
  }
  func.func @transform_11(%arg0: i32) -> (i32, i32) {
    %c0_i32 = arith.constant 0 : i32
    %c0_i32_0 = arith.constant 0 : i32
    %c0_i32_1 = arith.constant 0 : i32
    return %c0_i32, %c0_i32_0 : i32, i32
  }
  func.func @transform_12(%arg0: i32) -> (i32, i32) {
    %c0_i32 = arith.constant 0 : i32
    %c0_i32_0 = arith.constant 0 : i32
    %c0_i32_1 = arith.constant 0 : i32
    return %c0_i32, %c0_i32_0 : i32, i32
  }
  func.func @transform_13(%arg0: i32) -> (i32, i32) {
    %c0_i32 = arith.constant 0 : i32
    %c0_i32_0 = arith.constant 0 : i32
    %c0_i32_1 = arith.constant 0 : i32
    return %c0_i32, %c0_i32_0 : i32, i32
  }
  func.func @transform_14(%arg0: i32) -> (i32, i32) {
    %c0_i32 = arith.constant 0 : i32
    %c0_i32_0 = arith.constant 0 : i32
    return %c0_i32, %arg0 : i32, i32
  }
}

</mosaic_0001>

<sc_bundles>
// kernel: kernel.4.cloned.1.call-start
scs
__scs_entry_jumppad:
0x0: {  	(pc) =	sbr.rel $0x88, $3  }
0x1: {  	(tag) =	ssettag $0x0;
	lr =	simm.s32 $0x1  }
0x2: {  	[smem:$0x3F92] =	sst lr;
	_ =	strace $0xD0000000  }
0x3: {  	_ = 	snop  }
0x4: {  	_ = 	snop  }
0x5: {  	_ = 	snop  }
0x6: {  	_ = 	snop  }
0x7: {  	_ = 	snop  }
__scs_overlays_trampoline_lowered:
0x8: {  	[smem:$0x3FA1] =	sst s0  }
0x9: {  	[smem:$0x3FA2] =	sst s1  }
0xa: {  	[smem:$0x3FA3] =	sst s2  }
0xb: {  	[smem:$0x3FA4] =	sst s3  }
0xc: {  	[smem:$0x3FA5] =	sst s4  }
0xd: {  	[smem:$0x3FA6] =	sst s5  }
0xe: {  	[smem:$0x3FA7] =	sst s6  }
0xf: {  	[smem:$0x3FA8] =	sst s7  }
0x10: {  	[smem:$0x3FA9] =	sst s8  }
0x11: {  	[smem:$0x3FAA] =	sst s9;
	s0 =	simm.s32 @!p0 $0x0  }
0x12: {  	s1 =	sld [smem:$0x3F90];
	s0 =	simm.s32 @p0 $0x1  }
0x13: {  	[smem:$0x3FAB] =	sst s0;
	s0 =	simm.s32 @!p1 $0x0  }
0x14: {  	s2 =	sld [smem:$0x3F8F];
	s0 =	simm.s32 @p1 $0x1  }
0x15: {  	[smem:$0x3FAC] =	sst s0;
	s0 =	simm.s32 @!p2 $0x0  }
0x16: {  	s3 =	sld [smem:$0x3FDB];
	s0 =	simm.s32 @p2 $0x1  }
0x17: {  	s4 =	simm.s32 $0x1BF5;
	[smem:$0x3FAE] =	sst s0  }
0x18: {  	s0 =	sld [smem:$0x3F91];
	_ =	swait.ge [sflag:s4], $0x0  }
0x19: {  	s7 =	sld [smem:$0x3F92]  }
0x1a: {  	s8 =	sadd.s32 $0xFFFFE003, lr  }
0x1b: {  	s9 =	sadd.s32 $0xFFFFFEF7, lr;
	s5 =	simm.s32 $0xFFFFFFFF;
	p2 =	slt.u32 s8, $0xFFFFF086  }
0x1c: {  	p1 =	slt.u32 s9, $0xF7A;
	s5 =	simm.s32 @!p2 $0x0  }
0x1d: {  	s5 =	simm.s32 @p1 $0x1;
	p0 =	seq.s32 s7, s2  }
0x1e: {  	s7 =	smul.u32 @!p0 $0xF7A, s2;
	p2 =	seq.s32 @!p0 s5, $0x0  }
0x1f: {  	s9 =	smul.u32 $0xF7A, s1;
	s8 =	simm.s32 @!p0 $0x1BF5;
	p2 =	por !p2, p0  }
0x20: {  	[sflag:s8] =	ssyncset.s32 @!p0 $0xFFFFF086;
	s6 =	sadd.s32 @!p0 s3, s7;
	s7 =	simm.s32 @!p0 $0x108  }
0x21: {  	s3 =	sadd.s32 s3, s9;
	s6 =	sadd.s32 @!p0 $0x88, s6;
	s7 =	simm.s32 @p2 $0x1082  }
0x22: {  	[simem:s7], [sflag:s8] =	dma.local @!p0 [hbm:s6], $0xF7A  }
0x23: {  	s9 =	sor.u32 $0xD0000000, s2;
	s6 =	simm.s32 $0x108;
	_ =	swait.ge @!p0 [sflag:s8], $0x0  }
0x24: {  	s3 =	sadd.s32 $0x88, s3;
	s6 =	simm.s32 @!p1 $0x1082;
	[sflag:s4] =	ssyncset.s32 $0xFFFFF086  }
0x25: {  	[simem:s6], [sflag:s4] =	dma.local [hbm:s3], $0xF7A  }
0x26: {  	[smem:$0x3F92] =	sst s1;
	(tag) =	ssettag s2;
	_ =	strace s9  }
0x27: {  	s1 =	sld [smem:$0x3FA2]  }
0x28: {  	s2 =	sld [smem:$0x3FA3]  }
0x29: {  	s4 =	sld [smem:$0x3FA5]  }
0x2a: {  	p0 =	seq.s32 s5, $0x0;
	s5 =	sld [smem:$0x3FA6]  }
0x2b: {  	s6 =	sld [smem:$0x3FA7]  }
0x2c: {  	s7 =	sld [smem:$0x3FA8]  }
0x2d: {  	s3 =	simm.s32 $0x108;
	s8 =	sld [smem:$0x3FA9]  }
0x2e: {  	s3 =	simm.s32 @!p0 $0x1082;
	s9 =	sld [smem:$0x3FAA]  }
0x2f: {  	lr =	sadd.s32 s0, s3;
	s0 =	sld [smem:$0x3FA1]  }
0x30: {  	s3 =	sld [smem:$0x3FA4]  }
0x31: {  	[smem:$0x3FAD] =	sst s10  }
0x32: {  	s10 =	sld [smem:$0x3FAB];
	_ =	sdelay $0x3  }
0x33: {  	p0 =	seq.s32 s10, $0x1;
	s10 =	sld [smem:$0x3FAD];
	_ =	sdelay $0x3  }
0x34: {  	[smem:$0x3FAD] =	sst s10  }
0x35: {  	s10 =	sld [smem:$0x3FAC];
	_ =	sdelay $0x3  }
0x36: {  	p1 =	seq.s32 s10, $0x1;
	s10 =	sld [smem:$0x3FAD];
	_ =	sdelay $0x3  }
0x37: {  	[smem:$0x3FAD] =	sst s10  }
0x38: {  	s10 =	sld [smem:$0x3FAE]  }
0x39: {  	_ = 	snop;
	(pc) =	sbr.ind lr, $3  }
0x3a: {  	_ = 	snop  }
0x3b: {  	_ = 	snop  }
0x3c: {  	p2 =	seq.s32 s10, $0x1;
	s10 =	sld [smem:$0x3FAD]  }
0x3d: {  	_ =	shalt  }
0x3e: {  	_ =	shalt  }
0x3f: {  	_ =	shalt  }
0x40: {  	_ =	shalt  }
0x41: {  	_ =	shalt  }
0x42: {  	_ =	shalt  }
0x43: {  	_ =	shalt  }
0x44: {  	_ =	shalt  }
0x45: {  	_ =	shalt  }
0x46: {  	_ =	shalt  }
0x47: {  	_ =	shalt  }
0x48: {  	_ =	shalt  }
0x49: {  	_ =	shalt  }
0x4a: {  	_ =	shalt  }
0x4b: {  	_ =	shalt  }
0x4c: {  	_ =	shalt  }
0x4d: {  	_ =	shalt  }
0x4e: {  	_ =	shalt  }
0x4f: {  	_ =	shalt  }
0x50: {  	_ =	shalt  }
0x51: {  	_ =	shalt  }
0x52: {  	_ =	shalt  }
0x53: {  	_ =	shalt  }
0x54: {  	_ =	shalt  }
0x55: {  	_ =	shalt  }
0x56: {  	_ =	shalt  }
0x57: {  	_ =	shalt  }
0x58: {  	_ =	shalt  }
0x59: {  	_ =	shalt  }
0x5a: {  	_ =	shalt  }
0x5b: {  	_ =	shalt  }
0x5c: {  	_ =	shalt  }
0x5d: {  	_ =	shalt  }
0x5e: {  	_ =	shalt  }
0x5f: {  	_ =	shalt  }
0x60: {  	_ =	shalt  }
0x61: {  	_ =	shalt  }
0x62: {  	_ =	shalt  }
0x63: {  	_ =	shalt  }
0x64: {  	_ =	shalt  }
0x65: {  	_ =	shalt  }
0x66: {  	_ =	shalt  }
0x67: {  	_ =	shalt  }
0x68: {  	_ =	shalt  }
0x69: {  	_ =	shalt  }
0x6a: {  	_ =	shalt  }
0x6b: {  	_ =	shalt  }
0x6c: {  	_ =	shalt  }
0x6d: {  	_ =	shalt  }
0x6e: {  	_ =	shalt  }
0x6f: {  	_ =	shalt  }
0x70: {  	_ =	shalt  }
0x71: {  	_ =	shalt  }
0x72: {  	_ =	shalt  }
0x73: {  	_ =	shalt  }
0x74: {  	_ =	shalt  }
0x75: {  	_ =	shalt  }
0x76: {  	_ =	shalt  }
0x77: {  	_ =	shalt  }
0x78: {  	_ =	shalt  }
0x79: {  	_ =	shalt  }
0x7a: {  	_ =	shalt  }
0x7b: {  	_ =	shalt  }
0x7c: {  	_ =	shalt  }
0x7d: {  	_ =	shalt  }
0x7e: {  	_ =	shalt  }
0x7f: {  	_ =	shalt  }
0x80: {  	_ =	shalt  }
0x81: {  	_ =	shalt  }
0x82: {  	_ =	shalt  }
0x83: {  	_ =	shalt  }
0x84: {  	_ =	shalt  }
0x85: {  	_ =	shalt  }
0x86: {  	_ =	shalt  }
0x87: {  	_ =	shalt  }
.Lfunc_end0:
.L_simem_size_0:
called_computation_lowered:
.L_overlay_start_0:
0x88: {  	s2 =	sld [smem:$0x3FD9]  }
0x89: {  	s3 =	sld [smem:$0x3FFE];
	_ =	sdelay $0x1  }
0x8a: {  	s1 =	srdreg.scid  }
0x8b: {  	s0 =	sand.u32 $0x1, s1  }
0x8c: {  	s17 =	sshll.u32 s0, $0xA;
	s2 =	sadd.s32 s3, s2  }
0x8d: {  	s2 =	sadd.s32 s2, s17  }
0x8e: {  	[smem:$0x3FB9] =	sst s2  }
0x8f: {  	_ = 	snop  }
0x90: {  	s2 =	sld [smem:$0x3FC7];
	(tm) =	ssettm $0x1  }
0x91: {  	s18 =	sld [smem:$0x3FFB];
	_ =	sdelay $0x3  }
0x92: {  	_ =	strace s18  }
0x93: {  	s3 =	sld [smem:$0x3FFC];
	_ =	sdelay $0x3  }
0x94: {  	_ =	strace s3  }
0x95: {  	s3 =	sld [smem:$0x3FFD];
	_ =	sdelay $0x3  }
0x96: {  	_ =	strace s3  }
0x97: {  	_ =	strace $0x8FFFFFFF  }
0x98: {  	s19 =	sld [smem:$0x3FDB];
	_ =	sdelay $0x1  }
0x99: {  	s4 =	simm.s32 $_scs_section_size  }
0x9a: {  	s5 =	simm.s32 $_size__tile_overlayer_lowered;
	s6 =	simm.s32 $_tile_overlayer_lowered  }
0x9b: {  	s22 =	simm.s32 $0x1BFF;
	s21 =	sshll.u32 s6, $0x1;
	s3 =	sadd.s32 s4, s19  }
0x9c: {  	s7 =	simm.s32 $0x0;
	s20 =	sshll.u32 s5, $0x1;
	s5 =	sadd.s32 s21, s3  }
0x9d: {  	[timem:s7], [sflag:s22] =	dma.local [hbm:s5], s20  }
0x9e: {  	_ =	swait.ge [sflag:s22], s20  }
0x9f: {  	s4 =	ssub.s32 $0x0, s20;
	[sflag:s22] =	ssyncset.done $0x0  }
0xa0: {  	[sflag:s22] =	ssyncadd.s32 s4;
	_ =	sdelay $0x1  }
0xa1: {  	s23 =	simm.s32 $0x1B8B  }
0xa2: {  	_ =	swait.ge [sflag:s23], $0x1  }
0xa3: {  	[sflag:s23] =	ssyncset.done $0x0  }
0xa4: {  	s25 =	simm.s32 $0x1B8E;
	s24 =	sld [smem:$0x3FFE];
	[sflag:s23] =	ssyncadd.s32 $0xFFFFFFFF  }
0xa5: {  	s26 =	simm.s32 $execute0_lowered;
	[smem:$0x3FD2] =	sst s25  }
0xa6: {  	s5 =	sshll.u32 s26, $0x1;
	_ =	strace $0x80000046;
	[dreg:$0x1] =	wrdreg $0xFFFFFFFF  }
0xa7: {  	s28 =	simm.s32 $_size_execute0_lowered;
	s3 =	sadd.s32 s3, s5;
	[dreg:$0x0] =	wrdreg $0x0  }
0xa8: {  	s5 =	sshll.u32 s28, $0x1;
	[dreg:$0x2] =	wrdreg s3  }
0xa9: {  	[dreg:$0x3] =	wrdreg s5  }
0xaa: {  	[dreg:$0x4] =	wrdreg $0xC0  }
0xab: {  	_ =	task [dreg:s7], $0x5FFFF  }
0xac: {  	[dreg:$0x1] =	wrdreg $0xFFFFFFFF  }
0xad: {  	[dreg:$0x0] =	wrdreg $0x60  }
0xae: {  	[dreg:$0x2] =	wrdreg s24  }
0xaf: {  	[dreg:$0x3] =	wrdreg s2  }
0xb0: {  	[dreg:$0x4] =	wrdreg $0x9  }
0xb1: {  	_ =	task.clear_ibuf [dreg:s7], $0x5FFFF;
	_ =	strace $0x90000046  }
0xb2: {  	s29 =	simm.s32 $0x9;
	_ =	strace $0x80000048  }
0xb3: {  	_ =	swait.ge [sflag:s29], $0x1  }
0xb4: {  	[sflag:s29] =	ssyncadd.s32 $0xFFFFFFFF  }
0xb5: {  	_ =	strace $0x90000048  }
0xb6: {  	_ =	sfence  }
0xb7: {  	s30 =	sld [smem:$0x0];
	_ =	sdelay $0x2  }
0xb8: {  	s31 =	sshll.u32 s1, $0xD;
	s1 =	sshrl.u32 s1, $0x2  }
0xb9: {  	s3 =	sand.u32 $0x4000, s31;
	s1 =	sadd.s32 s1, s30  }
0xba: {  	s0 =	sor.u32 s3, s0;
	s1 =	sshll.u32 s1, $0x11  }
0xbb: {  	s0 =	sor.u32 s1, s0  }
0xbc: {  	s0 =	sadd.s32 $0x8F2B, s0  }
0xbd: {  	[sflag:s0] =	ssyncadd.remote.s32 $0x1  }
0xbe: {  	_ =	sfence.sel $0xFFFF  }
0xbf: {  	[dreg:$0x0] =	wrdreg $0xFFFFFFFF;
	(pc) =	sbr.abs _section_cstart, $3  }
0xc0: {  	[dreg:$0x1] =	wrdreg $0xFFFFFFFF  }
0xc1: {  	_ =	task.clear_ibuf [dreg:s7], $0x2FFFF;
	_ =	strace $0x9FFFFFFF  }
0xc2: {  	(tm) =	ssettm $0x7FFFFFFF  }
0xc3: {  	_ =	shalt  }
tec
execute0_lowered:
.L_overlay_start_1:
0x0: {  	(tag) =	ssettag $0x1  }
0x1: {  	s0 =	rddreg [dreg:$0x0]  }
0x2: {  	s1 =	rddreg [dreg:$0x1]  }
0x3: {  	s3 =	simm.s32 $0x0;
	s2 =	srdreg.scid;
	s8 =	stileid.u32  }
0x4: {  	s12 =	simm.s32 $0x7;
	s15 =	simm.s32 $0x4100;
	s16 =	simm.s32 $0x80  }
0x5: {  	s18 =	simm.s32 $0x50;
	s31 =	simm.s32 $0x17D00;
	s13 =	simm.s32 $0x40  }
0x6: {  	s14 =	simm.s32 $0x100;
	s17 =	simm.s32 $0x2100;
	s19 =	simm.s32 $0x1  }
0x7: {  	s20 =	simm.s32 $0x2;
	s21 =	simm.s32 $0xC0;
	s22 =	simm.s32 $0x3  }
0x8: {  	s23 =	simm.s32 $0x4;
	s24 =	simm.s32 $0x5;
	s25 =	simm.s32 $0x6  }
0x9: {  	s26 =	simm.s32 $0x1E500;
	s28 =	simm.s32 $0x0;
	[smem:$0x7FF] =	sst s3  }
0xa: {  	s2 =	sand.u32 $0x1, s2;
	s4 =	sshll.u32 s8, $0x1;
	s6 =	sshll.u32 s8, $0xB  }
0xb: {  	s8 =	sshll.u32 s8, $0xA;
	s5 =	sshll.u32 s2, $0x9;
	_ =	strace $0x80000047  }
0xc: {  	s4 =	sor.u32 s2, s4;
	s2 =	ssub.s32 $0x2, s2;
	s6 =	sor.u32 s5, s6  }
0xd: {  	s7 =	sshll.u32 s4, $0x5;
	s5 =	sor.u32 s5, s8;
	s4 =	sshll.u32 s4, $0xC  }
0xe: {  	s30 =	sshrl.u32 s2, $0x1;
	s6 =	sshrl.u32 s6, $0x3;
	s7 =	sadd.s32 s7, s0  }
0xf: {  	s5 =	sshrl.u32 s5, $0x3;
	s9 =	sadd.s32 s4, s0;
	s2 =	ssub.s32 s2, s30  }
0x10: {  	s6 =	sadd.s32 s6, s0;
	s0 =	sadd.s32 s5, s0;
	s4 =	sadd.s32 $0x3A00, s7  }
0x11: {  	s7 =	sadd.s32 $0x4200, s9;
	s8 =	sadd.s32 $0x4600, s9;
	s11 =	smax.u32 s2, $0x1  }
0x12: {  	s2 =	simm.s32 $0x1BD00;
	s5 =	sadd.s32 $0x2A00, s6;
	s6 =	sadd.s32 $0x3E00, s9  }
0x13: {  	s9 =	sadd.s32 $0x4A00, s9;
	s10 =	sadd.s32 $0x23E00, s0;
	s0 =	simm.s32 $0x4480  }
.LBB2_1:
0x14: {  	[tilespmem:s3], [sflag:$0x7] =	stream.linear.gather [hbm4b:s4+s3], $0x100, $0x38;
	[tilespmem:$0x1E700] =	vst v63  }
0x15: {  	_ =	swait.ge [sflag:s12], $0x100  }
0x16: {  	[sflag:s12] =	ssyncset.done $0x0  }
0x17: {  	s29 =	simm.s32 $0x200;
	s30 =	simm.s32 $0x400;
	[sflag:s12] =	ssyncadd.s32 $0xFFFFFF00  }
0x18: {  	[tilespmem:s15], [sflag:$0x7] =	stream.strided.gather [hbm4b:s5+s29], $0x400, s30, s29, $0x38;
	[tilespmem:$0x1E700] =	vst v63  }
0x19: {  	_ =	swait.ge [sflag:s12], $0x400  }
0x1a: {  	[sflag:s12] =	ssyncset.done $0x0  }
0x1b: {  	s29 =	simm.s32 $0x4500;
	[sflag:s12] =	ssyncadd.s32 $0xFFFFFC00  }
0x1c: {  	[tilespmem:s29], [sflag:$0x3] =	stream.indirect.gather [hbm4b:s1+s16], $0x80, s15, s16, $0xb8;
	[tilespmem:$0x1E700] =	vst v63  }
0x1d: {  	s30 =	simm.s32 $0x8500;
	s29 =	simm.s32 $0x4300  }
0x1e: {  	[tilespmem:s30], [sflag:$0x3] =	stream.indirect.gather [hbm4b:s1+s18], $0x80, s29, s18, $0xb8;
	[tilespmem:$0x1E700] =	vst v63  }
0x1f: {  	s29 =	simm.s32 $0x4180;
	s30 =	simm.s32 $0xAD00  }
0x20: {  	[tilespmem:s30], [sflag:$0x4] =	stream.indirect.gather [hbm4b:s1+s16], $0x80, s29, s16, $0xb8;
	[tilespmem:$0x1E700] =	vst v63  }
0x21: {  	s29 =	simm.s32 $0x4380;
	s30 =	simm.s32 $0xED00  }
0x22: {  	[tilespmem:s30], [sflag:$0x4] =	stream.indirect.gather [hbm4b:s1+s18], $0x80, s29, s18, $0xb8;
	[tilespmem:$0x1E700] =	vst v63  }
0x23: {  	s29 =	simm.s32 $0x4200;
	s30 =	simm.s32 $0x11500  }
0x24: {  	[tilespmem:s30], [sflag:$0x5] =	stream.indirect.gather [hbm4b:s1+s16], $0x80, s29, s16, $0xb8;
	[tilespmem:$0x1E700] =	vst v63  }
0x25: {  	s29 =	simm.s32 $0x4400;
	s30 =	simm.s32 $0x15500  }
0x26: {  	[tilespmem:s30], [sflag:$0x5] =	stream.indirect.gather [hbm4b:s1+s18], $0x80, s29, s18, $0xb8;
	[tilespmem:$0x1E700] =	vst v63  }
0x27: {  	s29 =	simm.s32 $0x4280  }
0x28: {  	[tilespmem:s31], [sflag:$0x6] =	stream.indirect.gather [hbm4b:s1+s16], $0x80, s29, s16, $0xb8;
	[tilespmem:$0x1E700] =	vst v63  }
0x29: {  	_ = 	snop  }
0x2a: {  	[tilespmem:s2], [sflag:$0x6] =	stream.indirect.gather [hbm4b:s1+s18], $0x80, s0, s18, $0xb8;
	[tilespmem:$0x1E700] =	vst v63  }
0x2b: {  	_ = 	snop  }
0x2c: {  	[tilespmem:s14], [sflag:$0x1] =	stream.indirect.gather [hbm4b:s1+s13], $0x80, s3, s13, $0xb8;
	[tilespmem:$0x1E700] =	vst v63  }
0x2d: {  	_ = 	snop  }
0x2e: {  	[tilespmem:s17], [sflag:$0x1] =	stream.indirect.gather [hbm4b:s1+s13], $0x80, s13, s13, $0xb8;
	[tilespmem:$0x1E700] =	vst v63  }
0x2f: {  	_ =	swait.ge [sflag:s19], $0x2000  }
0x30: {  	[sflag:s19] =	ssyncset.done $0x0  }
0x31: {  	[sflag:s19] =	ssyncadd.s32 $0xFFFFE000  }
0x32: {  	[hbm4b:s6+s3] =	stream.linear.scatter [tilespmem:s14], [sflag:$0x2], $0x2000, $0x38;
	[tilespmem:$0x1E700] =	vst v63  }
0x33: {  	_ =	swait.ge [sflag:s19], $0x2000  }
0x34: {  	[sflag:s19] =	ssyncset.done $0x0  }
0x35: {  	[sflag:s19] =	ssyncadd.s32 $0xFFFFE000  }
0x36: {  	[hbm4b:s7+s3] =	stream.linear.scatter [tilespmem:s17], [sflag:$0x2], $0x2000, $0x38;
	[tilespmem:$0x1E700] =	vst v63  }
0x37: {  	_ =	swait.ge [sflag:s20], $0x2000  }
0x38: {  	[sflag:s20] =	ssyncset.done $0x0  }
0x39: {  	[sflag:s20] =	ssyncadd.s32 $0xFFFFE000  }
0x3a: {  	[tilespmem:s14], [sflag:$0x1] =	stream.indirect.gather [hbm4b:s1+s13], $0x80, s16, s13, $0xb8;
	[tilespmem:$0x1E700] =	vst v63  }
0x3b: {  	_ =	swait.ge [sflag:s20], $0x2000  }
0x3c: {  	[sflag:s20] =	ssyncset.done $0x0  }
0x3d: {  	[sflag:s20] =	ssyncadd.s32 $0xFFFFE000  }
0x3e: {  	[tilespmem:s17], [sflag:$0x1] =	stream.indirect.gather [hbm4b:s1+s13], $0x80, s21, s13, $0xb8;
	[tilespmem:$0x1E700] =	vst v63  }
0x3f: {  	_ =	swait.ge [sflag:s19], $0x2000  }
0x40: {  	[sflag:s19] =	ssyncset.done $0x0  }
0x41: {  	[sflag:s19] =	ssyncadd.s32 $0xFFFFE000  }
0x42: {  	[hbm4b:s8+s3] =	stream.linear.scatter [tilespmem:s14], [sflag:$0x2], $0x2000, $0x38;
	[tilespmem:$0x1E700] =	vst v63  }
0x43: {  	_ =	swait.ge [sflag:s19], $0x2000  }
0x44: {  	[sflag:s19] =	ssyncset.done $0x0  }
0x45: {  	[sflag:s19] =	ssyncadd.s32 $0xFFFFE000  }
0x46: {  	[hbm4b:s9+s3] =	stream.linear.scatter [tilespmem:s17], [sflag:$0x2], $0x2000, $0x38;
	[tilespmem:$0x1E700] =	vst v63  }
0x47: {  	_ =	swait.ge [sflag:s22], $0x4000  }
0x48: {  	[sflag:s22] =	ssyncset.done $0x0  }
0x49: {  	[sflag:s22] =	ssyncadd.s32 $0xFFFFC000  }
0x4a: {  	_ =	swait.ge [sflag:s22], $0x2800  }
0x4b: {  	[sflag:s22] =	ssyncset.done $0x0  }
0x4c: {  	s29 =	simm.s32 $0x0;
	[sflag:s22] =	ssyncadd.s32 $0xFFFFD800  }
0x4d: {  	v2 =	vld [tilespmem:s29+$0x4680]  }
0x4e: {  	v4 =	vld [tilespmem:s29+$0x4690]  }
0x4f: {  	v5 =	vld [tilespmem:s29+$0x46A0]  }
0x50: {  	v6 =	vld [tilespmem:s29+$0x46B0]  }
0x51: {  	v0 =	vld [tilespmem:s29+$0x46C0]  }
0x52: {  	v1 =	vld [tilespmem:s29+$0x46D0]  }
0x53: {  	v13 =	vld [tilespmem:s29+$0x4600]  }
0x54: {  	v15 =	vld [tilespmem:s29+$0x4610]  }
0x55: {  	v12 =	vld [tilespmem:s29+$0x4620]  }
0x56: {  	v14 =	vld [tilespmem:s29+$0x4630]  }
0x57: {  	v3 =	vld [tilespmem:s29+$0x4640]  }
0x58: {  	v9 =	vld [tilespmem:s29+$0x4580]  }
0x59: {  	v10 =	vld [tilespmem:s29+$0x4590]  }
0x5a: {  	v11 =	vld [tilespmem:s29+$0x4500]  }
0x5b: {  	v17 =	vld [tilespmem:s29+$0x4510]  }
0x5c: {  	v18 =	vld [tilespmem:s29+$0x4520]  }
0x5d: {  	v19 =	vld [tilespmem:s29+$0x4530]  }
0x5e: {  	v20 =	vld [tilespmem:s29+$0x45A0]  }
0x5f: {  	v24 =	vld [tilespmem:s29+$0x45B0]  }
0x60: {  	v8 =	vimm.f32 $0.0e+00;
	v7 =	vld [tilespmem:s29+$0x4650]  }
0x61: {  	v16 =	vld [tilespmem:s29+$0x45C0];
	v11 =	vadd.f32 v11, v8;
	v22 =	vadd.f32 v17, v8  }
0x62: {  	v17 =	vld [tilespmem:s29+$0x45D0];
	v23 =	vadd.f32 v18, v8;
	v25 =	vadd.f32 v19, v8  }
0x63: {  	v18 =	vld [tilespmem:s29+$0x4540];
	v21 =	vadd.f32 v9, v11;
	v22 =	vadd.f32 v10, v22  }
0x64: {  	v19 =	vld [tilespmem:s29+$0x4550];
	v23 =	vadd.f32 v20, v23;
	v24 =	vadd.f32 v24, v25  }
0x65: {  	s30 =	simm.s32 $0x800;
	v20 =	vld [tilespmem:s29+$0x4560];
	v11 =	vimm.f32 $0.0e+00;
	v10 =	vimm.f32 $0.0e+00;
	v9 =	vimm.f32 $0.0e+00  }
.LBB2_2:
0x66: {  	p0 =	sne.s32 s30, $0x19800;
	v25 =	vld [tilespmem:s29+$0x4570];
	v13 =	vadd.f32 v13, v21;
	v15 =	vadd.f32 v15, v22  }
0x67: {  	v21 =	vld [tilespmem:s29+$0x45E0];
	v12 =	vadd.f32 v12, v23;
	v14 =	vadd.f32 v14, v24  }
0x68: {  	v22 =	vld [tilespmem:s29+$0x45F0];
	v23 =	vadd.f32 v2, v13;
	v24 =	vadd.f32 v4, v15  }
0x69: {  	v13 =	vld [tilespmem:s29+$0x4660];
	v26 =	vadd.f32 v5, v12;
	v27 =	vadd.f32 v6, v14  }
0x6a: {  	v2 =	vadd.f32 v18, v8;
	v4 =	vadd.f32 v19, v11;
	v6 =	vld [tilespmem:s29+$0x4670]  }
0x6b: {  	v5 =	vadd.f32 v20, v10;
	v8 =	vadd.f32 v25, v9;
	v9 =	vld [tilespmem:s29+$0x46E0]  }
0x6c: {  	v10 =	vadd.f32 v16, v2;
	v11 =	vadd.f32 v17, v4;
	v12 =	vld [tilespmem:s29+$0x46F0];
	s29 =	sshra.s32 s30, $0x2  }
0x6d: {  	v14 =	vadd.f32 v21, v5;
	v2 =	vld [tilespmem:s29+$0x4680];
	v8 =	vadd.f32 v22, v8  }
0x6e: {  	v3 =	vadd.f32 v3, v10;
	v7 =	vadd.f32 v7, v11;
	v4 =	vld [tilespmem:s29+$0x4690]  }
0x6f: {  	v10 =	vadd.f32 v13, v14;
	v5 =	vld [tilespmem:s29+$0x46A0];
	v13 =	vadd.f32 v6, v8  }
0x70: {  	v8 =	vadd.f32 v0, v3;
	v11 =	vadd.f32 v1, v7;
	v6 =	vld [tilespmem:s29+$0x46B0]  }
0x71: {  	v10 =	vadd.f32 v9, v10;
	v0 =	vld [tilespmem:s29+$0x46C0];
	v9 =	vadd.f32 v12, v13  }
0x72: {  	v1 =	vld [tilespmem:s29+$0x46D0]  }
0x73: {  	v13 =	vld [tilespmem:s29+$0x4600]  }
0x74: {  	v15 =	vld [tilespmem:s29+$0x4610]  }
0x75: {  	v12 =	vld [tilespmem:s29+$0x4620]  }
0x76: {  	v14 =	vld [tilespmem:s29+$0x4630]  }
0x77: {  	v3 =	vld [tilespmem:s29+$0x4640]  }
0x78: {  	v7 =	vld [tilespmem:s29+$0x4650]  }
0x79: {  	v20 =	vld [tilespmem:s29+$0x4580]  }
0x7a: {  	v22 =	vld [tilespmem:s29+$0x4590]  }
0x7b: {  	v17 =	vld [tilespmem:s29+$0x4500]  }
0x7c: {  	v18 =	vld [tilespmem:s29+$0x4510]  }
0x7d: {  	v19 =	vld [tilespmem:s29+$0x4520]  }
0x7e: {  	v21 =	vld [tilespmem:s29+$0x4530]  }
0x7f: {  	v25 =	vld [tilespmem:s29+$0x45A0]  }
0x80: {  	v28 =	vld [tilespmem:s29+$0x45B0]  }
.Ltmp0:
0x81: {  	v16 =	vld [tilespmem:s29+$0x45C0];
	(pc) =	sbr.rel @p0 .LBB2_2-.Ltmp0, $4  }
0x82: {  	v23 =	vadd.f32 v17, v23;
	v24 =	vadd.f32 v18, v24;
	v17 =	vld [tilespmem:s29+$0x45D0]  }
0x83: {  	v26 =	vadd.f32 v19, v26;
	v27 =	vadd.f32 v21, v27;
	v18 =	vld [tilespmem:s29+$0x4540]  }
0x84: {  	v21 =	vadd.f32 v20, v23;
	v22 =	vadd.f32 v22, v24;
	v19 =	vld [tilespmem:s29+$0x4550]  }
0x85: {  	s30 =	sadd.s32 $0x800, s30;
	v23 =	vadd.f32 v25, v26;
	v20 =	vld [tilespmem:s29+$0x4560];
	v24 =	vadd.f32 v28, v27  }
0x86: {  	v13 =	vadd.f32 v13, v21;
	v15 =	vadd.f32 v15, v22  }
0x87: {  	v25 =	vld [tilespmem:s29+$0x4570];
	v12 =	vadd.f32 v12, v23;
	v14 =	vadd.f32 v14, v24  }
0x88: {  	v21 =	vld [tilespmem:s29+$0x45E0];
	v2 =	vadd.f32 v2, v13;
	v4 =	vadd.f32 v4, v15  }
0x89: {  	v22 =	vld [tilespmem:s29+$0x45F0];
	v8 =	vadd.f32 v18, v8;
	v5 =	vadd.f32 v5, v12  }
0x8a: {  	v13 =	vld [tilespmem:s29+$0x4660];
	v6 =	vadd.f32 v6, v14;
	v11 =	vadd.f32 v19, v11  }
0x8b: {  	v12 =	vld [tilespmem:s29+$0x4670];
	v10 =	vadd.f32 v20, v10;
	v8 =	vadd.f32 v16, v8  }
0x8c: {  	v14 =	vld [tilespmem:s29+$0x46E0];
	v9 =	vadd.f32 v25, v9;
	v11 =	vadd.f32 v17, v11  }
0x8d: {  	v15 =	vld [tilespmem:s29+$0x46F0];
	[tilespmem:$0x1E500] =	vst v2;
	v10 =	vadd.f32 v21, v10;
	v3 =	vadd.f32 v3, v8  }
0x8e: {  	[tilespmem:$0x1E510] =	vst v4;
	v2 =	vadd.f32 v22, v9;
	v7 =	vadd.f32 v7, v11  }
0x8f: {  	[tilespmem:$0x1E520] =	vst v5;
	v4 =	vadd.f32 v13, v10;
	v0 =	vadd.f32 v0, v3  }
0x90: {  	[tilespmem:$0x1E530] =	vst v6;
	v2 =	vadd.f32 v12, v2;
	v1 =	vadd.f32 v1, v7  }
0x91: {  	v3 =	vadd.f32 v14, v4;
	[tilespmem:$0x1E540] =	vst v0  }
0x92: {  	v0 =	vadd.f32 v15, v2;
	[tilespmem:$0x1E550] =	vst v1  }
0x93: {  	[tilespmem:$0x1E560] =	vst v3  }
0x94: {  	[tilespmem:$0x1E570] =	vst v0  }
0x95: {  	_ =	swait.ge [sflag:s23], $0x4000  }
0x96: {  	[sflag:s23] =	ssyncset.done $0x0  }
0x97: {  	[sflag:s23] =	ssyncadd.s32 $0xFFFFC000  }
0x98: {  	_ =	swait.ge [sflag:s23], $0x2800  }
0x99: {  	[sflag:s23] =	ssyncset.done $0x0  }
0x9a: {  	s29 =	simm.s32 $0x0;
	[sflag:s23] =	ssyncadd.s32 $0xFFFFD800  }
0x9b: {  	v2 =	vld [tilespmem:s29+$0xAE80]  }
0x9c: {  	v4 =	vld [tilespmem:s29+$0xAE90]  }
0x9d: {  	v5 =	vld [tilespmem:s29+$0xAEA0]  }
0x9e: {  	v6 =	vld [tilespmem:s29+$0xAEB0]  }
0x9f: {  	v0 =	vld [tilespmem:s29+$0xAEC0]  }
0xa0: {  	v1 =	vld [tilespmem:s29+$0xAED0]  }
0xa1: {  	v13 =	vld [tilespmem:s29+$0xAE00]  }
0xa2: {  	v15 =	vld [tilespmem:s29+$0xAE10]  }
0xa3: {  	v12 =	vld [tilespmem:s29+$0xAE20]  }
0xa4: {  	v14 =	vld [tilespmem:s29+$0xAE30]  }
0xa5: {  	v3 =	vld [tilespmem:s29+$0xAE40]  }
0xa6: {  	v9 =	vld [tilespmem:s29+$0xAD80]  }
0xa7: {  	v10 =	vld [tilespmem:s29+$0xAD90]  }
0xa8: {  	v11 =	vld [tilespmem:s29+$0xAD00]  }
0xa9: {  	v17 =	vld [tilespmem:s29+$0xAD10]  }
0xaa: {  	v18 =	vld [tilespmem:s29+$0xAD20]  }
0xab: {  	v19 =	vld [tilespmem:s29+$0xAD30]  }
0xac: {  	v20 =	vld [tilespmem:s29+$0xADA0]  }
0xad: {  	v24 =	vld [tilespmem:s29+$0xADB0]  }
0xae: {  	v8 =	vimm.f32 $0.0e+00;
	v7 =	vld [tilespmem:s29+$0xAE50]  }
0xaf: {  	v16 =	vld [tilespmem:s29+$0xADC0];
	v11 =	vadd.f32 v11, v8;
	v22 =	vadd.f32 v17, v8  }
0xb0: {  	v17 =	vld [tilespmem:s29+$0xADD0];
	v23 =	vadd.f32 v18, v8;
	v25 =	vadd.f32 v19, v8  }
0xb1: {  	v18 =	vld [tilespmem:s29+$0xAD40];
	v21 =	vadd.f32 v9, v11;
	v22 =	vadd.f32 v10, v22  }
0xb2: {  	v19 =	vld [tilespmem:s29+$0xAD50];
	v23 =	vadd.f32 v20, v23;
	v24 =	vadd.f32 v24, v25  }
0xb3: {  	s30 =	simm.s32 $0x800;
	v20 =	vld [tilespmem:s29+$0xAD60];
	v11 =	vimm.f32 $0.0e+00;
	v10 =	vimm.f32 $0.0e+00;
	v9 =	vimm.f32 $0.0e+00  }
.LBB2_4:
0xb4: {  	p0 =	sne.s32 s30, $0x19800;
	v25 =	vld [tilespmem:s29+$0xAD70];
	v13 =	vadd.f32 v13, v21;
	v15 =	vadd.f32 v15, v22  }
0xb5: {  	v21 =	vld [tilespmem:s29+$0xADE0];
	v12 =	vadd.f32 v12, v23;
	v14 =	vadd.f32 v14, v24  }
0xb6: {  	v22 =	vld [tilespmem:s29+$0xADF0];
	v23 =	vadd.f32 v2, v13;
	v24 =	vadd.f32 v4, v15  }
0xb7: {  	v13 =	vld [tilespmem:s29+$0xAE60];
	v26 =	vadd.f32 v5, v12;
	v27 =	vadd.f32 v6, v14  }
0xb8: {  	v2 =	vadd.f32 v18, v8;
	v4 =	vadd.f32 v19, v11;
	v6 =	vld [tilespmem:s29+$0xAE70]  }
0xb9: {  	v5 =	vadd.f32 v20, v10;
	v8 =	vadd.f32 v25, v9;
	v9 =	vld [tilespmem:s29+$0xAEE0]  }
0xba: {  	v10 =	vadd.f32 v16, v2;
	v11 =	vadd.f32 v17, v4;
	v12 =	vld [tilespmem:s29+$0xAEF0];
	s29 =	sshra.s32 s30, $0x2  }
0xbb: {  	v14 =	vadd.f32 v21, v5;
	v2 =	vld [tilespmem:s29+$0xAE80];
	v8 =	vadd.f32 v22, v8  }
0xbc: {  	v3 =	vadd.f32 v3, v10;
	v7 =	vadd.f32 v7, v11;
	v4 =	vld [tilespmem:s29+$0xAE90]  }
0xbd: {  	v10 =	vadd.f32 v13, v14;
	v5 =	vld [tilespmem:s29+$0xAEA0];
	v13 =	vadd.f32 v6, v8  }
0xbe: {  	v8 =	vadd.f32 v0, v3;
	v11 =	vadd.f32 v1, v7;
	v6 =	vld [tilespmem:s29+$0xAEB0]  }
0xbf: {  	v10 =	vadd.f32 v9, v10;
	v0 =	vld [tilespmem:s29+$0xAEC0];
	v9 =	vadd.f32 v12, v13  }
0xc0: {  	v1 =	vld [tilespmem:s29+$0xAED0]  }
0xc1: {  	v13 =	vld [tilespmem:s29+$0xAE00]  }
0xc2: {  	v15 =	vld [tilespmem:s29+$0xAE10]  }
0xc3: {  	v12 =	vld [tilespmem:s29+$0xAE20]  }
0xc4: {  	v14 =	vld [tilespmem:s29+$0xAE30]  }
0xc5: {  	v3 =	vld [tilespmem:s29+$0xAE40]  }
0xc6: {  	v7 =	vld [tilespmem:s29+$0xAE50]  }
0xc7: {  	v20 =	vld [tilespmem:s29+$0xAD80]  }
0xc8: {  	v22 =	vld [tilespmem:s29+$0xAD90]  }
0xc9: {  	v17 =	vld [tilespmem:s29+$0xAD00]  }
0xca: {  	v18 =	vld [tilespmem:s29+$0xAD10]  }
0xcb: {  	v19 =	vld [tilespmem:s29+$0xAD20]  }
0xcc: {  	v21 =	vld [tilespmem:s29+$0xAD30]  }
0xcd: {  	v25 =	vld [tilespmem:s29+$0xADA0]  }
0xce: {  	v28 =	vld [tilespmem:s29+$0xADB0]  }
.Ltmp1:
0xcf: {  	v16 =	vld [tilespmem:s29+$0xADC0];
	(pc) =	sbr.rel @p0 .LBB2_4-.Ltmp1, $4  }
0xd0: {  	v23 =	vadd.f32 v17, v23;
	v24 =	vadd.f32 v18, v24;
	v17 =	vld [tilespmem:s29+$0xADD0]  }
0xd1: {  	v26 =	vadd.f32 v19, v26;
	v27 =	vadd.f32 v21, v27;
	v18 =	vld [tilespmem:s29+$0xAD40]  }
0xd2: {  	v21 =	vadd.f32 v20, v23;
	v22 =	vadd.f32 v22, v24;
	v19 =	vld [tilespmem:s29+$0xAD50]  }
0xd3: {  	s30 =	sadd.s32 $0x800, s30;
	v23 =	vadd.f32 v25, v26;
	v20 =	vld [tilespmem:s29+$0xAD60];
	v24 =	vadd.f32 v28, v27  }
0xd4: {  	v13 =	vadd.f32 v13, v21;
	v15 =	vadd.f32 v15, v22  }
0xd5: {  	v25 =	vld [tilespmem:s29+$0xAD70];
	v12 =	vadd.f32 v12, v23;
	v14 =	vadd.f32 v14, v24  }
0xd6: {  	v21 =	vld [tilespmem:s29+$0xADE0];
	v2 =	vadd.f32 v2, v13;
	v4 =	vadd.f32 v4, v15  }
0xd7: {  	v22 =	vld [tilespmem:s29+$0xADF0];
	v8 =	vadd.f32 v18, v8;
	v5 =	vadd.f32 v5, v12  }
0xd8: {  	v13 =	vld [tilespmem:s29+$0xAE60];
	v6 =	vadd.f32 v6, v14;
	v11 =	vadd.f32 v19, v11  }
0xd9: {  	v12 =	vld [tilespmem:s29+$0xAE70];
	v10 =	vadd.f32 v20, v10;
	v8 =	vadd.f32 v16, v8  }
0xda: {  	v14 =	vld [tilespmem:s29+$0xAEE0];
	v9 =	vadd.f32 v25, v9;
	v11 =	vadd.f32 v17, v11  }
0xdb: {  	v15 =	vld [tilespmem:s29+$0xAEF0];
	[tilespmem:$0x1E580] =	vst v2;
	v10 =	vadd.f32 v21, v10;
	v3 =	vadd.f32 v3, v8  }
0xdc: {  	[tilespmem:$0x1E590] =	vst v4;
	v2 =	vadd.f32 v22, v9;
	v7 =	vadd.f32 v7, v11  }
0xdd: {  	[tilespmem:$0x1E5A0] =	vst v5;
	v4 =	vadd.f32 v13, v10;
	v0 =	vadd.f32 v0, v3  }
0xde: {  	[tilespmem:$0x1E5B0] =	vst v6;
	v2 =	vadd.f32 v12, v2;
	v1 =	vadd.f32 v1, v7  }
0xdf: {  	v3 =	vadd.f32 v14, v4;
	[tilespmem:$0x1E5C0] =	vst v0  }
0xe0: {  	v0 =	vadd.f32 v15, v2;
	[tilespmem:$0x1E5D0] =	vst v1  }
0xe1: {  	[tilespmem:$0x1E5E0] =	vst v3  }
0xe2: {  	[tilespmem:$0x1E5F0] =	vst v0  }
0xe3: {  	_ =	swait.ge [sflag:s24], $0x4000  }
0xe4: {  	[sflag:s24] =	ssyncset.done $0x0  }
0xe5: {  	[sflag:s24] =	ssyncadd.s32 $0xFFFFC000  }
0xe6: {  	_ =	swait.ge [sflag:s24], $0x2800  }
0xe7: {  	[sflag:s24] =	ssyncset.done $0x0  }
0xe8: {  	s29 =	simm.s32 $0x0;
	[sflag:s24] =	ssyncadd.s32 $0xFFFFD800  }
0xe9: {  	v2 =	vld [tilespmem:s29+$0x11680]  }
0xea: {  	v4 =	vld [tilespmem:s29+$0x11690]  }
0xeb: {  	v5 =	vld [tilespmem:s29+$0x116A0]  }
0xec: {  	v6 =	vld [tilespmem:s29+$0x116B0]  }
0xed: {  	v0 =	vld [tilespmem:s29+$0x116C0]  }
0xee: {  	v1 =	vld [tilespmem:s29+$0x116D0]  }
0xef: {  	v13 =	vld [tilespmem:s29+$0x11600]  }
0xf0: {  	v15 =	vld [tilespmem:s29+$0x11610]  }
0xf1: {  	v12 =	vld [tilespmem:s29+$0x11620]  }
0xf2: {  	v14 =	vld [tilespmem:s29+$0x11630]  }
0xf3: {  	v3 =	vld [tilespmem:s29+$0x11640]  }
0xf4: {  	v9 =	vld [tilespmem:s29+$0x11580]  }
0xf5: {  	v10 =	vld [tilespmem:s29+$0x11590]  }
0xf6: {  	v11 =	vld [tilespmem:s29+$0x11500]  }
0xf7: {  	v17 =	vld [tilespmem:s29+$0x11510]  }
0xf8: {  	v18 =	vld [tilespmem:s29+$0x11520]  }
0xf9: {  	v19 =	vld [tilespmem:s29+$0x11530]  }
0xfa: {  	v20 =	vld [tilespmem:s29+$0x115A0]  }
0xfb: {  	v24 =	vld [tilespmem:s29+$0x115B0]  }
0xfc: {  	v8 =	vimm.f32 $0.0e+00;
	v7 =	vld [tilespmem:s29+$0x11650]  }
0xfd: {  	v16 =	vld [tilespmem:s29+$0x115C0];
	v11 =	vadd.f32 v11, v8;
	v22 =	vadd.f32 v17, v8  }
0xfe: {  	v17 =	vld [tilespmem:s29+$0x115D0];
	v23 =	vadd.f32 v18, v8;
	v25 =	vadd.f32 v19, v8  }
0xff: {  	v18 =	vld [tilespmem:s29+$0x11540];
	v21 =	vadd.f32 v9, v11;
	v22 =	vadd.f32 v10, v22  }
0x100: {  	v19 =	vld [tilespmem:s29+$0x11550];
	v23 =	vadd.f32 v20, v23;
	v24 =	vadd.f32 v24, v25  }
0x101: {  	s30 =	simm.s32 $0x800;
	v20 =	vld [tilespmem:s29+$0x11560];
	v11 =	vimm.f32 $0.0e+00;
	v10 =	vimm.f32 $0.0e+00;
	v9 =	vimm.f32 $0.0e+00  }
.LBB2_6:
0x102: {  	p0 =	sne.s32 s30, $0x19800;
	v25 =	vld [tilespmem:s29+$0x11570];
	v13 =	vadd.f32 v13, v21;
	v15 =	vadd.f32 v15, v22  }
0x103: {  	v21 =	vld [tilespmem:s29+$0x115E0];
	v12 =	vadd.f32 v12, v23;
	v14 =	vadd.f32 v14, v24  }
0x104: {  	v22 =	vld [tilespmem:s29+$0x115F0];
	v23 =	vadd.f32 v2, v13;
	v24 =	vadd.f32 v4, v15  }
0x105: {  	v13 =	vld [tilespmem:s29+$0x11660];
	v26 =	vadd.f32 v5, v12;
	v27 =	vadd.f32 v6, v14  }
0x106: {  	v2 =	vadd.f32 v18, v8;
	v4 =	vadd.f32 v19, v11;
	v6 =	vld [tilespmem:s29+$0x11670]  }
0x107: {  	v5 =	vadd.f32 v20, v10;
	v8 =	vadd.f32 v25, v9;
	v9 =	vld [tilespmem:s29+$0x116E0]  }
0x108: {  	v10 =	vadd.f32 v16, v2;
	v11 =	vadd.f32 v17, v4;
	v12 =	vld [tilespmem:s29+$0x116F0];
	s29 =	sshra.s32 s30, $0x2  }
0x109: {  	v14 =	vadd.f32 v21, v5;
	v2 =	vld [tilespmem:s29+$0x11680];
	v8 =	vadd.f32 v22, v8  }
0x10a: {  	v3 =	vadd.f32 v3, v10;
	v7 =	vadd.f32 v7, v11;
	v4 =	vld [tilespmem:s29+$0x11690]  }
0x10b: {  	v10 =	vadd.f32 v13, v14;
	v5 =	vld [tilespmem:s29+$0x116A0];
	v13 =	vadd.f32 v6, v8  }
0x10c: {  	v8 =	vadd.f32 v0, v3;
	v11 =	vadd.f32 v1, v7;
	v6 =	vld [tilespmem:s29+$0x116B0]  }
0x10d: {  	v10 =	vadd.f32 v9, v10;
	v0 =	vld [tilespmem:s29+$0x116C0];
	v9 =	vadd.f32 v12, v13  }
0x10e: {  	v1 =	vld [tilespmem:s29+$0x116D0]  }
0x10f: {  	v13 =	vld [tilespmem:s29+$0x11600]  }
0x110: {  	v15 =	vld [tilespmem:s29+$0x11610]  }
0x111: {  	v12 =	vld [tilespmem:s29+$0x11620]  }
0x112: {  	v14 =	vld [tilespmem:s29+$0x11630]  }
0x113: {  	v3 =	vld [tilespmem:s29+$0x11640]  }
0x114: {  	v7 =	vld [tilespmem:s29+$0x11650]  }
0x115: {  	v20 =	vld [tilespmem:s29+$0x11580]  }
0x116: {  	v22 =	vld [tilespmem:s29+$0x11590]  }
0x117: {  	v17 =	vld [tilespmem:s29+$0x11500]  }
0x118: {  	v18 =	vld [tilespmem:s29+$0x11510]  }
0x119: {  	v19 =	vld [tilespmem:s29+$0x11520]  }
0x11a: {  	v21 =	vld [tilespmem:s29+$0x11530]  }
0x11b: {  	v25 =	vld [tilespmem:s29+$0x115A0]  }
0x11c: {  	v28 =	vld [tilespmem:s29+$0x115B0]  }
.Ltmp2:
0x11d: {  	v16 =	vld [tilespmem:s29+$0x115C0];
	(pc) =	sbr.rel @p0 .LBB2_6-.Ltmp2, $4  }
0x11e: {  	v23 =	vadd.f32 v17, v23;
	v24 =	vadd.f32 v18, v24;
	v17 =	vld [tilespmem:s29+$0x115D0]  }
0x11f: {  	v26 =	vadd.f32 v19, v26;
	v27 =	vadd.f32 v21, v27;
	v18 =	vld [tilespmem:s29+$0x11540]  }
0x120: {  	v21 =	vadd.f32 v20, v23;
	v22 =	vadd.f32 v22, v24;
	v19 =	vld [tilespmem:s29+$0x11550]  }
0x121: {  	s30 =	sadd.s32 $0x800, s30;
	v23 =	vadd.f32 v25, v26;
	v20 =	vld [tilespmem:s29+$0x11560];
	v24 =	vadd.f32 v28, v27  }
0x122: {  	v13 =	vadd.f32 v13, v21;
	v15 =	vadd.f32 v15, v22  }
0x123: {  	v25 =	vld [tilespmem:s29+$0x11570];
	v12 =	vadd.f32 v12, v23;
	v14 =	vadd.f32 v14, v24  }
0x124: {  	v21 =	vld [tilespmem:s29+$0x115E0];
	v2 =	vadd.f32 v2, v13;
	v4 =	vadd.f32 v4, v15  }
0x125: {  	v22 =	vld [tilespmem:s29+$0x115F0];
	v8 =	vadd.f32 v18, v8;
	v5 =	vadd.f32 v5, v12  }
0x126: {  	v13 =	vld [tilespmem:s29+$0x11660];
	v6 =	vadd.f32 v6, v14;
	v11 =	vadd.f32 v19, v11  }
0x127: {  	v12 =	vld [tilespmem:s29+$0x11670];
	v10 =	vadd.f32 v20, v10;
	v8 =	vadd.f32 v16, v8  }
0x128: {  	v14 =	vld [tilespmem:s29+$0x116E0];
	v9 =	vadd.f32 v25, v9;
	v11 =	vadd.f32 v17, v11  }
0x129: {  	v15 =	vld [tilespmem:s29+$0x116F0];
	[tilespmem:$0x1E600] =	vst v2;
	v10 =	vadd.f32 v21, v10;
	v3 =	vadd.f32 v3, v8  }
0x12a: {  	[tilespmem:$0x1E610] =	vst v4;
	v2 =	vadd.f32 v22, v9;
	v7 =	vadd.f32 v7, v11  }
0x12b: {  	[tilespmem:$0x1E620] =	vst v5;
	v4 =	vadd.f32 v13, v10;
	v0 =	vadd.f32 v0, v3  }
0x12c: {  	[tilespmem:$0x1E630] =	vst v6;
	v2 =	vadd.f32 v12, v2;
	v1 =	vadd.f32 v1, v7  }
0x12d: {  	v3 =	vadd.f32 v14, v4;
	[tilespmem:$0x1E640] =	vst v0  }
0x12e: {  	v0 =	vadd.f32 v15, v2;
	[tilespmem:$0x1E650] =	vst v1  }
0x12f: {  	[tilespmem:$0x1E660] =	vst v3  }
0x130: {  	[tilespmem:$0x1E670] =	vst v0  }
0x131: {  	_ =	swait.ge [sflag:s25], $0x4000  }
0x132: {  	[sflag:s25] =	ssyncset.done $0x0  }
0x133: {  	[sflag:s25] =	ssyncadd.s32 $0xFFFFC000  }
0x134: {  	_ =	swait.ge [sflag:s25], $0x2800  }
0x135: {  	[sflag:s25] =	ssyncset.done $0x0  }
0x136: {  	s29 =	simm.s32 $0x0;
	[sflag:s25] =	ssyncadd.s32 $0xFFFFD800  }
0x137: {  	v2 =	vld [tilespmem:s29+$0x17E80]  }
0x138: {  	v4 =	vld [tilespmem:s29+$0x17E90]  }
0x139: {  	v5 =	vld [tilespmem:s29+$0x17EA0]  }
0x13a: {  	v6 =	vld [tilespmem:s29+$0x17EB0]  }
0x13b: {  	v0 =	vld [tilespmem:s29+$0x17EC0]  }
0x13c: {  	v1 =	vld [tilespmem:s29+$0x17ED0]  }
0x13d: {  	v13 =	vld [tilespmem:s29+$0x17E00]  }
0x13e: {  	v15 =	vld [tilespmem:s29+$0x17E10]  }
0x13f: {  	v12 =	vld [tilespmem:s29+$0x17E20]  }
0x140: {  	v14 =	vld [tilespmem:s29+$0x17E30]  }
0x141: {  	v3 =	vld [tilespmem:s29+$0x17E40]  }
0x142: {  	v9 =	vld [tilespmem:s29+$0x17D80]  }
0x143: {  	v10 =	vld [tilespmem:s29+$0x17D90]  }
0x144: {  	v11 =	vld [tilespmem:s29+$0x17D00]  }
0x145: {  	v17 =	vld [tilespmem:s29+$0x17D10]  }
0x146: {  	v18 =	vld [tilespmem:s29+$0x17D20]  }
0x147: {  	v19 =	vld [tilespmem:s29+$0x17D30]  }
0x148: {  	v20 =	vld [tilespmem:s29+$0x17DA0]  }
0x149: {  	v24 =	vld [tilespmem:s29+$0x17DB0]  }
0x14a: {  	v8 =	vimm.f32 $0.0e+00;
	v7 =	vld [tilespmem:s29+$0x17E50]  }
0x14b: {  	v16 =	vld [tilespmem:s29+$0x17DC0];
	v11 =	vadd.f32 v11, v8;
	v22 =	vadd.f32 v17, v8  }
0x14c: {  	v17 =	vld [tilespmem:s29+$0x17DD0];
	v23 =	vadd.f32 v18, v8;
	v25 =	vadd.f32 v19, v8  }
0x14d: {  	v18 =	vld [tilespmem:s29+$0x17D40];
	v21 =	vadd.f32 v9, v11;
	v22 =	vadd.f32 v10, v22  }
0x14e: {  	v19 =	vld [tilespmem:s29+$0x17D50];
	v23 =	vadd.f32 v20, v23;
	v24 =	vadd.f32 v24, v25  }
0x14f: {  	s30 =	simm.s32 $0x800;
	v20 =	vld [tilespmem:s29+$0x17D60];
	v11 =	vimm.f32 $0.0e+00;
	v10 =	vimm.f32 $0.0e+00;
	v9 =	vimm.f32 $0.0e+00  }
.LBB2_8:
0x150: {  	p0 =	sne.s32 s30, $0x19800;
	v25 =	vld [tilespmem:s29+$0x17D70];
	v13 =	vadd.f32 v13, v21;
	v15 =	vadd.f32 v15, v22  }
0x151: {  	v21 =	vld [tilespmem:s29+$0x17DE0];
	v12 =	vadd.f32 v12, v23;
	v14 =	vadd.f32 v14, v24  }
0x152: {  	v22 =	vld [tilespmem:s29+$0x17DF0];
	v23 =	vadd.f32 v2, v13;
	v24 =	vadd.f32 v4, v15  }
0x153: {  	v13 =	vld [tilespmem:s29+$0x17E60];
	v26 =	vadd.f32 v5, v12;
	v27 =	vadd.f32 v6, v14  }
0x154: {  	v2 =	vadd.f32 v18, v8;
	v4 =	vadd.f32 v19, v11;
	v6 =	vld [tilespmem:s29+$0x17E70]  }
0x155: {  	v5 =	vadd.f32 v20, v10;
	v8 =	vadd.f32 v25, v9;
	v9 =	vld [tilespmem:s29+$0x17EE0]  }
0x156: {  	v10 =	vadd.f32 v16, v2;
	v11 =	vadd.f32 v17, v4;
	v12 =	vld [tilespmem:s29+$0x17EF0];
	s29 =	sshra.s32 s30, $0x2  }
0x157: {  	v14 =	vadd.f32 v21, v5;
	v2 =	vld [tilespmem:s29+$0x17E80];
	v8 =	vadd.f32 v22, v8  }
0x158: {  	v3 =	vadd.f32 v3, v10;
	v7 =	vadd.f32 v7, v11;
	v4 =	vld [tilespmem:s29+$0x17E90]  }
0x159: {  	v10 =	vadd.f32 v13, v14;
	v5 =	vld [tilespmem:s29+$0x17EA0];
	v13 =	vadd.f32 v6, v8  }
0x15a: {  	v8 =	vadd.f32 v0, v3;
	v11 =	vadd.f32 v1, v7;
	v6 =	vld [tilespmem:s29+$0x17EB0]  }
0x15b: {  	v10 =	vadd.f32 v9, v10;
	v0 =	vld [tilespmem:s29+$0x17EC0];
	v9 =	vadd.f32 v12, v13  }
0x15c: {  	v1 =	vld [tilespmem:s29+$0x17ED0]  }
0x15d: {  	v13 =	vld [tilespmem:s29+$0x17E00]  }
0x15e: {  	v15 =	vld [tilespmem:s29+$0x17E10]  }
0x15f: {  	v12 =	vld [tilespmem:s29+$0x17E20]  }
0x160: {  	v14 =	vld [tilespmem:s29+$0x17E30]  }
0x161: {  	v3 =	vld [tilespmem:s29+$0x17E40]  }
0x162: {  	v7 =	vld [tilespmem:s29+$0x17E50]  }
0x163: {  	v20 =	vld [tilespmem:s29+$0x17D80]  }
0x164: {  	v22 =	vld [tilespmem:s29+$0x17D90]  }
0x165: {  	v17 =	vld [tilespmem:s29+$0x17D00]  }
0x166: {  	v18 =	vld [tilespmem:s29+$0x17D10]  }
0x167: {  	v19 =	vld [tilespmem:s29+$0x17D20]  }
0x168: {  	v21 =	vld [tilespmem:s29+$0x17D30]  }
0x169: {  	v25 =	vld [tilespmem:s29+$0x17DA0]  }
0x16a: {  	v28 =	vld [tilespmem:s29+$0x17DB0]  }
.Ltmp3:
0x16b: {  	v16 =	vld [tilespmem:s29+$0x17DC0];
	(pc) =	sbr.rel @p0 .LBB2_8-.Ltmp3, $4  }
0x16c: {  	v23 =	vadd.f32 v17, v23;
	v24 =	vadd.f32 v18, v24;
	v17 =	vld [tilespmem:s29+$0x17DD0]  }
0x16d: {  	v26 =	vadd.f32 v19, v26;
	v27 =	vadd.f32 v21, v27;
	v18 =	vld [tilespmem:s29+$0x17D40]  }
0x16e: {  	v21 =	vadd.f32 v20, v23;
	v22 =	vadd.f32 v22, v24;
	v19 =	vld [tilespmem:s29+$0x17D50]  }
0x16f: {  	s30 =	sadd.s32 $0x800, s30;
	v23 =	vadd.f32 v25, v26;
	v20 =	vld [tilespmem:s29+$0x17D60];
	v24 =	vadd.f32 v28, v27  }
0x170: {  	v13 =	vadd.f32 v13, v21;
	v15 =	vadd.f32 v15, v22  }
0x171: {  	v25 =	vld [tilespmem:s29+$0x17D70];
	v12 =	vadd.f32 v12, v23;
	v14 =	vadd.f32 v14, v24  }
0x172: {  	v54 =	vld [tilespmem:s29+$0x17DE0];
	v2 =	vadd.f32 v2, v13;
	v4 =	vadd.f32 v4, v15  }
0x173: {  	v55 =	vld [tilespmem:s29+$0x17DF0];
	v8 =	vadd.f32 v18, v8;
	v5 =	vadd.f32 v5, v12  }
0x174: {  	v56 =	vld [tilespmem:s29+$0x17E60];
	v6 =	vadd.f32 v6, v14;
	v11 =	vadd.f32 v19, v11  }
0x175: {  	v57 =	vld [tilespmem:s29+$0x17E70];
	v10 =	vadd.f32 v20, v10;
	v8 =	vadd.f32 v16, v8  }
0x176: {  	v58 =	vld [tilespmem:s29+$0x17EE0];
	v9 =	vadd.f32 v25, v9;
	v11 =	vadd.f32 v17, v11  }
0x177: {  	v59 =	vld [tilespmem:s29+$0x17EF0];
	[tilespmem:$0x1E680] =	vst v2;
	v10 =	vadd.f32 v54, v10;
	v3 =	vadd.f32 v3, v8  }
0x178: {  	[tilespmem:$0x1E690] =	vst v4;
	v60 =	vadd.f32 v55, v9;
	v7 =	vadd.f32 v7, v11  }
0x179: {  	[tilespmem:$0x1E6A0] =	vst v5;
	v61 =	vadd.f32 v56, v10;
	v0 =	vadd.f32 v0, v3  }
0x17a: {  	[tilespmem:$0x1E6B0] =	vst v6;
	v2 =	vadd.f32 v57, v60;
	v1 =	vadd.f32 v1, v7  }
0x17b: {  	v62 =	vadd.f32 v58, v61;
	[tilespmem:$0x1E6C0] =	vst v0  }
0x17c: {  	v63 =	vadd.f32 v59, v2;
	[tilespmem:$0x1E6D0] =	vst v1  }
0x17d: {  	[tilespmem:$0x1E6E0] =	vst v62  }
0x17e: {  	[tilespmem:$0x1E6F0] =	vst v63  }
0x17f: {  	[hbm4b:s10+s3] =	stream.linear.scatter [tilespmem:s26], [sflag:$0x7], $0x200, $0x38;
	[tilespmem:$0x1E700] =	vst v63  }
0x180: {  	_ =	swait.ge [sflag:s12], $0x200  }
0x181: {  	[sflag:s12] =	ssyncset.done $0x0  }
0x182: {  	s28 =	sadd.s32 $0x1, s28;
	[sflag:s12] =	ssyncadd.s32 $0xFFFFFE00  }
0x183: {  	p0 =	sne.s32 s28, s11;
	_ =	swait.ge [sflag:s20], $0x2000  }
.Ltmp4:
0x184: {  	[sflag:s20] =	ssyncset.done $0x0;
	(pc) =	sbr.rel @p0 .LBB2_1-.Ltmp4, $4  }
0x185: {  	[sflag:s20] =	ssyncadd.s32 $0xFFFFE000  }
0x186: {  	_ =	swait.ge [sflag:s20], $0x2000  }
0x187: {  	[sflag:s20] =	ssyncset.done $0x0  }
0x188: {  	[sflag:s20] =	ssyncadd.s32 $0xFFFFE000  }
0x189: {  	_ =	sfence.sel $0x180000  }
0x18a: {  	[bflag:$0x0] =	sbarrier.arrive $0xFFFF  }
0x18b: {  	_ =	strace $0x90000047  }
0x18c: {  	s0 =	stileid.u32;
	[bflag:$0x2] =	sbarrier.arrive $0xFFFF  }
0x18d: {  	p0 =	sne.s32 s0, $0x0;
	s0 =	rddreg [dreg:$0x2]  }
0x18e: {  	s0 =	sadd.s32 @!p0 $0x100000, s0  }
0x18f: {  	[sflag:s0] =	ssyncadd.tile.s32 @!p0 $0x1;
	_ =	shalt  }
.Lfunc_end2:
_tile_overlayer_lowered:
.L_overlay_start_2:
0x190: {  	(tag) =	ssettag $0x2  }
0x191: {  	s0 =	rddreg [dreg:$0x0];
	s2 =	stileid.u32  }
0x192: {  	s1 =	rddreg [dreg:$0x1];
	p0 =	sne.s32 s2, $0x0  }
0x193: {  	s3 =	rddreg [dreg:$0x2];
	[bflag:$0x3] =	sbarrier.arrive $0xFFFF;
	s2 =	simm.s32 @!p0 $0x1C07  }
0x194: {  	[timem:s3], [sflag:s2] =	dma.local @!p0 [hbm:s0], s1  }
0x195: {  	s0 =	simm.s32 @!p0 $0x7  }
0x196: {  	_ =	swait.ge @!p0 [sflag:s0], s1  }
0x197: {  	s1 =	ssub.s32 @!p0 $0x0, s1;
	[sflag:s0] =	ssyncset.done @!p0 $0x0  }
0x198: {  	[sflag:s0] =	ssyncadd.s32 @!p0 s1  }
0x199: {  	[bflag:$0x3] =	sbarrier.arrive $0xFFFF  }
0x19a: {  	_ =	shalt  }

</sc_bundles>
